<compile_context>
chip_gen: v7x
topology: tpu7x:2x2x1
jax: 0.10.2.dev20260603
libtpu: 0.0.44.dev20260713+nightly
codegen_flags: <defaults>
</compile_context>

<pallas_src>
import jax
import jax.numpy as jnp
from jax import lax
from jax.experimental import pallas as pl
from jax.experimental.pallas import tpu as pltpu
from jax.experimental.pallas import tpu_sc as plsc

N = 10000
E = 320000
F = 128
C = 128
NG = 16
NC = 2
NS = 16
NW = NC * NS
N_PAD = 10240
EPW = E // NW
KD = 128
NCHD = 78
KA = 128
HEP = 4992
NCHH = 39
TB = 9984
TAIL = 16
RPT = N_PAD // NS
BLK = 2048


def _mesh():
  return plsc.VectorSubcoreMesh(core_axis_name="c", subcore_axis_name="s")


def _sc_deg_body(ei_hbm, zeros_hbm, ones_hbm, out_hbm,
                 deg_sh, idx_v, ones_v, sem):
  c = lax.axis_index("c")
  s = lax.axis_index("s")
  wid = c * NS + s
  pltpu.sync_copy(zeros_hbm.at[pl.ds(s * RPT, RPT)],
                  deg_sh.at[pl.ds(s * RPT, RPT)])
  pltpu.sync_copy(ones_hbm, ones_v)
  pltpu.sync_copy(ei_hbm.at[0, wid], idx_v)
  plsc.subcore_barrier()

  def fire(i, carry):
    pltpu.async_copy(ones_v, deg_sh.at[idx_v.at[pl.ds(i * KD, KD)]], sem,
                     add=True)
    return carry

  lax.fori_loop(0, NCHD, fire, 0)
  pltpu.async_copy(ones_v.at[pl.ds(0, TAIL)],
                   deg_sh.at[idx_v.at[pl.ds(TB, TAIL)]], sem, add=True)

  def drain(i, carry):
    pltpu.make_async_copy(ones_v, deg_sh.at[idx_v.at[pl.ds(0, KD)]],
                          sem).wait()
    return carry

  lax.fori_loop(0, NCHD, drain, 0)
  pltpu.make_async_copy(ones_v.at[pl.ds(0, TAIL)],
                        deg_sh.at[idx_v.at[pl.ds(TB, TAIL)]], sem).wait()
  plsc.subcore_barrier()
  pltpu.sync_copy(deg_sh.at[pl.ds(s * RPT, RPT)],
                  out_hbm.at[c, pl.ds(s * RPT, RPT)])


_sc_deg = pl.kernel(
    _sc_deg_body,
    out_type=jax.ShapeDtypeStruct((NC, N_PAD), jnp.float32),
    mesh=_mesh(),
    scratch_types=[
        pltpu.VMEM_SHARED((N_PAD,), jnp.float32),
        pltpu.VMEM((EPW,), jnp.int32),
        pltpu.VMEM((KD,), jnp.float32),
        pltpu.SemaphoreType.DMA,
    ],
)


def _sc_agg_body(ei_hbm, table_hbm, zrows_hbm, out_hbm,
                 acc_sh, sidx_v, didx_v, rows0, rows1, rows_t,
                 stail_v, dtail_v, sem0, sem1):
  c = lax.axis_index("c")
  s = lax.axis_index("s")
  wid = c * NS + s
  pltpu.sync_copy(zrows_hbm.at[pl.ds(s * RPT, RPT)],
                  acc_sh.at[pl.ds(s * RPT, RPT)])
  plsc.subcore_barrier()

  rows = (rows0, rows1)
  sems = (sem0, sem1)
  for h in range(2):
    pltpu.sync_copy(ei_hbm.at[0, wid, pl.ds(h * HEP, HEP)], sidx_v)
    pltpu.sync_copy(ei_hbm.at[1, wid, pl.ds(h * HEP, HEP)], didx_v)
    for b in range(2):
      pltpu.async_copy(table_hbm.at[sidx_v.at[pl.ds(b * KA, KA)]],
                       rows[b], sems[b])

    def chunk2(g, carry):
      for b in range(2):
        i = 2 * g + b
        pltpu.make_async_copy(table_hbm.at[sidx_v.at[pl.ds(i * KA, KA)]],
                              rows[b], sems[b]).wait()
        pltpu.sync_copy(rows[b], acc_sh.at[didx_v.at[pl.ds(i * KA, KA)]],
                        add=True)

        @pl.when(i + 2 < NCHH)
        def _():
          pltpu.async_copy(
              table_hbm.at[sidx_v.at[pl.ds((i + 2) * KA, KA)]],
              rows[b], sems[b])

      return carry

    lax.fori_loop(0, NCHH // 2, chunk2, 0)
    i_last = NCHH - 1
    pltpu.make_async_copy(table_hbm.at[sidx_v.at[pl.ds(i_last * KA, KA)]],
                          rows[0], sems[0]).wait()
    pltpu.sync_copy(rows[0], acc_sh.at[didx_v.at[pl.ds(i_last * KA, KA)]],
                    add=True)
  pltpu.sync_copy(ei_hbm.at[0, wid, pl.ds(TB, TAIL)], stail_v)
  pltpu.sync_copy(ei_hbm.at[1, wid, pl.ds(TB, TAIL)], dtail_v)
  pltpu.async_copy(table_hbm.at[stail_v], rows_t, sem0).wait()
  pltpu.sync_copy(rows_t, acc_sh.at[dtail_v], add=True)
  plsc.subcore_barrier()
  pltpu.sync_copy(acc_sh.at[pl.ds(s * RPT, RPT)],
                  out_hbm.at[c, pl.ds(s * RPT, RPT)])


def _make_sc_agg(dtype):
  return pl.kernel(
      _sc_agg_body,
      out_type=jax.ShapeDtypeStruct((NC, N_PAD, C), dtype),
      mesh=_mesh(),
      scratch_types=[
          pltpu.VMEM_SHARED((N_PAD, C), dtype),
          pltpu.VMEM((HEP,), jnp.int32),
          pltpu.VMEM((HEP,), jnp.int32),
          pltpu.VMEM((KA, C), dtype),
          pltpu.VMEM((KA, C), dtype),
          pltpu.VMEM((TAIL, C), dtype),
          pltpu.VMEM((TAIL,), jnp.int32),
          pltpu.VMEM((TAIL,), jnp.int32),
          pltpu.SemaphoreType.DMA,
          pltpu.SemaphoreType.DMA,
      ],
  )


_sc_agg = _make_sc_agg(jnp.float32)


def _tc1_body(d2, x, w0, w1, b, p1, g1s, dinv_o):
  deg = d2[0, 0] + d2[1, 0]
  dinv1 = jnp.where(deg > 0, lax.rsqrt(jnp.maximum(deg, 1e-12)), 0.0)
  dinv = dinv1.reshape(BLK, 1)
  xb = x[...]
  p1[...] = jnp.dot(xb, w0[...], preferred_element_type=jnp.float32) + b[...]
  g1s[...] = (dinv * jnp.dot(xb, w1[...],
                             preferred_element_type=jnp.float32)
              ).astype(g1s.dtype)
  dinv_o[...] = dinv1


_tc1 = pl.pallas_call(
    _tc1_body,
    grid=(N_PAD // BLK,),
    in_specs=[
        pl.BlockSpec((NC, 1, BLK), lambda i: (0, 0, i)),
        pl.BlockSpec((BLK, F), lambda i: (i, 0)),
        pl.BlockSpec((F, C), lambda i: (0, 0)),
        pl.BlockSpec((F, C), lambda i: (0, 0)),
        pl.BlockSpec((1, C), lambda i: (0, 0)),
    ],
    out_specs=[
        pl.BlockSpec((BLK, C), lambda i: (i, 0)),
        pl.BlockSpec((BLK, C), lambda i: (i, 0)),
        pl.BlockSpec((BLK,), lambda i: (i,)),
    ],
    out_shape=[
        jax.ShapeDtypeStruct((N_PAD, C), jnp.float32),
        jax.ShapeDtypeStruct((N_PAD, C), jnp.float32),
        jax.ShapeDtypeStruct((N_PAD,), jnp.float32),
    ],
)


def _tc2_body(p1, a2, dinv_r, w0, w1, b, p2, g2s):
  dinv = dinv_r[...].reshape(BLK, 1)
  acc = a2[0].astype(jnp.float32) + a2[1].astype(jnp.float32)
  h1 = jnp.maximum(p1[...] - dinv * acc, 0.0)
  p2[...] = jnp.dot(h1, w0[...], preferred_element_type=jnp.float32) + b[...]
  g2s[...] = (dinv * jnp.dot(h1, w1[...],
                             preferred_element_type=jnp.float32)
              ).astype(g2s.dtype)


_tc2 = pl.pallas_call(
    _tc2_body,
    grid=(N_PAD // BLK,),
    in_specs=[
        pl.BlockSpec((BLK, C), lambda i: (i, 0)),
        pl.BlockSpec((NC, BLK, C), lambda i: (0, i, 0)),
        pl.BlockSpec((BLK,), lambda i: (i,)),
        pl.BlockSpec((C, C), lambda i: (0, 0)),
        pl.BlockSpec((C, C), lambda i: (0, 0)),
        pl.BlockSpec((1, C), lambda i: (0, 0)),
    ],
    out_specs=[
        pl.BlockSpec((BLK, C), lambda i: (i, 0)),
        pl.BlockSpec((BLK, C), lambda i: (i, 0)),
    ],
    out_shape=[
        jax.ShapeDtypeStruct((N_PAD, C), jnp.float32),
        jax.ShapeDtypeStruct((N_PAD, C), jnp.float32),
    ],
)


def _tc3_body(p2, a2, dinv_r, rw, rb, score):
  dinv = dinv_r[...].reshape(BLK, 1)
  acc = a2[0].astype(jnp.float32) + a2[1].astype(jnp.float32)
  h2 = jnp.maximum(p2[...] - dinv * acc, 0.0)
  score[...] = jnp.sum(h2 * rw[...], axis=1, keepdims=True) + rb[...]


_tc3 = pl.pallas_call(
    _tc3_body,
    grid=(N_PAD // BLK,),
    in_specs=[
        pl.BlockSpec((BLK, C), lambda i: (i, 0)),
        pl.BlockSpec((NC, BLK, C), lambda i: (0, i, 0)),
        pl.BlockSpec((BLK,), lambda i: (i,)),
        pl.BlockSpec((1, C), lambda i: (0, 0)),
        pl.BlockSpec((1, 1), lambda i: (0, 0)),
    ],
    out_specs=[pl.BlockSpec((BLK, 1), lambda i: (i, 0))],
    out_shape=[jax.ShapeDtypeStruct((N_PAD, 1), jnp.float32)],
)


def _tc4_body(s_ref, b_ref, y_ref):
  s = s_ref[...]
  bt = b_ref[...]
  msel = jnp.zeros_like(s)
  for g in range(NG):
    mask = bt == g
    mg = jnp.max(jnp.where(mask, s, -jnp.inf))
    mg = jnp.where(mg == -jnp.inf, 0.0, mg)
    msel = jnp.where(mask, mg, msel)
  e = jnp.exp(s - msel)
  zsel = jnp.ones_like(s)
  for g in range(NG):
    mask = bt == g
    zg = jnp.sum(jnp.where(mask, e, 0.0))
    zsel = jnp.where(mask, zg, zsel)
  y_ref[...] = e / zsel


_tc4 = pl.pallas_call(
    _tc4_body,
    out_shape=jax.ShapeDtypeStruct((N_PAD // 128, 128), jnp.float32),
)


@jax.jit
def kernel(x, edge_index, batch, c1_w0, c1_w1, c1_b, c2_w0, c2_w1, c2_b,
           r_w, r_b):
  ei_p = edge_index.reshape(2, NW, EPW)
  x_p = jnp.pad(x, ((0, N_PAD - N), (0, 0)))
  zeros1 = jnp.zeros((N_PAD,), jnp.float32)
  ones1 = jnp.ones((KD,), jnp.float32)
  zrows = jnp.zeros((N_PAD, C), jnp.float32)

  deg2 = _sc_deg(ei_p, zeros1, ones1)
  p1, g1s, dinv = _tc1(deg2.reshape(NC, 1, N_PAD), x_p, c1_w0, c1_w1,
                       c1_b.reshape(1, C))
  acc1 = _sc_agg(ei_p, g1s, zrows)
  p2, g2s = _tc2(p1, acc1, dinv, c2_w0, c2_w1, c2_b.reshape(1, C))
  acc2 = _sc_agg(ei_p, g2s, zrows)
  (score,) = _tc3(p2, acc2, dinv, r_w.reshape(1, C), r_b.reshape(1, 1))
  batch_p = jnp.pad(batch, (0, N_PAD - N), constant_values=NG)
  y2 = _tc4(score.reshape(N_PAD // 128, 128),
            batch_p.reshape(N_PAD // 128, 128))
  return y2.reshape(-1)[:N]

# --- scband reference (transcript-rebuilt; emitter-appended) ---
"""Pipeline reference for scband-edge-policy-model-65017214926934 (READ-ONLY COPY).

The authoritative reference and input builder live on the scoring server;
editing this copy changes nothing except your own understanding.
"""

import jax, jax.numpy as jnp
import numpy as np

NUM_GRAPHS = 16


def cheb_conv(x, edge_index, w0, w1, b):
    # PyG ChebConv with K=2, normalization='sym', lambda_max=2.0:
    #   Tx_0 = x
    #   Tx_1 = L_hat @ x, where L_hat = L - I = -D^{-1/2} A D^{-1/2} (diag cancels)
    #   out  = Tx_0 @ W0 + Tx_1 @ W1 + b
    src = edge_index[0]
    dst = edge_index[1]
    n = x.shape[0]
    ones = jnp.ones(src.shape[0], dtype=x.dtype)
    deg = jax.ops.segment_sum(ones, src, num_segments=n)
    dinv = jnp.where(deg > 0, jax.lax.rsqrt(jnp.maximum(deg, 1e-12)), 0.0)
    w = -(dinv[src] * dinv[dst])
    tx1 = jax.ops.segment_sum(w[:, None] * jnp.take(x, src, axis=0), dst, num_segments=n)
    return x @ w0 + tx1 @ w1 + b


def segment_softmax(s, seg, num_segments):
    m = jax.ops.segment_max(s, seg, num_segments=num_segments)
    m = jnp.where(jnp.isfinite(m), m, 0.0)
    e = jnp.exp(s - m[seg])
    z = jax.ops.segment_sum(e, seg, num_segments=num_segments)
    return e / z[seg]


def setup_inputs(seed: int = 0) -> dict:
    key = jax.random.key(seed)
    ks = jax.random.split(key, 12)
    N, E, F, C = 10000, 320000, 128, 128
    x = jax.random.normal(ks[0], (N, F), dtype=jnp.float32)
    edge_index = jax.random.randint(ks[1], (2, E), 0, N, dtype=jnp.int32)
    batch = jnp.sort(jax.random.randint(ks[2], (N,), 0, NUM_GRAPHS, dtype=jnp.int32))
    s1 = 1.0 / np.sqrt(F)
    s2 = 1.0 / np.sqrt(C)
    return {
        "x": x,
        "edge_index": edge_index,
        "batch": batch,
        "c1_w0": jax.random.normal(ks[3], (F, C), dtype=jnp.float32) * s1,
        "c1_w1": jax.random.normal(ks[4], (F, C), dtype=jnp.float32) * s1,
        "c1_b": jnp.zeros((C,), dtype=jnp.float32),
        "c2_w0": jax.random.normal(ks[5], (C, C), dtype=jnp.float32) * s2,
        "c2_w1": jax.random.normal(ks[6], (C, C), dtype=jnp.float32) * s2,
        "c2_b": jnp.zeros((C,), dtype=jnp.float32),
        "r_w": jax.random.normal(ks[7], (C, 1), dtype=jnp.float32) * s2,
        "r_b": jnp.zeros((1,), dtype=jnp.float32),
    }


def reference(x, edge_index, batch, c1_w0, c1_w1, c1_b, c2_w0, c2_w1, c2_b, r_w, r_b):
    h = jax.nn.relu(cheb_conv(x, edge_index, c1_w0, c1_w1, c1_b))
    h = jax.nn.relu(cheb_conv(h, edge_index, c2_w0, c2_w1, c2_b))
    score = (h @ r_w + r_b)[:, 0]
    y = segment_softmax(score, batch, NUM_GRAPHS)
    return y

if __name__ == "__main__":
    import jax
    _d = setup_inputs()
    print(jax.jit(kernel)(*tuple(_d.values())))

</pallas_src>

<mosaic_0001>
#map = affine_map<(d0, d1) -> (0, 0, 0)>
#map1 = affine_map<(d0, d1) -> (0)>
#map2 = affine_map<(d0, d1) -> (0, 0)>
module attributes {stable_mosaic.version = 14 : i64} {
  func.func @_sc_deg_body(%arg0: i32, %arg1: i32, %arg2: memref<2x32x10000xi32, #tpu.memory_space<hbm>>, %arg3: memref<10240xf32, #tpu.memory_space<hbm>>, %arg4: memref<128xf32, #tpu.memory_space<hbm>>, %arg5: memref<2x10240xf32, #tpu.memory_space<hbm>>, %arg6: memref<10240xf32, #tpu.memory_space<vmem_shared>>, %arg7: memref<10000xi32, #tpu.memory_space<vmem>>, %arg8: memref<128xf32, #tpu.memory_space<vmem>>, %arg9: memref<!tpu.dma_semaphore, #tpu.memory_space<semaphore_mem>>) attributes {dimension_semantics = [#tpu.dimension_semantics<core_parallel>, #tpu.dimension_semantics<subcore_parallel>], iteration_bounds = array<i64: 2, 16>, scalar_prefetch = 0 : i64, scratch_operands = 4 : i64, tpu.core_type = #tpu.core_type<sc_vector_subcore>, window_params = [{transform_indices = #map}, {transform_indices = #map1}, {transform_indices = #map1}, {transform_indices = #map2}]} {
    %mul3A = arith.constant 16 : i32
    %mul3A_0 = arith.muli %arg0, %mul3A : i32
    %add3A = arith.addi %mul3A_0, %arg1 : i32
    %mul3A_1 = arith.constant 640 : i32
    %mul3A_2 = arith.muli %arg1, %mul3A_1 : i32
    %mul3A_3 = arith.constant 640 : i32
    %mul3A_4 = arith.muli %arg1, %mul3A_3 : i32
    "tpu.region"() ({
      %run_scoped3A_31 = tpu.sem_alloc : memref<!tpu.dma_semaphore, #tpu.memory_space<semaphore_mem>>
      %dma_start3A_32 = tpu.memref_slice %arg6[%mul3A_4] : memref<10240xf32, #tpu.memory_space<vmem_shared>> -> memref<640xf32, #tpu.memory_space<vmem_shared>>
      %dma_start3A_33 = tpu.memref_slice %arg3[%mul3A_2] : memref<10240xf32, #tpu.memory_space<hbm>> -> memref<640xf32, #tpu.memory_space<hbm>>
      tpu.enqueue_dma source(%dma_start3A_33 : memref<640xf32, #tpu.memory_space<hbm>>) target(%dma_start3A_32 : memref<640xf32, #tpu.memory_space<vmem_shared>>) target_semaphore(%run_scoped3A_31 : memref<!tpu.dma_semaphore, #tpu.memory_space<semaphore_mem>>)
      %dma_wait3A_34 = tpu.memref_slice %arg6[%mul3A_4] : memref<10240xf32, #tpu.memory_space<vmem_shared>> -> memref<640xf32, #tpu.memory_space<vmem_shared>>
      %dma_wait3A_35 = tpu.memref_slice %arg3[%mul3A_2] : memref<10240xf32, #tpu.memory_space<hbm>> -> memref<640xf32, #tpu.memory_space<hbm>>
      tpu.wait_dma2 semaphore(%run_scoped3A_31 : memref<!tpu.dma_semaphore, #tpu.memory_space<semaphore_mem>>) src(%dma_wait3A_35 : memref<640xf32, #tpu.memory_space<hbm>>) dst(%dma_wait3A_34 : memref<640xf32, #tpu.memory_space<vmem_shared>>)
      tpu.yield
    }) : () -> ()
    "tpu.region"() ({
      %run_scoped3A_31 = tpu.sem_alloc : memref<!tpu.dma_semaphore, #tpu.memory_space<semaphore_mem>>
      tpu.enqueue_dma source(%arg4 : memref<128xf32, #tpu.memory_space<hbm>>) target(%arg8 : memref<128xf32, #tpu.memory_space<vmem>>) target_semaphore(%run_scoped3A_31 : memref<!tpu.dma_semaphore, #tpu.memory_space<semaphore_mem>>)
      tpu.wait_dma2 semaphore(%run_scoped3A_31 : memref<!tpu.dma_semaphore, #tpu.memory_space<semaphore_mem>>) src(%arg4 : memref<128xf32, #tpu.memory_space<hbm>>) dst(%arg8 : memref<128xf32, #tpu.memory_space<vmem>>)
      tpu.yield
    }) : () -> ()
    %run_scoped3A = arith.constant 0 : i32
    "tpu.region"() ({
      %run_scoped3A_31 = tpu.sem_alloc : memref<!tpu.dma_semaphore, #tpu.memory_space<semaphore_mem>>
      %dma_start3A_32 = arith.constant 0 : i32
      %dma_start3A_33 = tpu.memref_slice %arg2[%run_scoped3A, %add3A, %dma_start3A_32] : memref<2x32x10000xi32, #tpu.memory_space<hbm>> -> memref<1x1x10000xi32, #tpu.memory_space<hbm>>
      %dma_start3A_34 = tpu.memref_squeeze %dma_start3A_33 : memref<1x1x10000xi32, #tpu.memory_space<hbm>> -> memref<10000xi32, #tpu.memory_space<hbm>>
      %dma_start3A_35 = arith.constant 0 : i32
      %dma_start3A_36 = tpu.memref_slice %arg2[%run_scoped3A, %add3A, %dma_start3A_35] : memref<2x32x10000xi32, #tpu.memory_space<hbm>> -> memref<1x1x10000xi32, #tpu.memory_space<hbm>>
      %dma_start3A_37 = tpu.memref_squeeze %dma_start3A_36 : memref<1x1x10000xi32, #tpu.memory_space<hbm>> -> memref<10000xi32, #tpu.memory_space<hbm>>
      tpu.enqueue_dma source(%dma_start3A_37 : memref<10000xi32, #tpu.memory_space<hbm>>) target(%arg7 : memref<10000xi32, #tpu.memory_space<vmem>>) target_semaphore(%run_scoped3A_31 : memref<!tpu.dma_semaphore, #tpu.memory_space<semaphore_mem>>)
      %dma_wait3A_38 = arith.constant 0 : i32
      %dma_wait3A_39 = tpu.memref_slice %arg2[%run_scoped3A, %add3A, %dma_wait3A_38] : memref<2x32x10000xi32, #tpu.memory_space<hbm>> -> memref<1x1x10000xi32, #tpu.memory_space<hbm>>
      %dma_wait3A_40 = tpu.memref_squeeze %dma_wait3A_39 : memref<1x1x10000xi32, #tpu.memory_space<hbm>> -> memref<10000xi32, #tpu.memory_space<hbm>>
      %dma_wait3A_41 = arith.constant 0 : i32
      %dma_wait3A_42 = tpu.memref_slice %arg2[%run_scoped3A, %add3A, %dma_wait3A_41] : memref<2x32x10000xi32, #tpu.memory_space<hbm>> -> memref<1x1x10000xi32, #tpu.memory_space<hbm>>
      %dma_wait3A_43 = tpu.memref_squeeze %dma_wait3A_42 : memref<1x1x10000xi32, #tpu.memory_space<hbm>> -> memref<10000xi32, #tpu.memory_space<hbm>>
      tpu.wait_dma2 semaphore(%run_scoped3A_31 : memref<!tpu.dma_semaphore, #tpu.memory_space<semaphore_mem>>) src(%dma_wait3A_43 : memref<10000xi32, #tpu.memory_space<hbm>>) dst(%arg7 : memref<10000xi32, #tpu.memory_space<vmem>>)
      tpu.yield
    }) : () -> ()
    %barrier3A = arith.constant 0 : index
    tpu.barrier barrier_id(%barrier3A)
    %scan3A = arith.constant 0 : i32
    %scan3A_5 = arith.constant 0 : i32
    %scan3A_6 = arith.constant 78 : i32
    %scan3A_7 = arith.addi %scan3A_5, %scan3A_6 : i32
    %scan3A_8 = arith.constant 1 : i32
    scf.for %scan3A_31 = %scan3A_5 to %scan3A_7 step %scan3A_8  : i32 {
      %mul3A_32 = arith.constant 128 : i32
      %mul3A_33 = arith.muli %scan3A_31, %mul3A_32 : i32
      %dma_start3A_34 = tpu.memref_slice %arg7[%mul3A_33] : memref<10000xi32, #tpu.memory_space<vmem>> -> memref<128xi32, #tpu.memory_space<vmem>>
      %dma_start3A_35 = arith.constant 0 : i32
      %dma_start3A_36 = tpu.memref_slice %arg6[%dma_start3A_35] : memref<10240xf32, #tpu.memory_space<vmem_shared>> -> memref<10240xf32, #tpu.memory_space<vmem_shared>>
      tpu.enqueue_indirect_dma source(%arg8 : memref<128xf32, #tpu.memory_space<vmem>>) target(%dma_start3A_36 : memref<10240xf32, #tpu.memory_space<vmem_shared>>) offsets(%dma_start3A_34 : memref<128xi32, #tpu.memory_space<vmem>>) semaphore(%arg9 : memref<!tpu.dma_semaphore, #tpu.memory_space<semaphore_mem>>) {add = true}
    }
    %scan3A_9 = arith.constant 78 : i32
    %dma_start3A = arith.constant 0 : i32
    %dma_start3A_10 = tpu.memref_slice %arg8[%dma_start3A] : memref<128xf32, #tpu.memory_space<vmem>> -> memref<16xf32, #tpu.memory_space<vmem>>
    %dma_start3A_11 = arith.constant 9984 : i32
    %dma_start3A_12 = tpu.memref_slice %arg7[%dma_start3A_11] : memref<10000xi32, #tpu.memory_space<vmem>> -> memref<16xi32, #tpu.memory_space<vmem>>
    %dma_start3A_13 = arith.constant 0 : i32
    %dma_start3A_14 = tpu.memref_slice %arg6[%dma_start3A_13] : memref<10240xf32, #tpu.memory_space<vmem_shared>> -> memref<10240xf32, #tpu.memory_space<vmem_shared>>
    tpu.enqueue_indirect_dma source(%dma_start3A_10 : memref<16xf32, #tpu.memory_space<vmem>>) target(%dma_start3A_14 : memref<10240xf32, #tpu.memory_space<vmem_shared>>) offsets(%dma_start3A_12 : memref<16xi32, #tpu.memory_space<vmem>>) semaphore(%arg9 : memref<!tpu.dma_semaphore, #tpu.memory_space<semaphore_mem>>) {add = true}
    %scan3A_15 = arith.constant 0 : i32
    %scan3A_16 = arith.constant 0 : i32
    %scan3A_17 = arith.constant 78 : i32
    %scan3A_18 = arith.addi %scan3A_16, %scan3A_17 : i32
    %scan3A_19 = arith.constant 1 : i32
    scf.for %scan3A_31 = %scan3A_16 to %scan3A_18 step %scan3A_19  : i32 {
      %dma_wait3A_32 = arith.constant 0 : i32
      %dma_wait3A_33 = tpu.memref_slice %arg7[%dma_wait3A_32] : memref<10000xi32, #tpu.memory_space<vmem>> -> memref<128xi32, #tpu.memory_space<vmem>>
      %dma_wait3A_34 = arith.constant 0 : i32
      %dma_wait3A_35 = tpu.memref_slice %arg6[%dma_wait3A_34] : memref<10240xf32, #tpu.memory_space<vmem_shared>> -> memref<10240xf32, #tpu.memory_space<vmem_shared>>
      tpu.wait_indirect_dma semaphore(%arg9 : memref<!tpu.dma_semaphore, #tpu.memory_space<semaphore_mem>>) src(%arg8 : memref<128xf32, #tpu.memory_space<vmem>>) dst(%dma_wait3A_35 : memref<10240xf32, #tpu.memory_space<vmem_shared>>)
    }
    %scan3A_20 = arith.constant 78 : i32
    %dma_wait3A = arith.constant 0 : i32
    %dma_wait3A_21 = tpu.memref_slice %arg8[%dma_wait3A] : memref<128xf32, #tpu.memory_space<vmem>> -> memref<16xf32, #tpu.memory_space<vmem>>
    %dma_wait3A_22 = arith.constant 9984 : i32
    %dma_wait3A_23 = tpu.memref_slice %arg7[%dma_wait3A_22] : memref<10000xi32, #tpu.memory_space<vmem>> -> memref<16xi32, #tpu.memory_space<vmem>>
    %dma_wait3A_24 = arith.constant 0 : i32
    %dma_wait3A_25 = tpu.memref_slice %arg6[%dma_wait3A_24] : memref<10240xf32, #tpu.memory_space<vmem_shared>> -> memref<10240xf32, #tpu.memory_space<vmem_shared>>
    tpu.wait_indirect_dma semaphore(%arg9 : memref<!tpu.dma_semaphore, #tpu.memory_space<semaphore_mem>>) src(%dma_wait3A_21 : memref<16xf32, #tpu.memory_space<vmem>>) dst(%dma_wait3A_25 : memref<10240xf32, #tpu.memory_space<vmem_shared>>)
    %barrier3A_26 = arith.constant 0 : index
    tpu.barrier barrier_id(%barrier3A_26)
    %mul3A_27 = arith.constant 640 : i32
    %mul3A_28 = arith.muli %arg1, %mul3A_27 : i32
    %mul3A_29 = arith.constant 640 : i32
    %mul3A_30 = arith.muli %arg1, %mul3A_29 : i32
    "tpu.region"() ({
      %run_scoped3A_31 = tpu.sem_alloc : memref<!tpu.dma_semaphore, #tpu.memory_space<semaphore_mem>>
      %dma_start3A_32 = tpu.memref_slice %arg5[%arg0, %mul3A_30] : memref<2x10240xf32, #tpu.memory_space<hbm>> -> memref<1x640xf32, #tpu.memory_space<hbm>>
      %dma_start3A_33 = tpu.memref_squeeze %dma_start3A_32 : memref<1x640xf32, #tpu.memory_space<hbm>> -> memref<640xf32, #tpu.memory_space<hbm>>
      %dma_start3A_34 = tpu.memref_slice %arg6[%mul3A_28] : memref<10240xf32, #tpu.memory_space<vmem_shared>> -> memref<640xf32, #tpu.memory_space<vmem_shared>>
      tpu.enqueue_dma source(%dma_start3A_34 : memref<640xf32, #tpu.memory_space<vmem_shared>>) target(%dma_start3A_33 : memref<640xf32, #tpu.memory_space<hbm>>) target_semaphore(%run_scoped3A_31 : memref<!tpu.dma_semaphore, #tpu.memory_space<semaphore_mem>>)
      %dma_wait3A_35 = tpu.memref_slice %arg5[%arg0, %mul3A_30] : memref<2x10240xf32, #tpu.memory_space<hbm>> -> memref<1x640xf32, #tpu.memory_space<hbm>>
      %dma_wait3A_36 = tpu.memref_squeeze %dma_wait3A_35 : memref<1x640xf32, #tpu.memory_space<hbm>> -> memref<640xf32, #tpu.memory_space<hbm>>
      %dma_wait3A_37 = tpu.memref_slice %arg6[%mul3A_28] : memref<10240xf32, #tpu.memory_space<vmem_shared>> -> memref<640xf32, #tpu.memory_space<vmem_shared>>
      tpu.wait_dma2 semaphore(%run_scoped3A_31 : memref<!tpu.dma_semaphore, #tpu.memory_space<semaphore_mem>>) src(%dma_wait3A_37 : memref<640xf32, #tpu.memory_space<vmem_shared>>) dst(%dma_wait3A_36 : memref<640xf32, #tpu.memory_space<hbm>>)
      tpu.yield
    }) : () -> ()
    return
  }
}

#map = affine_map<(d0, d1) -> (0, 0, 0)>
#map1 = affine_map<(d0, d1) -> (0, 0)>
module attributes {stable_mosaic.version = 14 : i64} {
  func.func @_sc_agg_body(%arg0: i32, %arg1: i32, %arg2: memref<2x32x10000xi32, #tpu.memory_space<hbm>>, %arg3: memref<10240x128xf32, #tpu.memory_space<hbm>>, %arg4: memref<10240x128xf32, #tpu.memory_space<hbm>>, %arg5: memref<2x10240x128xf32, #tpu.memory_space<hbm>>, %arg6: memref<10240x128xf32, #tpu.memory_space<vmem_shared>>, %arg7: memref<4992xi32, #tpu.memory_space<vmem>>, %arg8: memref<4992xi32, #tpu.memory_space<vmem>>, %arg9: memref<128x128xf32, #tpu.memory_space<vmem>>, %arg10: memref<128x128xf32, #tpu.memory_space<vmem>>, %arg11: memref<16x128xf32, #tpu.memory_space<vmem>>, %arg12: memref<16xi32, #tpu.memory_space<vmem>>, %arg13: memref<16xi32, #tpu.memory_space<vmem>>, %arg14: memref<!tpu.dma_semaphore, #tpu.memory_space<semaphore_mem>>, %arg15: memref<!tpu.dma_semaphore, #tpu.memory_space<semaphore_mem>>) attributes {dimension_semantics = [#tpu.dimension_semantics<core_parallel>, #tpu.dimension_semantics<subcore_parallel>], iteration_bounds = array<i64: 2, 16>, scalar_prefetch = 0 : i64, scratch_operands = 10 : i64, tpu.core_type = #tpu.core_type<sc_vector_subcore>, window_params = [{transform_indices = #map}, {transform_indices = #map1}, {transform_indices = #map1}, {transform_indices = #map}]} {
    %mul3A = arith.constant 16 : i32
    %mul3A_0 = arith.muli %arg0, %mul3A : i32
    %add3A = arith.addi %mul3A_0, %arg1 : i32
    %mul3A_1 = arith.constant 640 : i32
    %mul3A_2 = arith.muli %arg1, %mul3A_1 : i32
    %mul3A_3 = arith.constant 640 : i32
    %mul3A_4 = arith.muli %arg1, %mul3A_3 : i32
    "tpu.region"() ({
      %run_scoped3A_60 = tpu.sem_alloc : memref<!tpu.dma_semaphore, #tpu.memory_space<semaphore_mem>>
      %dma_start3A_61 = arith.constant 0 : i32
      %dma_start3A_62 = tpu.memref_slice %arg6[%mul3A_4, %dma_start3A_61] : memref<10240x128xf32, #tpu.memory_space<vmem_shared>> -> memref<640x128xf32, #tpu.memory_space<vmem_shared>>
      %dma_start3A_63 = arith.constant 0 : i32
      %dma_start3A_64 = tpu.memref_slice %arg4[%mul3A_2, %dma_start3A_63] : memref<10240x128xf32, #tpu.memory_space<hbm>> -> memref<640x128xf32, #tpu.memory_space<hbm>>
      tpu.enqueue_dma source(%dma_start3A_64 : memref<640x128xf32, #tpu.memory_space<hbm>>) target(%dma_start3A_62 : memref<640x128xf32, #tpu.memory_space<vmem_shared>>) target_semaphore(%run_scoped3A_60 : memref<!tpu.dma_semaphore, #tpu.memory_space<semaphore_mem>>)
      %dma_wait3A_65 = arith.constant 0 : i32
      %dma_wait3A_66 = tpu.memref_slice %arg6[%mul3A_4, %dma_wait3A_65] : memref<10240x128xf32, #tpu.memory_space<vmem_shared>> -> memref<640x128xf32, #tpu.memory_space<vmem_shared>>
      %dma_wait3A_67 = arith.constant 0 : i32
      %dma_wait3A_68 = tpu.memref_slice %arg4[%mul3A_2, %dma_wait3A_67] : memref<10240x128xf32, #tpu.memory_space<hbm>> -> memref<640x128xf32, #tpu.memory_space<hbm>>
      tpu.wait_dma2 semaphore(%run_scoped3A_60 : memref<!tpu.dma_semaphore, #tpu.memory_space<semaphore_mem>>) src(%dma_wait3A_68 : memref<640x128xf32, #tpu.memory_space<hbm>>) dst(%dma_wait3A_66 : memref<640x128xf32, #tpu.memory_space<vmem_shared>>)
      tpu.yield
    }) : () -> ()
    %barrier3A = arith.constant 0 : index
    tpu.barrier barrier_id(%barrier3A)
    %run_scoped3A = arith.constant 0 : i32
    "tpu.region"() ({
      %run_scoped3A_60 = tpu.sem_alloc : memref<!tpu.dma_semaphore, #tpu.memory_space<semaphore_mem>>
      %dma_start3A_61 = arith.constant 0 : i32
      %dma_start3A_62 = tpu.memref_slice %arg2[%run_scoped3A, %add3A, %dma_start3A_61] : memref<2x32x10000xi32, #tpu.memory_space<hbm>> -> memref<1x1x4992xi32, #tpu.memory_space<hbm>>
      %dma_start3A_63 = tpu.memref_squeeze %dma_start3A_62 : memref<1x1x4992xi32, #tpu.memory_space<hbm>> -> memref<4992xi32, #tpu.memory_space<hbm>>
      %dma_start3A_64 = arith.constant 0 : i32
      %dma_start3A_65 = tpu.memref_slice %arg2[%run_scoped3A, %add3A, %dma_start3A_64] : memref<2x32x10000xi32, #tpu.memory_space<hbm>> -> memref<1x1x4992xi32, #tpu.memory_space<hbm>>
      %dma_start3A_66 = tpu.memref_squeeze %dma_start3A_65 : memref<1x1x4992xi32, #tpu.memory_space<hbm>> -> memref<4992xi32, #tpu.memory_space<hbm>>
      tpu.enqueue_dma source(%dma_start3A_66 : memref<4992xi32, #tpu.memory_space<hbm>>) target(%arg7 : memref<4992xi32, #tpu.memory_space<vmem>>) target_semaphore(%run_scoped3A_60 : memref<!tpu.dma_semaphore, #tpu.memory_space<semaphore_mem>>)
      %dma_wait3A_67 = arith.constant 0 : i32
      %dma_wait3A_68 = tpu.memref_slice %arg2[%run_scoped3A, %add3A, %dma_wait3A_67] : memref<2x32x10000xi32, #tpu.memory_space<hbm>> -> memref<1x1x4992xi32, #tpu.memory_space<hbm>>
      %dma_wait3A_69 = tpu.memref_squeeze %dma_wait3A_68 : memref<1x1x4992xi32, #tpu.memory_space<hbm>> -> memref<4992xi32, #tpu.memory_space<hbm>>
      %dma_wait3A_70 = arith.constant 0 : i32
      %dma_wait3A_71 = tpu.memref_slice %arg2[%run_scoped3A, %add3A, %dma_wait3A_70] : memref<2x32x10000xi32, #tpu.memory_space<hbm>> -> memref<1x1x4992xi32, #tpu.memory_space<hbm>>
      %dma_wait3A_72 = tpu.memref_squeeze %dma_wait3A_71 : memref<1x1x4992xi32, #tpu.memory_space<hbm>> -> memref<4992xi32, #tpu.memory_space<hbm>>
      tpu.wait_dma2 semaphore(%run_scoped3A_60 : memref<!tpu.dma_semaphore, #tpu.memory_space<semaphore_mem>>) src(%dma_wait3A_72 : memref<4992xi32, #tpu.memory_space<hbm>>) dst(%arg7 : memref<4992xi32, #tpu.memory_space<vmem>>)
      tpu.yield
    }) : () -> ()
    %run_scoped3A_5 = arith.constant 1 : i32
    "tpu.region"() ({
      %run_scoped3A_60 = tpu.sem_alloc : memref<!tpu.dma_semaphore, #tpu.memory_space<semaphore_mem>>
      %dma_start3A_61 = arith.constant 0 : i32
      %dma_start3A_62 = tpu.memref_slice %arg2[%run_scoped3A_5, %add3A, %dma_start3A_61] : memref<2x32x10000xi32, #tpu.memory_space<hbm>> -> memref<1x1x4992xi32, #tpu.memory_space<hbm>>
      %dma_start3A_63 = tpu.memref_squeeze %dma_start3A_62 : memref<1x1x4992xi32, #tpu.memory_space<hbm>> -> memref<4992xi32, #tpu.memory_space<hbm>>
      %dma_start3A_64 = arith.constant 0 : i32
      %dma_start3A_65 = tpu.memref_slice %arg2[%run_scoped3A_5, %add3A, %dma_start3A_64] : memref<2x32x10000xi32, #tpu.memory_space<hbm>> -> memref<1x1x4992xi32, #tpu.memory_space<hbm>>
      %dma_start3A_66 = tpu.memref_squeeze %dma_start3A_65 : memref<1x1x4992xi32, #tpu.memory_space<hbm>> -> memref<4992xi32, #tpu.memory_space<hbm>>
      tpu.enqueue_dma source(%dma_start3A_66 : memref<4992xi32, #tpu.memory_space<hbm>>) target(%arg8 : memref<4992xi32, #tpu.memory_space<vmem>>) target_semaphore(%run_scoped3A_60 : memref<!tpu.dma_semaphore, #tpu.memory_space<semaphore_mem>>)
      %dma_wait3A_67 = arith.constant 0 : i32
      %dma_wait3A_68 = tpu.memref_slice %arg2[%run_scoped3A_5, %add3A, %dma_wait3A_67] : memref<2x32x10000xi32, #tpu.memory_space<hbm>> -> memref<1x1x4992xi32, #tpu.memory_space<hbm>>
      %dma_wait3A_69 = tpu.memref_squeeze %dma_wait3A_68 : memref<1x1x4992xi32, #tpu.memory_space<hbm>> -> memref<4992xi32, #tpu.memory_space<hbm>>
      %dma_wait3A_70 = arith.constant 0 : i32
      %dma_wait3A_71 = tpu.memref_slice %arg2[%run_scoped3A_5, %add3A, %dma_wait3A_70] : memref<2x32x10000xi32, #tpu.memory_space<hbm>> -> memref<1x1x4992xi32, #tpu.memory_space<hbm>>
      %dma_wait3A_72 = tpu.memref_squeeze %dma_wait3A_71 : memref<1x1x4992xi32, #tpu.memory_space<hbm>> -> memref<4992xi32, #tpu.memory_space<hbm>>
      tpu.wait_dma2 semaphore(%run_scoped3A_60 : memref<!tpu.dma_semaphore, #tpu.memory_space<semaphore_mem>>) src(%dma_wait3A_72 : memref<4992xi32, #tpu.memory_space<hbm>>) dst(%arg8 : memref<4992xi32, #tpu.memory_space<vmem>>)
      tpu.yield
    }) : () -> ()
    %dma_start3A = arith.constant 0 : i32
    %dma_start3A_6 = tpu.memref_slice %arg7[%dma_start3A] : memref<4992xi32, #tpu.memory_space<vmem>> -> memref<128xi32, #tpu.memory_space<vmem>>
    %dma_start3A_7 = arith.constant 0 : i32
    %dma_start3A_8 = arith.constant 0 : i32
    %dma_start3A_9 = tpu.memref_slice %arg3[%dma_start3A_7, %dma_start3A_8] : memref<10240x128xf32, #tpu.memory_space<hbm>> -> memref<10240x128xf32, #tpu.memory_space<hbm>>
    tpu.enqueue_indirect_dma source(%dma_start3A_9 : memref<10240x128xf32, #tpu.memory_space<hbm>>) target(%arg9 : memref<128x128xf32, #tpu.memory_space<vmem>>) offsets(%dma_start3A_6 : memref<128xi32, #tpu.memory_space<vmem>>) semaphore(%arg14 : memref<!tpu.dma_semaphore, #tpu.memory_space<semaphore_mem>>)
    %dma_start3A_10 = arith.constant 128 : i32
    %dma_start3A_11 = tpu.memref_slice %arg7[%dma_start3A_10] : memref<4992xi32, #tpu.memory_space<vmem>> -> memref<128xi32, #tpu.memory_space<vmem>>
    %dma_start3A_12 = arith.constant 0 : i32
    %dma_start3A_13 = arith.constant 0 : i32
    %dma_start3A_14 = tpu.memref_slice %arg3[%dma_start3A_12, %dma_start3A_13] : memref<10240x128xf32, #tpu.memory_space<hbm>> -> memref<10240x128xf32, #tpu.memory_space<hbm>>
    tpu.enqueue_indirect_dma source(%dma_start3A_14 : memref<10240x128xf32, #tpu.memory_space<hbm>>) target(%arg10 : memref<128x128xf32, #tpu.memory_space<vmem>>) offsets(%dma_start3A_11 : memref<128xi32, #tpu.memory_space<vmem>>) semaphore(%arg15 : memref<!tpu.dma_semaphore, #tpu.memory_space<semaphore_mem>>)
    %scan3A = arith.constant 0 : i32
    %scan3A_15 = arith.constant 0 : i32
    %scan3A_16 = arith.constant 19 : i32
    %scan3A_17 = arith.addi %scan3A_15, %scan3A_16 : i32
    %scan3A_18 = arith.constant 1 : i32
    scf.for %scan3A_60 = %scan3A_15 to %scan3A_17 step %scan3A_18  : i32 {
      %mul3A_61 = arith.constant 2 : i32
      %mul3A_62 = arith.muli %mul3A_61, %scan3A_60 : i32
      %add3A_63 = arith.constant 0 : i32
      %add3A_64 = arith.addi %mul3A_62, %add3A_63 : i32
      %mul3A_65 = arith.constant 128 : i32
      %mul3A_66 = arith.muli %add3A_64, %mul3A_65 : i32
      %dma_wait3A_67 = tpu.memref_slice %arg7[%mul3A_66] : memref<4992xi32, #tpu.memory_space<vmem>> -> memref<128xi32, #tpu.memory_space<vmem>>
      %dma_wait3A_68 = arith.constant 0 : i32
      %dma_wait3A_69 = arith.constant 0 : i32
      %dma_wait3A_70 = tpu.memref_slice %arg3[%dma_wait3A_68, %dma_wait3A_69] : memref<10240x128xf32, #tpu.memory_space<hbm>> -> memref<10240x128xf32, #tpu.memory_space<hbm>>
      tpu.wait_indirect_dma semaphore(%arg14 : memref<!tpu.dma_semaphore, #tpu.memory_space<semaphore_mem>>) src(%dma_wait3A_70 : memref<10240x128xf32, #tpu.memory_space<hbm>>) dst(%arg9 : memref<128x128xf32, #tpu.memory_space<vmem>>)
      %mul3A_71 = arith.constant 128 : i32
      %mul3A_72 = arith.muli %add3A_64, %mul3A_71 : i32
      "tpu.region"() ({
        %run_scoped3A_96 = tpu.sem_alloc : memref<!tpu.dma_semaphore, #tpu.memory_space<semaphore_mem>>
        %dma_start3A_97 = tpu.memref_slice %arg8[%mul3A_72] : memref<4992xi32, #tpu.memory_space<vmem>> -> memref<128xi32, #tpu.memory_space<vmem>>
        %dma_start3A_98 = arith.constant 0 : i32
        %dma_start3A_99 = arith.constant 0 : i32
        %dma_start3A_100 = tpu.memref_slice %arg6[%dma_start3A_98, %dma_start3A_99] : memref<10240x128xf32, #tpu.memory_space<vmem_shared>> -> memref<10240x128xf32, #tpu.memory_space<vmem_shared>>
        tpu.enqueue_indirect_dma source(%arg9 : memref<128x128xf32, #tpu.memory_space<vmem>>) target(%dma_start3A_100 : memref<10240x128xf32, #tpu.memory_space<vmem_shared>>) offsets(%dma_start3A_97 : memref<128xi32, #tpu.memory_space<vmem>>) semaphore(%run_scoped3A_96 : memref<!tpu.dma_semaphore, #tpu.memory_space<semaphore_mem>>) {add = true}
        %dma_wait3A_101 = tpu.memref_slice %arg8[%mul3A_72] : memref<4992xi32, #tpu.memory_space<vmem>> -> memref<128xi32, #tpu.memory_space<vmem>>
        %dma_wait3A_102 = arith.constant 0 : i32
        %dma_wait3A_103 = arith.constant 0 : i32
        %dma_wait3A_104 = tpu.memref_slice %arg6[%dma_wait3A_102, %dma_wait3A_103] : memref<10240x128xf32, #tpu.memory_space<vmem_shared>> -> memref<10240x128xf32, #tpu.memory_space<vmem_shared>>
        tpu.wait_indirect_dma semaphore(%run_scoped3A_96 : memref<!tpu.dma_semaphore, #tpu.memory_space<semaphore_mem>>) src(%arg9 : memref<128x128xf32, #tpu.memory_space<vmem>>) dst(%dma_wait3A_104 : memref<10240x128xf32, #tpu.memory_space<vmem_shared>>)
        tpu.yield
      }) : () -> ()
      %add3A_73 = arith.constant 2 : i32
      %add3A_74 = arith.addi %add3A_64, %add3A_73 : i32
      %lt3A = arith.constant 39 : i32
      %lt3A_75 = arith.cmpi slt, %add3A_74, %lt3A : i32
      %convert_element_type3A = arith.extui %lt3A_75 : i1 to i32
      %cond3A = arith.constant 0 : i32
      %cond3A_76 = arith.cmpi ne, %convert_element_type3A, %cond3A : i32
      scf.if %cond3A_76 {
        %add3A_96 = arith.constant 2 : i32
        %add3A_97 = arith.addi %add3A_64, %add3A_96 : i32
        %mul3A_98 = arith.constant 128 : i32
        %mul3A_99 = arith.muli %add3A_97, %mul3A_98 : i32
        %dma_start3A_100 = tpu.memref_slice %arg7[%mul3A_99] : memref<4992xi32, #tpu.memory_space<vmem>> -> memref<128xi32, #tpu.memory_space<vmem>>
        %dma_start3A_101 = arith.constant 0 : i32
        %dma_start3A_102 = arith.constant 0 : i32
        %dma_start3A_103 = tpu.memref_slice %arg3[%dma_start3A_101, %dma_start3A_102] : memref<10240x128xf32, #tpu.memory_space<hbm>> -> memref<10240x128xf32, #tpu.memory_space<hbm>>
        tpu.enqueue_indirect_dma source(%dma_start3A_103 : memref<10240x128xf32, #tpu.memory_space<hbm>>) target(%arg9 : memref<128x128xf32, #tpu.memory_space<vmem>>) offsets(%dma_start3A_100 : memref<128xi32, #tpu.memory_space<vmem>>) semaphore(%arg14 : memref<!tpu.dma_semaphore, #tpu.memory_space<semaphore_mem>>)
      } else {
      }
      %mul3A_77 = arith.constant 2 : i32
      %mul3A_78 = arith.muli %mul3A_77, %scan3A_60 : i32
      %add3A_79 = arith.constant 1 : i32
      %add3A_80 = arith.addi %mul3A_78, %add3A_79 : i32
      %mul3A_81 = arith.constant 128 : i32
      %mul3A_82 = arith.muli %add3A_80, %mul3A_81 : i32
      %dma_wait3A_83 = tpu.memref_slice %arg7[%mul3A_82] : memref<4992xi32, #tpu.memory_space<vmem>> -> memref<128xi32, #tpu.memory_space<vmem>>
      %dma_wait3A_84 = arith.constant 0 : i32
      %dma_wait3A_85 = arith.constant 0 : i32
      %dma_wait3A_86 = tpu.memref_slice %arg3[%dma_wait3A_84, %dma_wait3A_85] : memref<10240x128xf32, #tpu.memory_space<hbm>> -> memref<10240x128xf32, #tpu.memory_space<hbm>>
      tpu.wait_indirect_dma semaphore(%arg15 : memref<!tpu.dma_semaphore, #tpu.memory_space<semaphore_mem>>) src(%dma_wait3A_86 : memref<10240x128xf32, #tpu.memory_space<hbm>>) dst(%arg10 : memref<128x128xf32, #tpu.memory_space<vmem>>)
      %mul3A_87 = arith.constant 128 : i32
      %mul3A_88 = arith.muli %add3A_80, %mul3A_87 : i32
      "tpu.region"() ({
        %run_scoped3A_96 = tpu.sem_alloc : memref<!tpu.dma_semaphore, #tpu.memory_space<semaphore_mem>>
        %dma_start3A_97 = tpu.memref_slice %arg8[%mul3A_88] : memref<4992xi32, #tpu.memory_space<vmem>> -> memref<128xi32, #tpu.memory_space<vmem>>
        %dma_start3A_98 = arith.constant 0 : i32
        %dma_start3A_99 = arith.constant 0 : i32
        %dma_start3A_100 = tpu.memref_slice %arg6[%dma_start3A_98, %dma_start3A_99] : memref<10240x128xf32, #tpu.memory_space<vmem_shared>> -> memref<10240x128xf32, #tpu.memory_space<vmem_shared>>
        tpu.enqueue_indirect_dma source(%arg10 : memref<128x128xf32, #tpu.memory_space<vmem>>) target(%dma_start3A_100 : memref<10240x128xf32, #tpu.memory_space<vmem_shared>>) offsets(%dma_start3A_97 : memref<128xi32, #tpu.memory_space<vmem>>) semaphore(%run_scoped3A_96 : memref<!tpu.dma_semaphore, #tpu.memory_space<semaphore_mem>>) {add = true}
        %dma_wait3A_101 = tpu.memref_slice %arg8[%mul3A_88] : memref<4992xi32, #tpu.memory_space<vmem>> -> memref<128xi32, #tpu.memory_space<vmem>>
        %dma_wait3A_102 = arith.constant 0 : i32
        %dma_wait3A_103 = arith.constant 0 : i32
        %dma_wait3A_104 = tpu.memref_slice %arg6[%dma_wait3A_102, %dma_wait3A_103] : memref<10240x128xf32, #tpu.memory_space<vmem_shared>> -> memref<10240x128xf32, #tpu.memory_space<vmem_shared>>
        tpu.wait_indirect_dma semaphore(%run_scoped3A_96 : memref<!tpu.dma_semaphore, #tpu.memory_space<semaphore_mem>>) src(%arg10 : memref<128x128xf32, #tpu.memory_space<vmem>>) dst(%dma_wait3A_104 : memref<10240x128xf32, #tpu.memory_space<vmem_shared>>)
        tpu.yield
      }) : () -> ()
      %add3A_89 = arith.constant 2 : i32
      %add3A_90 = arith.addi %add3A_80, %add3A_89 : i32
      %lt3A_91 = arith.constant 39 : i32
      %lt3A_92 = arith.cmpi slt, %add3A_90, %lt3A_91 : i32
      %convert_element_type3A_93 = arith.extui %lt3A_92 : i1 to i32
      %cond3A_94 = arith.constant 0 : i32
      %cond3A_95 = arith.cmpi ne, %convert_element_type3A_93, %cond3A_94 : i32
      scf.if %cond3A_95 {
        %add3A_96 = arith.constant 2 : i32
        %add3A_97 = arith.addi %add3A_80, %add3A_96 : i32
        %mul3A_98 = arith.constant 128 : i32
        %mul3A_99 = arith.muli %add3A_97, %mul3A_98 : i32
        %dma_start3A_100 = tpu.memref_slice %arg7[%mul3A_99] : memref<4992xi32, #tpu.memory_space<vmem>> -> memref<128xi32, #tpu.memory_space<vmem>>
        %dma_start3A_101 = arith.constant 0 : i32
        %dma_start3A_102 = arith.constant 0 : i32
        %dma_start3A_103 = tpu.memref_slice %arg3[%dma_start3A_101, %dma_start3A_102] : memref<10240x128xf32, #tpu.memory_space<hbm>> -> memref<10240x128xf32, #tpu.memory_space<hbm>>
        tpu.enqueue_indirect_dma source(%dma_start3A_103 : memref<10240x128xf32, #tpu.memory_space<hbm>>) target(%arg10 : memref<128x128xf32, #tpu.memory_space<vmem>>) offsets(%dma_start3A_100 : memref<128xi32, #tpu.memory_space<vmem>>) semaphore(%arg15 : memref<!tpu.dma_semaphore, #tpu.memory_space<semaphore_mem>>)
      } else {
      }
    }
    %scan3A_19 = arith.constant 19 : i32
    %dma_wait3A = arith.constant 4864 : i32
    %dma_wait3A_20 = tpu.memref_slice %arg7[%dma_wait3A] : memref<4992xi32, #tpu.memory_space<vmem>> -> memref<128xi32, #tpu.memory_space<vmem>>
    %dma_wait3A_21 = arith.constant 0 : i32
    %dma_wait3A_22 = arith.constant 0 : i32
    %dma_wait3A_23 = tpu.memref_slice %arg3[%dma_wait3A_21, %dma_wait3A_22] : memref<10240x128xf32, #tpu.memory_space<hbm>> -> memref<10240x128xf32, #tpu.memory_space<hbm>>
    tpu.wait_indirect_dma semaphore(%arg14 : memref<!tpu.dma_semaphore, #tpu.memory_space<semaphore_mem>>) src(%dma_wait3A_23 : memref<10240x128xf32, #tpu.memory_space<hbm>>) dst(%arg9 : memref<128x128xf32, #tpu.memory_space<vmem>>)
    "tpu.region"() ({
      %run_scoped3A_60 = tpu.sem_alloc : memref<!tpu.dma_semaphore, #tpu.memory_space<semaphore_mem>>
      %dma_start3A_61 = arith.constant 4864 : i32
      %dma_start3A_62 = tpu.memref_slice %arg8[%dma_start3A_61] : memref<4992xi32, #tpu.memory_space<vmem>> -> memref<128xi32, #tpu.memory_space<vmem>>
      %dma_start3A_63 = arith.constant 0 : i32
      %dma_start3A_64 = arith.constant 0 : i32
      %dma_start3A_65 = tpu.memref_slice %arg6[%dma_start3A_63, %dma_start3A_64] : memref<10240x128xf32, #tpu.memory_space<vmem_shared>> -> memref<10240x128xf32, #tpu.memory_space<vmem_shared>>
      tpu.enqueue_indirect_dma source(%arg9 : memref<128x128xf32, #tpu.memory_space<vmem>>) target(%dma_start3A_65 : memref<10240x128xf32, #tpu.memory_space<vmem_shared>>) offsets(%dma_start3A_62 : memref<128xi32, #tpu.memory_space<vmem>>) semaphore(%run_scoped3A_60 : memref<!tpu.dma_semaphore, #tpu.memory_space<semaphore_mem>>) {add = true}
      %dma_wait3A_66 = arith.constant 4864 : i32
      %dma_wait3A_67 = tpu.memref_slice %arg8[%dma_wait3A_66] : memref<4992xi32, #tpu.memory_space<vmem>> -> memref<128xi32, #tpu.memory_space<vmem>>
      %dma_wait3A_68 = arith.constant 0 : i32
      %dma_wait3A_69 = arith.constant 0 : i32
      %dma_wait3A_70 = tpu.memref_slice %arg6[%dma_wait3A_68, %dma_wait3A_69] : memref<10240x128xf32, #tpu.memory_space<vmem_shared>> -> memref<10240x128xf32, #tpu.memory_space<vmem_shared>>
      tpu.wait_indirect_dma semaphore(%run_scoped3A_60 : memref<!tpu.dma_semaphore, #tpu.memory_space<semaphore_mem>>) src(%arg9 : memref<128x128xf32, #tpu.memory_space<vmem>>) dst(%dma_wait3A_70 : memref<10240x128xf32, #tpu.memory_space<vmem_shared>>)
      tpu.yield
    }) : () -> ()
    %run_scoped3A_24 = arith.constant 0 : i32
    "tpu.region"() ({
      %run_scoped3A_60 = tpu.sem_alloc : memref<!tpu.dma_semaphore, #tpu.memory_space<semaphore_mem>>
      %dma_start3A_61 = arith.constant 4992 : i32
      %dma_start3A_62 = tpu.memref_slice %arg2[%run_scoped3A_24, %add3A, %dma_start3A_61] : memref<2x32x10000xi32, #tpu.memory_space<hbm>> -> memref<1x1x4992xi32, #tpu.memory_space<hbm>>
      %dma_start3A_63 = tpu.memref_squeeze %dma_start3A_62 : memref<1x1x4992xi32, #tpu.memory_space<hbm>> -> memref<4992xi32, #tpu.memory_space<hbm>>
      %dma_start3A_64 = arith.constant 4992 : i32
      %dma_start3A_65 = tpu.memref_slice %arg2[%run_scoped3A_24, %add3A, %dma_start3A_64] : memref<2x32x10000xi32, #tpu.memory_space<hbm>> -> memref<1x1x4992xi32, #tpu.memory_space<hbm>>
      %dma_start3A_66 = tpu.memref_squeeze %dma_start3A_65 : memref<1x1x4992xi32, #tpu.memory_space<hbm>> -> memref<4992xi32, #tpu.memory_space<hbm>>
      tpu.enqueue_dma source(%dma_start3A_66 : memref<4992xi32, #tpu.memory_space<hbm>>) target(%arg7 : memref<4992xi32, #tpu.memory_space<vmem>>) target_semaphore(%run_scoped3A_60 : memref<!tpu.dma_semaphore, #tpu.memory_space<semaphore_mem>>)
      %dma_wait3A_67 = arith.constant 4992 : i32
      %dma_wait3A_68 = tpu.memref_slice %arg2[%run_scoped3A_24, %add3A, %dma_wait3A_67] : memref<2x32x10000xi32, #tpu.memory_space<hbm>> -> memref<1x1x4992xi32, #tpu.memory_space<hbm>>
      %dma_wait3A_69 = tpu.memref_squeeze %dma_wait3A_68 : memref<1x1x4992xi32, #tpu.memory_space<hbm>> -> memref<4992xi32, #tpu.memory_space<hbm>>
      %dma_wait3A_70 = arith.constant 4992 : i32
      %dma_wait3A_71 = tpu.memref_slice %arg2[%run_scoped3A_24, %add3A, %dma_wait3A_70] : memref<2x32x10000xi32, #tpu.memory_space<hbm>> -> memref<1x1x4992xi32, #tpu.memory_space<hbm>>
      %dma_wait3A_72 = tpu.memref_squeeze %dma_wait3A_71 : memref<1x1x4992xi32, #tpu.memory_space<hbm>> -> memref<4992xi32, #tpu.memory_space<hbm>>
      tpu.wait_dma2 semaphore(%run_scoped3A_60 : memref<!tpu.dma_semaphore, #tpu.memory_space<semaphore_mem>>) src(%dma_wait3A_72 : memref<4992xi32, #tpu.memory_space<hbm>>) dst(%arg7 : memref<4992xi32, #tpu.memory_space<vmem>>)
      tpu.yield
    }) : () -> ()
    %run_scoped3A_25 = arith.constant 1 : i32
    "tpu.region"() ({
      %run_scoped3A_60 = tpu.sem_alloc : memref<!tpu.dma_semaphore, #tpu.memory_space<semaphore_mem>>
      %dma_start3A_61 = arith.constant 4992 : i32
      %dma_start3A_62 = tpu.memref_slice %arg2[%run_scoped3A_25, %add3A, %dma_start3A_61] : memref<2x32x10000xi32, #tpu.memory_space<hbm>> -> memref<1x1x4992xi32, #tpu.memory_space<hbm>>
      %dma_start3A_63 = tpu.memref_squeeze %dma_start3A_62 : memref<1x1x4992xi32, #tpu.memory_space<hbm>> -> memref<4992xi32, #tpu.memory_space<hbm>>
      %dma_start3A_64 = arith.constant 4992 : i32
      %dma_start3A_65 = tpu.memref_slice %arg2[%run_scoped3A_25, %add3A, %dma_start3A_64] : memref<2x32x10000xi32, #tpu.memory_space<hbm>> -> memref<1x1x4992xi32, #tpu.memory_space<hbm>>
      %dma_start3A_66 = tpu.memref_squeeze %dma_start3A_65 : memref<1x1x4992xi32, #tpu.memory_space<hbm>> -> memref<4992xi32, #tpu.memory_space<hbm>>
      tpu.enqueue_dma source(%dma_start3A_66 : memref<4992xi32, #tpu.memory_space<hbm>>) target(%arg8 : memref<4992xi32, #tpu.memory_space<vmem>>) target_semaphore(%run_scoped3A_60 : memref<!tpu.dma_semaphore, #tpu.memory_space<semaphore_mem>>)
      %dma_wait3A_67 = arith.constant 4992 : i32
      %dma_wait3A_68 = tpu.memref_slice %arg2[%run_scoped3A_25, %add3A, %dma_wait3A_67] : memref<2x32x10000xi32, #tpu.memory_space<hbm>> -> memref<1x1x4992xi32, #tpu.memory_space<hbm>>
      %dma_wait3A_69 = tpu.memref_squeeze %dma_wait3A_68 : memref<1x1x4992xi32, #tpu.memory_space<hbm>> -> memref<4992xi32, #tpu.memory_space<hbm>>
      %dma_wait3A_70 = arith.constant 4992 : i32
      %dma_wait3A_71 = tpu.memref_slice %arg2[%run_scoped3A_25, %add3A, %dma_wait3A_70] : memref<2x32x10000xi32, #tpu.memory_space<hbm>> -> memref<1x1x4992xi32, #tpu.memory_space<hbm>>
      %dma_wait3A_72 = tpu.memref_squeeze %dma_wait3A_71 : memref<1x1x4992xi32, #tpu.memory_space<hbm>> -> memref<4992xi32, #tpu.memory_space<hbm>>
      tpu.wait_dma2 semaphore(%run_scoped3A_60 : memref<!tpu.dma_semaphore, #tpu.memory_space<semaphore_mem>>) src(%dma_wait3A_72 : memref<4992xi32, #tpu.memory_space<hbm>>) dst(%arg8 : memref<4992xi32, #tpu.memory_space<vmem>>)
      tpu.yield
    }) : () -> ()
    %dma_start3A_26 = arith.constant 0 : i32
    %dma_start3A_27 = tpu.memref_slice %arg7[%dma_start3A_26] : memref<4992xi32, #tpu.memory_space<vmem>> -> memref<128xi32, #tpu.memory_space<vmem>>
    %dma_start3A_28 = arith.constant 0 : i32
    %dma_start3A_29 = arith.constant 0 : i32
    %dma_start3A_30 = tpu.memref_slice %arg3[%dma_start3A_28, %dma_start3A_29] : memref<10240x128xf32, #tpu.memory_space<hbm>> -> memref<10240x128xf32, #tpu.memory_space<hbm>>
    tpu.enqueue_indirect_dma source(%dma_start3A_30 : memref<10240x128xf32, #tpu.memory_space<hbm>>) target(%arg9 : memref<128x128xf32, #tpu.memory_space<vmem>>) offsets(%dma_start3A_27 : memref<128xi32, #tpu.memory_space<vmem>>) semaphore(%arg14 : memref<!tpu.dma_semaphore, #tpu.memory_space<semaphore_mem>>)
    %dma_start3A_31 = arith.constant 128 : i32
    %dma_start3A_32 = tpu.memref_slice %arg7[%dma_start3A_31] : memref<4992xi32, #tpu.memory_space<vmem>> -> memref<128xi32, #tpu.memory_space<vmem>>
    %dma_start3A_33 = arith.constant 0 : i32
    %dma_start3A_34 = arith.constant 0 : i32
    %dma_start3A_35 = tpu.memref_slice %arg3[%dma_start3A_33, %dma_start3A_34] : memref<10240x128xf32, #tpu.memory_space<hbm>> -> memref<10240x128xf32, #tpu.memory_space<hbm>>
    tpu.enqueue_indirect_dma source(%dma_start3A_35 : memref<10240x128xf32, #tpu.memory_space<hbm>>) target(%arg10 : memref<128x128xf32, #tpu.memory_space<vmem>>) offsets(%dma_start3A_32 : memref<128xi32, #tpu.memory_space<vmem>>) semaphore(%arg15 : memref<!tpu.dma_semaphore, #tpu.memory_space<semaphore_mem>>)
    %scan3A_36 = arith.constant 0 : i32
    %scan3A_37 = arith.constant 0 : i32
    %scan3A_38 = arith.constant 19 : i32
    %scan3A_39 = arith.addi %scan3A_37, %scan3A_38 : i32
    %scan3A_40 = arith.constant 1 : i32
    scf.for %scan3A_60 = %scan3A_37 to %scan3A_39 step %scan3A_40  : i32 {
      %mul3A_61 = arith.constant 2 : i32
      %mul3A_62 = arith.muli %mul3A_61, %scan3A_60 : i32
      %add3A_63 = arith.constant 0 : i32
      %add3A_64 = arith.addi %mul3A_62, %add3A_63 : i32
      %mul3A_65 = arith.constant 128 : i32
      %mul3A_66 = arith.muli %add3A_64, %mul3A_65 : i32
      %dma_wait3A_67 = tpu.memref_slice %arg7[%mul3A_66] : memref<4992xi32, #tpu.memory_space<vmem>> -> memref<128xi32, #tpu.memory_space<vmem>>
      %dma_wait3A_68 = arith.constant 0 : i32
      %dma_wait3A_69 = arith.constant 0 : i32
      %dma_wait3A_70 = tpu.memref_slice %arg3[%dma_wait3A_68, %dma_wait3A_69] : memref<10240x128xf32, #tpu.memory_space<hbm>> -> memref<10240x128xf32, #tpu.memory_space<hbm>>
      tpu.wait_indirect_dma semaphore(%arg14 : memref<!tpu.dma_semaphore, #tpu.memory_space<semaphore_mem>>) src(%dma_wait3A_70 : memref<10240x128xf32, #tpu.memory_space<hbm>>) dst(%arg9 : memref<128x128xf32, #tpu.memory_space<vmem>>)
      %mul3A_71 = arith.constant 128 : i32
      %mul3A_72 = arith.muli %add3A_64, %mul3A_71 : i32
      "tpu.region"() ({
        %run_scoped3A_96 = tpu.sem_alloc : memref<!tpu.dma_semaphore, #tpu.memory_space<semaphore_mem>>
        %dma_start3A_97 = tpu.memref_slice %arg8[%mul3A_72] : memref<4992xi32, #tpu.memory_space<vmem>> -> memref<128xi32, #tpu.memory_space<vmem>>
        %dma_start3A_98 = arith.constant 0 : i32
        %dma_start3A_99 = arith.constant 0 : i32
        %dma_start3A_100 = tpu.memref_slice %arg6[%dma_start3A_98, %dma_start3A_99] : memref<10240x128xf32, #tpu.memory_space<vmem_shared>> -> memref<10240x128xf32, #tpu.memory_space<vmem_shared>>
        tpu.enqueue_indirect_dma source(%arg9 : memref<128x128xf32, #tpu.memory_space<vmem>>) target(%dma_start3A_100 : memref<10240x128xf32, #tpu.memory_space<vmem_shared>>) offsets(%dma_start3A_97 : memref<128xi32, #tpu.memory_space<vmem>>) semaphore(%run_scoped3A_96 : memref<!tpu.dma_semaphore, #tpu.memory_space<semaphore_mem>>) {add = true}
        %dma_wait3A_101 = tpu.memref_slice %arg8[%mul3A_72] : memref<4992xi32, #tpu.memory_space<vmem>> -> memref<128xi32, #tpu.memory_space<vmem>>
        %dma_wait3A_102 = arith.constant 0 : i32
        %dma_wait3A_103 = arith.constant 0 : i32
        %dma_wait3A_104 = tpu.memref_slice %arg6[%dma_wait3A_102, %dma_wait3A_103] : memref<10240x128xf32, #tpu.memory_space<vmem_shared>> -> memref<10240x128xf32, #tpu.memory_space<vmem_shared>>
        tpu.wait_indirect_dma semaphore(%run_scoped3A_96 : memref<!tpu.dma_semaphore, #tpu.memory_space<semaphore_mem>>) src(%arg9 : memref<128x128xf32, #tpu.memory_space<vmem>>) dst(%dma_wait3A_104 : memref<10240x128xf32, #tpu.memory_space<vmem_shared>>)
        tpu.yield
      }) : () -> ()
      %add3A_73 = arith.constant 2 : i32
      %add3A_74 = arith.addi %add3A_64, %add3A_73 : i32
      %lt3A = arith.constant 39 : i32
      %lt3A_75 = arith.cmpi slt, %add3A_74, %lt3A : i32
      %convert_element_type3A = arith.extui %lt3A_75 : i1 to i32
      %cond3A = arith.constant 0 : i32
      %cond3A_76 = arith.cmpi ne, %convert_element_type3A, %cond3A : i32
      scf.if %cond3A_76 {
        %add3A_96 = arith.constant 2 : i32
        %add3A_97 = arith.addi %add3A_64, %add3A_96 : i32
        %mul3A_98 = arith.constant 128 : i32
        %mul3A_99 = arith.muli %add3A_97, %mul3A_98 : i32
        %dma_start3A_100 = tpu.memref_slice %arg7[%mul3A_99] : memref<4992xi32, #tpu.memory_space<vmem>> -> memref<128xi32, #tpu.memory_space<vmem>>
        %dma_start3A_101 = arith.constant 0 : i32
        %dma_start3A_102 = arith.constant 0 : i32
        %dma_start3A_103 = tpu.memref_slice %arg3[%dma_start3A_101, %dma_start3A_102] : memref<10240x128xf32, #tpu.memory_space<hbm>> -> memref<10240x128xf32, #tpu.memory_space<hbm>>
        tpu.enqueue_indirect_dma source(%dma_start3A_103 : memref<10240x128xf32, #tpu.memory_space<hbm>>) target(%arg9 : memref<128x128xf32, #tpu.memory_space<vmem>>) offsets(%dma_start3A_100 : memref<128xi32, #tpu.memory_space<vmem>>) semaphore(%arg14 : memref<!tpu.dma_semaphore, #tpu.memory_space<semaphore_mem>>)
      } else {
      }
      %mul3A_77 = arith.constant 2 : i32
      %mul3A_78 = arith.muli %mul3A_77, %scan3A_60 : i32
      %add3A_79 = arith.constant 1 : i32
      %add3A_80 = arith.addi %mul3A_78, %add3A_79 : i32
      %mul3A_81 = arith.constant 128 : i32
      %mul3A_82 = arith.muli %add3A_80, %mul3A_81 : i32
      %dma_wait3A_83 = tpu.memref_slice %arg7[%mul3A_82] : memref<4992xi32, #tpu.memory_space<vmem>> -> memref<128xi32, #tpu.memory_space<vmem>>
      %dma_wait3A_84 = arith.constant 0 : i32
      %dma_wait3A_85 = arith.constant 0 : i32
      %dma_wait3A_86 = tpu.memref_slice %arg3[%dma_wait3A_84, %dma_wait3A_85] : memref<10240x128xf32, #tpu.memory_space<hbm>> -> memref<10240x128xf32, #tpu.memory_space<hbm>>
      tpu.wait_indirect_dma semaphore(%arg15 : memref<!tpu.dma_semaphore, #tpu.memory_space<semaphore_mem>>) src(%dma_wait3A_86 : memref<10240x128xf32, #tpu.memory_space<hbm>>) dst(%arg10 : memref<128x128xf32, #tpu.memory_space<vmem>>)
      %mul3A_87 = arith.constant 128 : i32
      %mul3A_88 = arith.muli %add3A_80, %mul3A_87 : i32
      "tpu.region"() ({
        %run_scoped3A_96 = tpu.sem_alloc : memref<!tpu.dma_semaphore, #tpu.memory_space<semaphore_mem>>
        %dma_start3A_97 = tpu.memref_slice %arg8[%mul3A_88] : memref<4992xi32, #tpu.memory_space<vmem>> -> memref<128xi32, #tpu.memory_space<vmem>>
        %dma_start3A_98 = arith.constant 0 : i32
        %dma_start3A_99 = arith.constant 0 : i32
        %dma_start3A_100 = tpu.memref_slice %arg6[%dma_start3A_98, %dma_start3A_99] : memref<10240x128xf32, #tpu.memory_space<vmem_shared>> -> memref<10240x128xf32, #tpu.memory_space<vmem_shared>>
        tpu.enqueue_indirect_dma source(%arg10 : memref<128x128xf32, #tpu.memory_space<vmem>>) target(%dma_start3A_100 : memref<10240x128xf32, #tpu.memory_space<vmem_shared>>) offsets(%dma_start3A_97 : memref<128xi32, #tpu.memory_space<vmem>>) semaphore(%run_scoped3A_96 : memref<!tpu.dma_semaphore, #tpu.memory_space<semaphore_mem>>) {add = true}
        %dma_wait3A_101 = tpu.memref_slice %arg8[%mul3A_88] : memref<4992xi32, #tpu.memory_space<vmem>> -> memref<128xi32, #tpu.memory_space<vmem>>
        %dma_wait3A_102 = arith.constant 0 : i32
        %dma_wait3A_103 = arith.constant 0 : i32
        %dma_wait3A_104 = tpu.memref_slice %arg6[%dma_wait3A_102, %dma_wait3A_103] : memref<10240x128xf32, #tpu.memory_space<vmem_shared>> -> memref<10240x128xf32, #tpu.memory_space<vmem_shared>>
        tpu.wait_indirect_dma semaphore(%run_scoped3A_96 : memref<!tpu.dma_semaphore, #tpu.memory_space<semaphore_mem>>) src(%arg10 : memref<128x128xf32, #tpu.memory_space<vmem>>) dst(%dma_wait3A_104 : memref<10240x128xf32, #tpu.memory_space<vmem_shared>>)
        tpu.yield
      }) : () -> ()
      %add3A_89 = arith.constant 2 : i32
      %add3A_90 = arith.addi %add3A_80, %add3A_89 : i32
      %lt3A_91 = arith.constant 39 : i32
      %lt3A_92 = arith.cmpi slt, %add3A_90, %lt3A_91 : i32
      %convert_element_type3A_93 = arith.extui %lt3A_92 : i1 to i32
      %cond3A_94 = arith.constant 0 : i32
      %cond3A_95 = arith.cmpi ne, %convert_element_type3A_93, %cond3A_94 : i32
      scf.if %cond3A_95 {
        %add3A_96 = arith.constant 2 : i32
        %add3A_97 = arith.addi %add3A_80, %add3A_96 : i32
        %mul3A_98 = arith.constant 128 : i32
        %mul3A_99 = arith.muli %add3A_97, %mul3A_98 : i32
        %dma_start3A_100 = tpu.memref_slice %arg7[%mul3A_99] : memref<4992xi32, #tpu.memory_space<vmem>> -> memref<128xi32, #tpu.memory_space<vmem>>
        %dma_start3A_101 = arith.constant 0 : i32
        %dma_start3A_102 = arith.constant 0 : i32
        %dma_start3A_103 = tpu.memref_slice %arg3[%dma_start3A_101, %dma_start3A_102] : memref<10240x128xf32, #tpu.memory_space<hbm>> -> memref<10240x128xf32, #tpu.memory_space<hbm>>
        tpu.enqueue_indirect_dma source(%dma_start3A_103 : memref<10240x128xf32, #tpu.memory_space<hbm>>) target(%arg10 : memref<128x128xf32, #tpu.memory_space<vmem>>) offsets(%dma_start3A_100 : memref<128xi32, #tpu.memory_space<vmem>>) semaphore(%arg15 : memref<!tpu.dma_semaphore, #tpu.memory_space<semaphore_mem>>)
      } else {
      }
    }
    %scan3A_41 = arith.constant 19 : i32
    %dma_wait3A_42 = arith.constant 4864 : i32
    %dma_wait3A_43 = tpu.memref_slice %arg7[%dma_wait3A_42] : memref<4992xi32, #tpu.memory_space<vmem>> -> memref<128xi32, #tpu.memory_space<vmem>>
    %dma_wait3A_44 = arith.constant 0 : i32
    %dma_wait3A_45 = arith.constant 0 : i32
    %dma_wait3A_46 = tpu.memref_slice %arg3[%dma_wait3A_44, %dma_wait3A_45] : memref<10240x128xf32, #tpu.memory_space<hbm>> -> memref<10240x128xf32, #tpu.memory_space<hbm>>
    tpu.wait_indirect_dma semaphore(%arg14 : memref<!tpu.dma_semaphore, #tpu.memory_space<semaphore_mem>>) src(%dma_wait3A_46 : memref<10240x128xf32, #tpu.memory_space<hbm>>) dst(%arg9 : memref<128x128xf32, #tpu.memory_space<vmem>>)
    "tpu.region"() ({
      %run_scoped3A_60 = tpu.sem_alloc : memref<!tpu.dma_semaphore, #tpu.memory_space<semaphore_mem>>
      %dma_start3A_61 = arith.constant 4864 : i32
      %dma_start3A_62 = tpu.memref_slice %arg8[%dma_start3A_61] : memref<4992xi32, #tpu.memory_space<vmem>> -> memref<128xi32, #tpu.memory_space<vmem>>
      %dma_start3A_63 = arith.constant 0 : i32
      %dma_start3A_64 = arith.constant 0 : i32
      %dma_start3A_65 = tpu.memref_slice %arg6[%dma_start3A_63, %dma_start3A_64] : memref<10240x128xf32, #tpu.memory_space<vmem_shared>> -> memref<10240x128xf32, #tpu.memory_space<vmem_shared>>
      tpu.enqueue_indirect_dma source(%arg9 : memref<128x128xf32, #tpu.memory_space<vmem>>) target(%dma_start3A_65 : memref<10240x128xf32, #tpu.memory_space<vmem_shared>>) offsets(%dma_start3A_62 : memref<128xi32, #tpu.memory_space<vmem>>) semaphore(%run_scoped3A_60 : memref<!tpu.dma_semaphore, #tpu.memory_space<semaphore_mem>>) {add = true}
      %dma_wait3A_66 = arith.constant 4864 : i32
      %dma_wait3A_67 = tpu.memref_slice %arg8[%dma_wait3A_66] : memref<4992xi32, #tpu.memory_space<vmem>> -> memref<128xi32, #tpu.memory_space<vmem>>
      %dma_wait3A_68 = arith.constant 0 : i32
      %dma_wait3A_69 = arith.constant 0 : i32
      %dma_wait3A_70 = tpu.memref_slice %arg6[%dma_wait3A_68, %dma_wait3A_69] : memref<10240x128xf32, #tpu.memory_space<vmem_shared>> -> memref<10240x128xf32, #tpu.memory_space<vmem_shared>>
      tpu.wait_indirect_dma semaphore(%run_scoped3A_60 : memref<!tpu.dma_semaphore, #tpu.memory_space<semaphore_mem>>) src(%arg9 : memref<128x128xf32, #tpu.memory_space<vmem>>) dst(%dma_wait3A_70 : memref<10240x128xf32, #tpu.memory_space<vmem_shared>>)
      tpu.yield
    }) : () -> ()
    %run_scoped3A_47 = arith.constant 0 : i32
    "tpu.region"() ({
      %run_scoped3A_60 = tpu.sem_alloc : memref<!tpu.dma_semaphore, #tpu.memory_space<semaphore_mem>>
      %dma_start3A_61 = arith.constant 9984 : i32
      %dma_start3A_62 = tpu.memref_slice %arg2[%run_scoped3A_47, %add3A, %dma_start3A_61] : memref<2x32x10000xi32, #tpu.memory_space<hbm>> -> memref<1x1x16xi32, #tpu.memory_space<hbm>>
      %dma_start3A_63 = tpu.memref_squeeze %dma_start3A_62 : memref<1x1x16xi32, #tpu.memory_space<hbm>> -> memref<16xi32, #tpu.memory_space<hbm>>
      %dma_start3A_64 = arith.constant 9984 : i32
      %dma_start3A_65 = tpu.memref_slice %arg2[%run_scoped3A_47, %add3A, %dma_start3A_64] : memref<2x32x10000xi32, #tpu.memory_space<hbm>> -> memref<1x1x16xi32, #tpu.memory_space<hbm>>
      %dma_start3A_66 = tpu.memref_squeeze %dma_start3A_65 : memref<1x1x16xi32, #tpu.memory_space<hbm>> -> memref<16xi32, #tpu.memory_space<hbm>>
      tpu.enqueue_dma source(%dma_start3A_66 : memref<16xi32, #tpu.memory_space<hbm>>) target(%arg12 : memref<16xi32, #tpu.memory_space<vmem>>) target_semaphore(%run_scoped3A_60 : memref<!tpu.dma_semaphore, #tpu.memory_space<semaphore_mem>>)
      %dma_wait3A_67 = arith.constant 9984 : i32
      %dma_wait3A_68 = tpu.memref_slice %arg2[%run_scoped3A_47, %add3A, %dma_wait3A_67] : memref<2x32x10000xi32, #tpu.memory_space<hbm>> -> memref<1x1x16xi32, #tpu.memory_space<hbm>>
      %dma_wait3A_69 = tpu.memref_squeeze %dma_wait3A_68 : memref<1x1x16xi32, #tpu.memory_space<hbm>> -> memref<16xi32, #tpu.memory_space<hbm>>
      %dma_wait3A_70 = arith.constant 9984 : i32
      %dma_wait3A_71 = tpu.memref_slice %arg2[%run_scoped3A_47, %add3A, %dma_wait3A_70] : memref<2x32x10000xi32, #tpu.memory_space<hbm>> -> memref<1x1x16xi32, #tpu.memory_space<hbm>>
      %dma_wait3A_72 = tpu.memref_squeeze %dma_wait3A_71 : memref<1x1x16xi32, #tpu.memory_space<hbm>> -> memref<16xi32, #tpu.memory_space<hbm>>
      tpu.wait_dma2 semaphore(%run_scoped3A_60 : memref<!tpu.dma_semaphore, #tpu.memory_space<semaphore_mem>>) src(%dma_wait3A_72 : memref<16xi32, #tpu.memory_space<hbm>>) dst(%arg12 : memref<16xi32, #tpu.memory_space<vmem>>)
      tpu.yield
    }) : () -> ()
    %run_scoped3A_48 = arith.constant 1 : i32
    "tpu.region"() ({
      %run_scoped3A_60 = tpu.sem_alloc : memref<!tpu.dma_semaphore, #tpu.memory_space<semaphore_mem>>
      %dma_start3A_61 = arith.constant 9984 : i32
      %dma_start3A_62 = tpu.memref_slice %arg2[%run_scoped3A_48, %add3A, %dma_start3A_61] : memref<2x32x10000xi32, #tpu.memory_space<hbm>> -> memref<1x1x16xi32, #tpu.memory_space<hbm>>
      %dma_start3A_63 = tpu.memref_squeeze %dma_start3A_62 : memref<1x1x16xi32, #tpu.memory_space<hbm>> -> memref<16xi32, #tpu.memory_space<hbm>>
      %dma_start3A_64 = arith.constant 9984 : i32
      %dma_start3A_65 = tpu.memref_slice %arg2[%run_scoped3A_48, %add3A, %dma_start3A_64] : memref<2x32x10000xi32, #tpu.memory_space<hbm>> -> memref<1x1x16xi32, #tpu.memory_space<hbm>>
      %dma_start3A_66 = tpu.memref_squeeze %dma_start3A_65 : memref<1x1x16xi32, #tpu.memory_space<hbm>> -> memref<16xi32, #tpu.memory_space<hbm>>
      tpu.enqueue_dma source(%dma_start3A_66 : memref<16xi32, #tpu.memory_space<hbm>>) target(%arg13 : memref<16xi32, #tpu.memory_space<vmem>>) target_semaphore(%run_scoped3A_60 : memref<!tpu.dma_semaphore, #tpu.memory_space<semaphore_mem>>)
      %dma_wait3A_67 = arith.constant 9984 : i32
      %dma_wait3A_68 = tpu.memref_slice %arg2[%run_scoped3A_48, %add3A, %dma_wait3A_67] : memref<2x32x10000xi32, #tpu.memory_space<hbm>> -> memref<1x1x16xi32, #tpu.memory_space<hbm>>
      %dma_wait3A_69 = tpu.memref_squeeze %dma_wait3A_68 : memref<1x1x16xi32, #tpu.memory_space<hbm>> -> memref<16xi32, #tpu.memory_space<hbm>>
      %dma_wait3A_70 = arith.constant 9984 : i32
      %dma_wait3A_71 = tpu.memref_slice %arg2[%run_scoped3A_48, %add3A, %dma_wait3A_70] : memref<2x32x10000xi32, #tpu.memory_space<hbm>> -> memref<1x1x16xi32, #tpu.memory_space<hbm>>
      %dma_wait3A_72 = tpu.memref_squeeze %dma_wait3A_71 : memref<1x1x16xi32, #tpu.memory_space<hbm>> -> memref<16xi32, #tpu.memory_space<hbm>>
      tpu.wait_dma2 semaphore(%run_scoped3A_60 : memref<!tpu.dma_semaphore, #tpu.memory_space<semaphore_mem>>) src(%dma_wait3A_72 : memref<16xi32, #tpu.memory_space<hbm>>) dst(%arg13 : memref<16xi32, #tpu.memory_space<vmem>>)
      tpu.yield
    }) : () -> ()
    %dma_start3A_49 = arith.constant 0 : i32
    %dma_start3A_50 = arith.constant 0 : i32
    %dma_start3A_51 = tpu.memref_slice %arg3[%dma_start3A_49, %dma_start3A_50] : memref<10240x128xf32, #tpu.memory_space<hbm>> -> memref<10240x128xf32, #tpu.memory_space<hbm>>
    tpu.enqueue_indirect_dma source(%dma_start3A_51 : memref<10240x128xf32, #tpu.memory_space<hbm>>) target(%arg11 : memref<16x128xf32, #tpu.memory_space<vmem>>) offsets(%arg12 : memref<16xi32, #tpu.memory_space<vmem>>) semaphore(%arg14 : memref<!tpu.dma_semaphore, #tpu.memory_space<semaphore_mem>>)
    %dma_wait3A_52 = arith.constant 0 : i32
    %dma_wait3A_53 = arith.constant 0 : i32
    %dma_wait3A_54 = tpu.memref_slice %arg3[%dma_wait3A_52, %dma_wait3A_53] : memref<10240x128xf32, #tpu.memory_space<hbm>> -> memref<10240x128xf32, #tpu.memory_space<hbm>>
    tpu.wait_indirect_dma semaphore(%arg14 : memref<!tpu.dma_semaphore, #tpu.memory_space<semaphore_mem>>) src(%dma_wait3A_54 : memref<10240x128xf32, #tpu.memory_space<hbm>>) dst(%arg11 : memref<16x128xf32, #tpu.memory_space<vmem>>)
    "tpu.region"() ({
      %run_scoped3A_60 = tpu.sem_alloc : memref<!tpu.dma_semaphore, #tpu.memory_space<semaphore_mem>>
      %dma_start3A_61 = arith.constant 0 : i32
      %dma_start3A_62 = arith.constant 0 : i32
      %dma_start3A_63 = tpu.memref_slice %arg6[%dma_start3A_61, %dma_start3A_62] : memref<10240x128xf32, #tpu.memory_space<vmem_shared>> -> memref<10240x128xf32, #tpu.memory_space<vmem_shared>>
      tpu.enqueue_indirect_dma source(%arg11 : memref<16x128xf32, #tpu.memory_space<vmem>>) target(%dma_start3A_63 : memref<10240x128xf32, #tpu.memory_space<vmem_shared>>) offsets(%arg13 : memref<16xi32, #tpu.memory_space<vmem>>) semaphore(%run_scoped3A_60 : memref<!tpu.dma_semaphore, #tpu.memory_space<semaphore_mem>>) {add = true}
      %dma_wait3A_64 = arith.constant 0 : i32
      %dma_wait3A_65 = arith.constant 0 : i32
      %dma_wait3A_66 = tpu.memref_slice %arg6[%dma_wait3A_64, %dma_wait3A_65] : memref<10240x128xf32, #tpu.memory_space<vmem_shared>> -> memref<10240x128xf32, #tpu.memory_space<vmem_shared>>
      tpu.wait_indirect_dma semaphore(%run_scoped3A_60 : memref<!tpu.dma_semaphore, #tpu.memory_space<semaphore_mem>>) src(%arg11 : memref<16x128xf32, #tpu.memory_space<vmem>>) dst(%dma_wait3A_66 : memref<10240x128xf32, #tpu.memory_space<vmem_shared>>)
      tpu.yield
    }) : () -> ()
    %barrier3A_55 = arith.constant 0 : index
    tpu.barrier barrier_id(%barrier3A_55)
    %mul3A_56 = arith.constant 640 : i32
    %mul3A_57 = arith.muli %arg1, %mul3A_56 : i32
    %mul3A_58 = arith.constant 640 : i32
    %mul3A_59 = arith.muli %arg1, %mul3A_58 : i32
    "tpu.region"() ({
      %run_scoped3A_60 = tpu.sem_alloc : memref<!tpu.dma_semaphore, #tpu.memory_space<semaphore_mem>>
      %dma_start3A_61 = arith.constant 0 : i32
      %dma_start3A_62 = tpu.memref_slice %arg5[%arg0, %mul3A_59, %dma_start3A_61] : memref<2x10240x128xf32, #tpu.memory_space<hbm>> -> memref<1x640x128xf32, #tpu.memory_space<hbm>>
      %dma_start3A_63 = tpu.memref_squeeze %dma_start3A_62 : memref<1x640x128xf32, #tpu.memory_space<hbm>> -> memref<640x128xf32, #tpu.memory_space<hbm>>
      %dma_start3A_64 = arith.constant 0 : i32
      %dma_start3A_65 = tpu.memref_slice %arg6[%mul3A_57, %dma_start3A_64] : memref<10240x128xf32, #tpu.memory_space<vmem_shared>> -> memref<640x128xf32, #tpu.memory_space<vmem_shared>>
      tpu.enqueue_dma source(%dma_start3A_65 : memref<640x128xf32, #tpu.memory_space<vmem_shared>>) target(%dma_start3A_63 : memref<640x128xf32, #tpu.memory_space<hbm>>) target_semaphore(%run_scoped3A_60 : memref<!tpu.dma_semaphore, #tpu.memory_space<semaphore_mem>>)
      %dma_wait3A_66 = arith.constant 0 : i32
      %dma_wait3A_67 = tpu.memref_slice %arg5[%arg0, %mul3A_59, %dma_wait3A_66] : memref<2x10240x128xf32, #tpu.memory_space<hbm>> -> memref<1x640x128xf32, #tpu.memory_space<hbm>>
      %dma_wait3A_68 = tpu.memref_squeeze %dma_wait3A_67 : memref<1x640x128xf32, #tpu.memory_space<hbm>> -> memref<640x128xf32, #tpu.memory_space<hbm>>
      %dma_wait3A_69 = arith.constant 0 : i32
      %dma_wait3A_70 = tpu.memref_slice %arg6[%mul3A_57, %dma_wait3A_69] : memref<10240x128xf32, #tpu.memory_space<vmem_shared>> -> memref<640x128xf32, #tpu.memory_space<vmem_shared>>
      tpu.wait_dma2 semaphore(%run_scoped3A_60 : memref<!tpu.dma_semaphore, #tpu.memory_space<semaphore_mem>>) src(%dma_wait3A_70 : memref<640x128xf32, #tpu.memory_space<vmem_shared>>) dst(%dma_wait3A_68 : memref<640x128xf32, #tpu.memory_space<hbm>>)
      tpu.yield
    }) : () -> ()
    return
  }
}

#map = affine_map<(d0, d1) -> (0, 0, 0)>
#map1 = affine_map<(d0, d1) -> (0, 0)>
module attributes {stable_mosaic.version = 14 : i64} {
  func.func @_sc_agg_body(%arg0: i32, %arg1: i32, %arg2: memref<2x32x10000xi32, #tpu.memory_space<hbm>>, %arg3: memref<10240x128xf32, #tpu.memory_space<hbm>>, %arg4: memref<10240x128xf32, #tpu.memory_space<hbm>>, %arg5: memref<2x10240x128xf32, #tpu.memory_space<hbm>>, %arg6: memref<10240x128xf32, #tpu.memory_space<vmem_shared>>, %arg7: memref<4992xi32, #tpu.memory_space<vmem>>, %arg8: memref<4992xi32, #tpu.memory_space<vmem>>, %arg9: memref<128x128xf32, #tpu.memory_space<vmem>>, %arg10: memref<128x128xf32, #tpu.memory_space<vmem>>, %arg11: memref<16x128xf32, #tpu.memory_space<vmem>>, %arg12: memref<16xi32, #tpu.memory_space<vmem>>, %arg13: memref<16xi32, #tpu.memory_space<vmem>>, %arg14: memref<!tpu.dma_semaphore, #tpu.memory_space<semaphore_mem>>, %arg15: memref<!tpu.dma_semaphore, #tpu.memory_space<semaphore_mem>>) attributes {dimension_semantics = [#tpu.dimension_semantics<core_parallel>, #tpu.dimension_semantics<subcore_parallel>], iteration_bounds = array<i64: 2, 16>, scalar_prefetch = 0 : i64, scratch_operands = 10 : i64, tpu.core_type = #tpu.core_type<sc_vector_subcore>, window_params = [{transform_indices = #map}, {transform_indices = #map1}, {transform_indices = #map1}, {transform_indices = #map}]} {
    %mul3A = arith.constant 16 : i32
    %mul3A_0 = arith.muli %arg0, %mul3A : i32
    %add3A = arith.addi %mul3A_0, %arg1 : i32
    %mul3A_1 = arith.constant 640 : i32
    %mul3A_2 = arith.muli %arg1, %mul3A_1 : i32
    %mul3A_3 = arith.constant 640 : i32
    %mul3A_4 = arith.muli %arg1, %mul3A_3 : i32
    "tpu.region"() ({
      %run_scoped3A_60 = tpu.sem_alloc : memref<!tpu.dma_semaphore, #tpu.memory_space<semaphore_mem>>
      %dma_start3A_61 = arith.constant 0 : i32
      %dma_start3A_62 = tpu.memref_slice %arg6[%mul3A_4, %dma_start3A_61] : memref<10240x128xf32, #tpu.memory_space<vmem_shared>> -> memref<640x128xf32, #tpu.memory_space<vmem_shared>>
      %dma_start3A_63 = arith.constant 0 : i32
      %dma_start3A_64 = tpu.memref_slice %arg4[%mul3A_2, %dma_start3A_63] : memref<10240x128xf32, #tpu.memory_space<hbm>> -> memref<640x128xf32, #tpu.memory_space<hbm>>
      tpu.enqueue_dma source(%dma_start3A_64 : memref<640x128xf32, #tpu.memory_space<hbm>>) target(%dma_start3A_62 : memref<640x128xf32, #tpu.memory_space<vmem_shared>>) target_semaphore(%run_scoped3A_60 : memref<!tpu.dma_semaphore, #tpu.memory_space<semaphore_mem>>)
      %dma_wait3A_65 = arith.constant 0 : i32
      %dma_wait3A_66 = tpu.memref_slice %arg6[%mul3A_4, %dma_wait3A_65] : memref<10240x128xf32, #tpu.memory_space<vmem_shared>> -> memref<640x128xf32, #tpu.memory_space<vmem_shared>>
      %dma_wait3A_67 = arith.constant 0 : i32
      %dma_wait3A_68 = tpu.memref_slice %arg4[%mul3A_2, %dma_wait3A_67] : memref<10240x128xf32, #tpu.memory_space<hbm>> -> memref<640x128xf32, #tpu.memory_space<hbm>>
      tpu.wait_dma2 semaphore(%run_scoped3A_60 : memref<!tpu.dma_semaphore, #tpu.memory_space<semaphore_mem>>) src(%dma_wait3A_68 : memref<640x128xf32, #tpu.memory_space<hbm>>) dst(%dma_wait3A_66 : memref<640x128xf32, #tpu.memory_space<vmem_shared>>)
      tpu.yield
    }) : () -> ()
    %barrier3A = arith.constant 0 : index
    tpu.barrier barrier_id(%barrier3A)
    %run_scoped3A = arith.constant 0 : i32
    "tpu.region"() ({
      %run_scoped3A_60 = tpu.sem_alloc : memref<!tpu.dma_semaphore, #tpu.memory_space<semaphore_mem>>
      %dma_start3A_61 = arith.constant 0 : i32
      %dma_start3A_62 = tpu.memref_slice %arg2[%run_scoped3A, %add3A, %dma_start3A_61] : memref<2x32x10000xi32, #tpu.memory_space<hbm>> -> memref<1x1x4992xi32, #tpu.memory_space<hbm>>
      %dma_start3A_63 = tpu.memref_squeeze %dma_start3A_62 : memref<1x1x4992xi32, #tpu.memory_space<hbm>> -> memref<4992xi32, #tpu.memory_space<hbm>>
      %dma_start3A_64 = arith.constant 0 : i32
      %dma_start3A_65 = tpu.memref_slice %arg2[%run_scoped3A, %add3A, %dma_start3A_64] : memref<2x32x10000xi32, #tpu.memory_space<hbm>> -> memref<1x1x4992xi32, #tpu.memory_space<hbm>>
      %dma_start3A_66 = tpu.memref_squeeze %dma_start3A_65 : memref<1x1x4992xi32, #tpu.memory_space<hbm>> -> memref<4992xi32, #tpu.memory_space<hbm>>
      tpu.enqueue_dma source(%dma_start3A_66 : memref<4992xi32, #tpu.memory_space<hbm>>) target(%arg7 : memref<4992xi32, #tpu.memory_space<vmem>>) target_semaphore(%run_scoped3A_60 : memref<!tpu.dma_semaphore, #tpu.memory_space<semaphore_mem>>)
      %dma_wait3A_67 = arith.constant 0 : i32
      %dma_wait3A_68 = tpu.memref_slice %arg2[%run_scoped3A, %add3A, %dma_wait3A_67] : memref<2x32x10000xi32, #tpu.memory_space<hbm>> -> memref<1x1x4992xi32, #tpu.memory_space<hbm>>
      %dma_wait3A_69 = tpu.memref_squeeze %dma_wait3A_68 : memref<1x1x4992xi32, #tpu.memory_space<hbm>> -> memref<4992xi32, #tpu.memory_space<hbm>>
      %dma_wait3A_70 = arith.constant 0 : i32
      %dma_wait3A_71 = tpu.memref_slice %arg2[%run_scoped3A, %add3A, %dma_wait3A_70] : memref<2x32x10000xi32, #tpu.memory_space<hbm>> -> memref<1x1x4992xi32, #tpu.memory_space<hbm>>
      %dma_wait3A_72 = tpu.memref_squeeze %dma_wait3A_71 : memref<1x1x4992xi32, #tpu.memory_space<hbm>> -> memref<4992xi32, #tpu.memory_space<hbm>>
      tpu.wait_dma2 semaphore(%run_scoped3A_60 : memref<!tpu.dma_semaphore, #tpu.memory_space<semaphore_mem>>) src(%dma_wait3A_72 : memref<4992xi32, #tpu.memory_space<hbm>>) dst(%arg7 : memref<4992xi32, #tpu.memory_space<vmem>>)
      tpu.yield
    }) : () -> ()
    %run_scoped3A_5 = arith.constant 1 : i32
    "tpu.region"() ({
      %run_scoped3A_60 = tpu.sem_alloc : memref<!tpu.dma_semaphore, #tpu.memory_space<semaphore_mem>>
      %dma_start3A_61 = arith.constant 0 : i32
      %dma_start3A_62 = tpu.memref_slice %arg2[%run_scoped3A_5, %add3A, %dma_start3A_61] : memref<2x32x10000xi32, #tpu.memory_space<hbm>> -> memref<1x1x4992xi32, #tpu.memory_space<hbm>>
      %dma_start3A_63 = tpu.memref_squeeze %dma_start3A_62 : memref<1x1x4992xi32, #tpu.memory_space<hbm>> -> memref<4992xi32, #tpu.memory_space<hbm>>
      %dma_start3A_64 = arith.constant 0 : i32
      %dma_start3A_65 = tpu.memref_slice %arg2[%run_scoped3A_5, %add3A, %dma_start3A_64] : memref<2x32x10000xi32, #tpu.memory_space<hbm>> -> memref<1x1x4992xi32, #tpu.memory_space<hbm>>
      %dma_start3A_66 = tpu.memref_squeeze %dma_start3A_65 : memref<1x1x4992xi32, #tpu.memory_space<hbm>> -> memref<4992xi32, #tpu.memory_space<hbm>>
      tpu.enqueue_dma source(%dma_start3A_66 : memref<4992xi32, #tpu.memory_space<hbm>>) target(%arg8 : memref<4992xi32, #tpu.memory_space<vmem>>) target_semaphore(%run_scoped3A_60 : memref<!tpu.dma_semaphore, #tpu.memory_space<semaphore_mem>>)
      %dma_wait3A_67 = arith.constant 0 : i32
      %dma_wait3A_68 = tpu.memref_slice %arg2[%run_scoped3A_5, %add3A, %dma_wait3A_67] : memref<2x32x10000xi32, #tpu.memory_space<hbm>> -> memref<1x1x4992xi32, #tpu.memory_space<hbm>>
      %dma_wait3A_69 = tpu.memref_squeeze %dma_wait3A_68 : memref<1x1x4992xi32, #tpu.memory_space<hbm>> -> memref<4992xi32, #tpu.memory_space<hbm>>
      %dma_wait3A_70 = arith.constant 0 : i32
      %dma_wait3A_71 = tpu.memref_slice %arg2[%run_scoped3A_5, %add3A, %dma_wait3A_70] : memref<2x32x10000xi32, #tpu.memory_space<hbm>> -> memref<1x1x4992xi32, #tpu.memory_space<hbm>>
      %dma_wait3A_72 = tpu.memref_squeeze %dma_wait3A_71 : memref<1x1x4992xi32, #tpu.memory_space<hbm>> -> memref<4992xi32, #tpu.memory_space<hbm>>
      tpu.wait_dma2 semaphore(%run_scoped3A_60 : memref<!tpu.dma_semaphore, #tpu.memory_space<semaphore_mem>>) src(%dma_wait3A_72 : memref<4992xi32, #tpu.memory_space<hbm>>) dst(%arg8 : memref<4992xi32, #tpu.memory_space<vmem>>)
      tpu.yield
    }) : () -> ()
    %dma_start3A = arith.constant 0 : i32
    %dma_start3A_6 = tpu.memref_slice %arg7[%dma_start3A] : memref<4992xi32, #tpu.memory_space<vmem>> -> memref<128xi32, #tpu.memory_space<vmem>>
    %dma_start3A_7 = arith.constant 0 : i32
    %dma_start3A_8 = arith.constant 0 : i32
    %dma_start3A_9 = tpu.memref_slice %arg3[%dma_start3A_7, %dma_start3A_8] : memref<10240x128xf32, #tpu.memory_space<hbm>> -> memref<10240x128xf32, #tpu.memory_space<hbm>>
    tpu.enqueue_indirect_dma source(%dma_start3A_9 : memref<10240x128xf32, #tpu.memory_space<hbm>>) target(%arg9 : memref<128x128xf32, #tpu.memory_space<vmem>>) offsets(%dma_start3A_6 : memref<128xi32, #tpu.memory_space<vmem>>) semaphore(%arg14 : memref<!tpu.dma_semaphore, #tpu.memory_space<semaphore_mem>>)
    %dma_start3A_10 = arith.constant 128 : i32
    %dma_start3A_11 = tpu.memref_slice %arg7[%dma_start3A_10] : memref<4992xi32, #tpu.memory_space<vmem>> -> memref<128xi32, #tpu.memory_space<vmem>>
    %dma_start3A_12 = arith.constant 0 : i32
    %dma_start3A_13 = arith.constant 0 : i32
    %dma_start3A_14 = tpu.memref_slice %arg3[%dma_start3A_12, %dma_start3A_13] : memref<10240x128xf32, #tpu.memory_space<hbm>> -> memref<10240x128xf32, #tpu.memory_space<hbm>>
    tpu.enqueue_indirect_dma source(%dma_start3A_14 : memref<10240x128xf32, #tpu.memory_space<hbm>>) target(%arg10 : memref<128x128xf32, #tpu.memory_space<vmem>>) offsets(%dma_start3A_11 : memref<128xi32, #tpu.memory_space<vmem>>) semaphore(%arg15 : memref<!tpu.dma_semaphore, #tpu.memory_space<semaphore_mem>>)
    %scan3A = arith.constant 0 : i32
    %scan3A_15 = arith.constant 0 : i32
    %scan3A_16 = arith.constant 19 : i32
    %scan3A_17 = arith.addi %scan3A_15, %scan3A_16 : i32
    %scan3A_18 = arith.constant 1 : i32
    scf.for %scan3A_60 = %scan3A_15 to %scan3A_17 step %scan3A_18  : i32 {
      %mul3A_61 = arith.constant 2 : i32
      %mul3A_62 = arith.muli %mul3A_61, %scan3A_60 : i32
      %add3A_63 = arith.constant 0 : i32
      %add3A_64 = arith.addi %mul3A_62, %add3A_63 : i32
      %mul3A_65 = arith.constant 128 : i32
      %mul3A_66 = arith.muli %add3A_64, %mul3A_65 : i32
      %dma_wait3A_67 = tpu.memref_slice %arg7[%mul3A_66] : memref<4992xi32, #tpu.memory_space<vmem>> -> memref<128xi32, #tpu.memory_space<vmem>>
      %dma_wait3A_68 = arith.constant 0 : i32
      %dma_wait3A_69 = arith.constant 0 : i32
      %dma_wait3A_70 = tpu.memref_slice %arg3[%dma_wait3A_68, %dma_wait3A_69] : memref<10240x128xf32, #tpu.memory_space<hbm>> -> memref<10240x128xf32, #tpu.memory_space<hbm>>
      tpu.wait_indirect_dma semaphore(%arg14 : memref<!tpu.dma_semaphore, #tpu.memory_space<semaphore_mem>>) src(%dma_wait3A_70 : memref<10240x128xf32, #tpu.memory_space<hbm>>) dst(%arg9 : memref<128x128xf32, #tpu.memory_space<vmem>>)
      %mul3A_71 = arith.constant 128 : i32
      %mul3A_72 = arith.muli %add3A_64, %mul3A_71 : i32
      "tpu.region"() ({
        %run_scoped3A_96 = tpu.sem_alloc : memref<!tpu.dma_semaphore, #tpu.memory_space<semaphore_mem>>
        %dma_start3A_97 = tpu.memref_slice %arg8[%mul3A_72] : memref<4992xi32, #tpu.memory_space<vmem>> -> memref<128xi32, #tpu.memory_space<vmem>>
        %dma_start3A_98 = arith.constant 0 : i32
        %dma_start3A_99 = arith.constant 0 : i32
        %dma_start3A_100 = tpu.memref_slice %arg6[%dma_start3A_98, %dma_start3A_99] : memref<10240x128xf32, #tpu.memory_space<vmem_shared>> -> memref<10240x128xf32, #tpu.memory_space<vmem_shared>>
        tpu.enqueue_indirect_dma source(%arg9 : memref<128x128xf32, #tpu.memory_space<vmem>>) target(%dma_start3A_100 : memref<10240x128xf32, #tpu.memory_space<vmem_shared>>) offsets(%dma_start3A_97 : memref<128xi32, #tpu.memory_space<vmem>>) semaphore(%run_scoped3A_96 : memref<!tpu.dma_semaphore, #tpu.memory_space<semaphore_mem>>) {add = true}
        %dma_wait3A_101 = tpu.memref_slice %arg8[%mul3A_72] : memref<4992xi32, #tpu.memory_space<vmem>> -> memref<128xi32, #tpu.memory_space<vmem>>
        %dma_wait3A_102 = arith.constant 0 : i32
        %dma_wait3A_103 = arith.constant 0 : i32
        %dma_wait3A_104 = tpu.memref_slice %arg6[%dma_wait3A_102, %dma_wait3A_103] : memref<10240x128xf32, #tpu.memory_space<vmem_shared>> -> memref<10240x128xf32, #tpu.memory_space<vmem_shared>>
        tpu.wait_indirect_dma semaphore(%run_scoped3A_96 : memref<!tpu.dma_semaphore, #tpu.memory_space<semaphore_mem>>) src(%arg9 : memref<128x128xf32, #tpu.memory_space<vmem>>) dst(%dma_wait3A_104 : memref<10240x128xf32, #tpu.memory_space<vmem_shared>>)
        tpu.yield
      }) : () -> ()
      %add3A_73 = arith.constant 2 : i32
      %add3A_74 = arith.addi %add3A_64, %add3A_73 : i32
      %lt3A = arith.constant 39 : i32
      %lt3A_75 = arith.cmpi slt, %add3A_74, %lt3A : i32
      %convert_element_type3A = arith.extui %lt3A_75 : i1 to i32
      %cond3A = arith.constant 0 : i32
      %cond3A_76 = arith.cmpi ne, %convert_element_type3A, %cond3A : i32
      scf.if %cond3A_76 {
        %add3A_96 = arith.constant 2 : i32
        %add3A_97 = arith.addi %add3A_64, %add3A_96 : i32
        %mul3A_98 = arith.constant 128 : i32
        %mul3A_99 = arith.muli %add3A_97, %mul3A_98 : i32
        %dma_start3A_100 = tpu.memref_slice %arg7[%mul3A_99] : memref<4992xi32, #tpu.memory_space<vmem>> -> memref<128xi32, #tpu.memory_space<vmem>>
        %dma_start3A_101 = arith.constant 0 : i32
        %dma_start3A_102 = arith.constant 0 : i32
        %dma_start3A_103 = tpu.memref_slice %arg3[%dma_start3A_101, %dma_start3A_102] : memref<10240x128xf32, #tpu.memory_space<hbm>> -> memref<10240x128xf32, #tpu.memory_space<hbm>>
        tpu.enqueue_indirect_dma source(%dma_start3A_103 : memref<10240x128xf32, #tpu.memory_space<hbm>>) target(%arg9 : memref<128x128xf32, #tpu.memory_space<vmem>>) offsets(%dma_start3A_100 : memref<128xi32, #tpu.memory_space<vmem>>) semaphore(%arg14 : memref<!tpu.dma_semaphore, #tpu.memory_space<semaphore_mem>>)
      } else {
      }
      %mul3A_77 = arith.constant 2 : i32
      %mul3A_78 = arith.muli %mul3A_77, %scan3A_60 : i32
      %add3A_79 = arith.constant 1 : i32
      %add3A_80 = arith.addi %mul3A_78, %add3A_79 : i32
      %mul3A_81 = arith.constant 128 : i32
      %mul3A_82 = arith.muli %add3A_80, %mul3A_81 : i32
      %dma_wait3A_83 = tpu.memref_slice %arg7[%mul3A_82] : memref<4992xi32, #tpu.memory_space<vmem>> -> memref<128xi32, #tpu.memory_space<vmem>>
      %dma_wait3A_84 = arith.constant 0 : i32
      %dma_wait3A_85 = arith.constant 0 : i32
      %dma_wait3A_86 = tpu.memref_slice %arg3[%dma_wait3A_84, %dma_wait3A_85] : memref<10240x128xf32, #tpu.memory_space<hbm>> -> memref<10240x128xf32, #tpu.memory_space<hbm>>
      tpu.wait_indirect_dma semaphore(%arg15 : memref<!tpu.dma_semaphore, #tpu.memory_space<semaphore_mem>>) src(%dma_wait3A_86 : memref<10240x128xf32, #tpu.memory_space<hbm>>) dst(%arg10 : memref<128x128xf32, #tpu.memory_space<vmem>>)
      %mul3A_87 = arith.constant 128 : i32
      %mul3A_88 = arith.muli %add3A_80, %mul3A_87 : i32
      "tpu.region"() ({
        %run_scoped3A_96 = tpu.sem_alloc : memref<!tpu.dma_semaphore, #tpu.memory_space<semaphore_mem>>
        %dma_start3A_97 = tpu.memref_slice %arg8[%mul3A_88] : memref<4992xi32, #tpu.memory_space<vmem>> -> memref<128xi32, #tpu.memory_space<vmem>>
        %dma_start3A_98 = arith.constant 0 : i32
        %dma_start3A_99 = arith.constant 0 : i32
        %dma_start3A_100 = tpu.memref_slice %arg6[%dma_start3A_98, %dma_start3A_99] : memref<10240x128xf32, #tpu.memory_space<vmem_shared>> -> memref<10240x128xf32, #tpu.memory_space<vmem_shared>>
        tpu.enqueue_indirect_dma source(%arg10 : memref<128x128xf32, #tpu.memory_space<vmem>>) target(%dma_start3A_100 : memref<10240x128xf32, #tpu.memory_space<vmem_shared>>) offsets(%dma_start3A_97 : memref<128xi32, #tpu.memory_space<vmem>>) semaphore(%run_scoped3A_96 : memref<!tpu.dma_semaphore, #tpu.memory_space<semaphore_mem>>) {add = true}
        %dma_wait3A_101 = tpu.memref_slice %arg8[%mul3A_88] : memref<4992xi32, #tpu.memory_space<vmem>> -> memref<128xi32, #tpu.memory_space<vmem>>
        %dma_wait3A_102 = arith.constant 0 : i32
        %dma_wait3A_103 = arith.constant 0 : i32
        %dma_wait3A_104 = tpu.memref_slice %arg6[%dma_wait3A_102, %dma_wait3A_103] : memref<10240x128xf32, #tpu.memory_space<vmem_shared>> -> memref<10240x128xf32, #tpu.memory_space<vmem_shared>>
        tpu.wait_indirect_dma semaphore(%run_scoped3A_96 : memref<!tpu.dma_semaphore, #tpu.memory_space<semaphore_mem>>) src(%arg10 : memref<128x128xf32, #tpu.memory_space<vmem>>) dst(%dma_wait3A_104 : memref<10240x128xf32, #tpu.memory_space<vmem_shared>>)
        tpu.yield
      }) : () -> ()
      %add3A_89 = arith.constant 2 : i32
      %add3A_90 = arith.addi %add3A_80, %add3A_89 : i32
      %lt3A_91 = arith.constant 39 : i32
      %lt3A_92 = arith.cmpi slt, %add3A_90, %lt3A_91 : i32
      %convert_element_type3A_93 = arith.extui %lt3A_92 : i1 to i32
      %cond3A_94 = arith.constant 0 : i32
      %cond3A_95 = arith.cmpi ne, %convert_element_type3A_93, %cond3A_94 : i32
      scf.if %cond3A_95 {
        %add3A_96 = arith.constant 2 : i32
        %add3A_97 = arith.addi %add3A_80, %add3A_96 : i32
        %mul3A_98 = arith.constant 128 : i32
        %mul3A_99 = arith.muli %add3A_97, %mul3A_98 : i32
        %dma_start3A_100 = tpu.memref_slice %arg7[%mul3A_99] : memref<4992xi32, #tpu.memory_space<vmem>> -> memref<128xi32, #tpu.memory_space<vmem>>
        %dma_start3A_101 = arith.constant 0 : i32
        %dma_start3A_102 = arith.constant 0 : i32
        %dma_start3A_103 = tpu.memref_slice %arg3[%dma_start3A_101, %dma_start3A_102] : memref<10240x128xf32, #tpu.memory_space<hbm>> -> memref<10240x128xf32, #tpu.memory_space<hbm>>
        tpu.enqueue_indirect_dma source(%dma_start3A_103 : memref<10240x128xf32, #tpu.memory_space<hbm>>) target(%arg10 : memref<128x128xf32, #tpu.memory_space<vmem>>) offsets(%dma_start3A_100 : memref<128xi32, #tpu.memory_space<vmem>>) semaphore(%arg15 : memref<!tpu.dma_semaphore, #tpu.memory_space<semaphore_mem>>)
      } else {
      }
    }
    %scan3A_19 = arith.constant 19 : i32
    %dma_wait3A = arith.constant 4864 : i32
    %dma_wait3A_20 = tpu.memref_slice %arg7[%dma_wait3A] : memref<4992xi32, #tpu.memory_space<vmem>> -> memref<128xi32, #tpu.memory_space<vmem>>
    %dma_wait3A_21 = arith.constant 0 : i32
    %dma_wait3A_22 = arith.constant 0 : i32
    %dma_wait3A_23 = tpu.memref_slice %arg3[%dma_wait3A_21, %dma_wait3A_22] : memref<10240x128xf32, #tpu.memory_space<hbm>> -> memref<10240x128xf32, #tpu.memory_space<hbm>>
    tpu.wait_indirect_dma semaphore(%arg14 : memref<!tpu.dma_semaphore, #tpu.memory_space<semaphore_mem>>) src(%dma_wait3A_23 : memref<10240x128xf32, #tpu.memory_space<hbm>>) dst(%arg9 : memref<128x128xf32, #tpu.memory_space<vmem>>)
    "tpu.region"() ({
      %run_scoped3A_60 = tpu.sem_alloc : memref<!tpu.dma_semaphore, #tpu.memory_space<semaphore_mem>>
      %dma_start3A_61 = arith.constant 4864 : i32
      %dma_start3A_62 = tpu.memref_slice %arg8[%dma_start3A_61] : memref<4992xi32, #tpu.memory_space<vmem>> -> memref<128xi32, #tpu.memory_space<vmem>>
      %dma_start3A_63 = arith.constant 0 : i32
      %dma_start3A_64 = arith.constant 0 : i32
      %dma_start3A_65 = tpu.memref_slice %arg6[%dma_start3A_63, %dma_start3A_64] : memref<10240x128xf32, #tpu.memory_space<vmem_shared>> -> memref<10240x128xf32, #tpu.memory_space<vmem_shared>>
      tpu.enqueue_indirect_dma source(%arg9 : memref<128x128xf32, #tpu.memory_space<vmem>>) target(%dma_start3A_65 : memref<10240x128xf32, #tpu.memory_space<vmem_shared>>) offsets(%dma_start3A_62 : memref<128xi32, #tpu.memory_space<vmem>>) semaphore(%run_scoped3A_60 : memref<!tpu.dma_semaphore, #tpu.memory_space<semaphore_mem>>) {add = true}
      %dma_wait3A_66 = arith.constant 4864 : i32
      %dma_wait3A_67 = tpu.memref_slice %arg8[%dma_wait3A_66] : memref<4992xi32, #tpu.memory_space<vmem>> -> memref<128xi32, #tpu.memory_space<vmem>>
      %dma_wait3A_68 = arith.constant 0 : i32
      %dma_wait3A_69 = arith.constant 0 : i32
      %dma_wait3A_70 = tpu.memref_slice %arg6[%dma_wait3A_68, %dma_wait3A_69] : memref<10240x128xf32, #tpu.memory_space<vmem_shared>> -> memref<10240x128xf32, #tpu.memory_space<vmem_shared>>
      tpu.wait_indirect_dma semaphore(%run_scoped3A_60 : memref<!tpu.dma_semaphore, #tpu.memory_space<semaphore_mem>>) src(%arg9 : memref<128x128xf32, #tpu.memory_space<vmem>>) dst(%dma_wait3A_70 : memref<10240x128xf32, #tpu.memory_space<vmem_shared>>)
      tpu.yield
    }) : () -> ()
    %run_scoped3A_24 = arith.constant 0 : i32
    "tpu.region"() ({
      %run_scoped3A_60 = tpu.sem_alloc : memref<!tpu.dma_semaphore, #tpu.memory_space<semaphore_mem>>
      %dma_start3A_61 = arith.constant 4992 : i32
      %dma_start3A_62 = tpu.memref_slice %arg2[%run_scoped3A_24, %add3A, %dma_start3A_61] : memref<2x32x10000xi32, #tpu.memory_space<hbm>> -> memref<1x1x4992xi32, #tpu.memory_space<hbm>>
      %dma_start3A_63 = tpu.memref_squeeze %dma_start3A_62 : memref<1x1x4992xi32, #tpu.memory_space<hbm>> -> memref<4992xi32, #tpu.memory_space<hbm>>
      %dma_start3A_64 = arith.constant 4992 : i32
      %dma_start3A_65 = tpu.memref_slice %arg2[%run_scoped3A_24, %add3A, %dma_start3A_64] : memref<2x32x10000xi32, #tpu.memory_space<hbm>> -> memref<1x1x4992xi32, #tpu.memory_space<hbm>>
      %dma_start3A_66 = tpu.memref_squeeze %dma_start3A_65 : memref<1x1x4992xi32, #tpu.memory_space<hbm>> -> memref<4992xi32, #tpu.memory_space<hbm>>
      tpu.enqueue_dma source(%dma_start3A_66 : memref<4992xi32, #tpu.memory_space<hbm>>) target(%arg7 : memref<4992xi32, #tpu.memory_space<vmem>>) target_semaphore(%run_scoped3A_60 : memref<!tpu.dma_semaphore, #tpu.memory_space<semaphore_mem>>)
      %dma_wait3A_67 = arith.constant 4992 : i32
      %dma_wait3A_68 = tpu.memref_slice %arg2[%run_scoped3A_24, %add3A, %dma_wait3A_67] : memref<2x32x10000xi32, #tpu.memory_space<hbm>> -> memref<1x1x4992xi32, #tpu.memory_space<hbm>>
      %dma_wait3A_69 = tpu.memref_squeeze %dma_wait3A_68 : memref<1x1x4992xi32, #tpu.memory_space<hbm>> -> memref<4992xi32, #tpu.memory_space<hbm>>
      %dma_wait3A_70 = arith.constant 4992 : i32
      %dma_wait3A_71 = tpu.memref_slice %arg2[%run_scoped3A_24, %add3A, %dma_wait3A_70] : memref<2x32x10000xi32, #tpu.memory_space<hbm>> -> memref<1x1x4992xi32, #tpu.memory_space<hbm>>
      %dma_wait3A_72 = tpu.memref_squeeze %dma_wait3A_71 : memref<1x1x4992xi32, #tpu.memory_space<hbm>> -> memref<4992xi32, #tpu.memory_space<hbm>>
      tpu.wait_dma2 semaphore(%run_scoped3A_60 : memref<!tpu.dma_semaphore, #tpu.memory_space<semaphore_mem>>) src(%dma_wait3A_72 : memref<4992xi32, #tpu.memory_space<hbm>>) dst(%arg7 : memref<4992xi32, #tpu.memory_space<vmem>>)
      tpu.yield
    }) : () -> ()
    %run_scoped3A_25 = arith.constant 1 : i32
    "tpu.region"() ({
      %run_scoped3A_60 = tpu.sem_alloc : memref<!tpu.dma_semaphore, #tpu.memory_space<semaphore_mem>>
      %dma_start3A_61 = arith.constant 4992 : i32
      %dma_start3A_62 = tpu.memref_slice %arg2[%run_scoped3A_25, %add3A, %dma_start3A_61] : memref<2x32x10000xi32, #tpu.memory_space<hbm>> -> memref<1x1x4992xi32, #tpu.memory_space<hbm>>
      %dma_start3A_63 = tpu.memref_squeeze %dma_start3A_62 : memref<1x1x4992xi32, #tpu.memory_space<hbm>> -> memref<4992xi32, #tpu.memory_space<hbm>>
      %dma_start3A_64 = arith.constant 4992 : i32
      %dma_start3A_65 = tpu.memref_slice %arg2[%run_scoped3A_25, %add3A, %dma_start3A_64] : memref<2x32x10000xi32, #tpu.memory_space<hbm>> -> memref<1x1x4992xi32, #tpu.memory_space<hbm>>
      %dma_start3A_66 = tpu.memref_squeeze %dma_start3A_65 : memref<1x1x4992xi32, #tpu.memory_space<hbm>> -> memref<4992xi32, #tpu.memory_space<hbm>>
      tpu.enqueue_dma source(%dma_start3A_66 : memref<4992xi32, #tpu.memory_space<hbm>>) target(%arg8 : memref<4992xi32, #tpu.memory_space<vmem>>) target_semaphore(%run_scoped3A_60 : memref<!tpu.dma_semaphore, #tpu.memory_space<semaphore_mem>>)
      %dma_wait3A_67 = arith.constant 4992 : i32
      %dma_wait3A_68 = tpu.memref_slice %arg2[%run_scoped3A_25, %add3A, %dma_wait3A_67] : memref<2x32x10000xi32, #tpu.memory_space<hbm>> -> memref<1x1x4992xi32, #tpu.memory_space<hbm>>
      %dma_wait3A_69 = tpu.memref_squeeze %dma_wait3A_68 : memref<1x1x4992xi32, #tpu.memory_space<hbm>> -> memref<4992xi32, #tpu.memory_space<hbm>>
      %dma_wait3A_70 = arith.constant 4992 : i32
      %dma_wait3A_71 = tpu.memref_slice %arg2[%run_scoped3A_25, %add3A, %dma_wait3A_70] : memref<2x32x10000xi32, #tpu.memory_space<hbm>> -> memref<1x1x4992xi32, #tpu.memory_space<hbm>>
      %dma_wait3A_72 = tpu.memref_squeeze %dma_wait3A_71 : memref<1x1x4992xi32, #tpu.memory_space<hbm>> -> memref<4992xi32, #tpu.memory_space<hbm>>
      tpu.wait_dma2 semaphore(%run_scoped3A_60 : memref<!tpu.dma_semaphore, #tpu.memory_space<semaphore_mem>>) src(%dma_wait3A_72 : memref<4992xi32, #tpu.memory_space<hbm>>) dst(%arg8 : memref<4992xi32, #tpu.memory_space<vmem>>)
      tpu.yield
    }) : () -> ()
    %dma_start3A_26 = arith.constant 0 : i32
    %dma_start3A_27 = tpu.memref_slice %arg7[%dma_start3A_26] : memref<4992xi32, #tpu.memory_space<vmem>> -> memref<128xi32, #tpu.memory_space<vmem>>
    %dma_start3A_28 = arith.constant 0 : i32
    %dma_start3A_29 = arith.constant 0 : i32
    %dma_start3A_30 = tpu.memref_slice %arg3[%dma_start3A_28, %dma_start3A_29] : memref<10240x128xf32, #tpu.memory_space<hbm>> -> memref<10240x128xf32, #tpu.memory_space<hbm>>
    tpu.enqueue_indirect_dma source(%dma_start3A_30 : memref<10240x128xf32, #tpu.memory_space<hbm>>) target(%arg9 : memref<128x128xf32, #tpu.memory_space<vmem>>) offsets(%dma_start3A_27 : memref<128xi32, #tpu.memory_space<vmem>>) semaphore(%arg14 : memref<!tpu.dma_semaphore, #tpu.memory_space<semaphore_mem>>)
    %dma_start3A_31 = arith.constant 128 : i32
    %dma_start3A_32 = tpu.memref_slice %arg7[%dma_start3A_31] : memref<4992xi32, #tpu.memory_space<vmem>> -> memref<128xi32, #tpu.memory_space<vmem>>
    %dma_start3A_33 = arith.constant 0 : i32
    %dma_start3A_34 = arith.constant 0 : i32
    %dma_start3A_35 = tpu.memref_slice %arg3[%dma_start3A_33, %dma_start3A_34] : memref<10240x128xf32, #tpu.memory_space<hbm>> -> memref<10240x128xf32, #tpu.memory_space<hbm>>
    tpu.enqueue_indirect_dma source(%dma_start3A_35 : memref<10240x128xf32, #tpu.memory_space<hbm>>) target(%arg10 : memref<128x128xf32, #tpu.memory_space<vmem>>) offsets(%dma_start3A_32 : memref<128xi32, #tpu.memory_space<vmem>>) semaphore(%arg15 : memref<!tpu.dma_semaphore, #tpu.memory_space<semaphore_mem>>)
    %scan3A_36 = arith.constant 0 : i32
    %scan3A_37 = arith.constant 0 : i32
    %scan3A_38 = arith.constant 19 : i32
    %scan3A_39 = arith.addi %scan3A_37, %scan3A_38 : i32
    %scan3A_40 = arith.constant 1 : i32
    scf.for %scan3A_60 = %scan3A_37 to %scan3A_39 step %scan3A_40  : i32 {
      %mul3A_61 = arith.constant 2 : i32
      %mul3A_62 = arith.muli %mul3A_61, %scan3A_60 : i32
      %add3A_63 = arith.constant 0 : i32
      %add3A_64 = arith.addi %mul3A_62, %add3A_63 : i32
      %mul3A_65 = arith.constant 128 : i32
      %mul3A_66 = arith.muli %add3A_64, %mul3A_65 : i32
      %dma_wait3A_67 = tpu.memref_slice %arg7[%mul3A_66] : memref<4992xi32, #tpu.memory_space<vmem>> -> memref<128xi32, #tpu.memory_space<vmem>>
      %dma_wait3A_68 = arith.constant 0 : i32
      %dma_wait3A_69 = arith.constant 0 : i32
      %dma_wait3A_70 = tpu.memref_slice %arg3[%dma_wait3A_68, %dma_wait3A_69] : memref<10240x128xf32, #tpu.memory_space<hbm>> -> memref<10240x128xf32, #tpu.memory_space<hbm>>
      tpu.wait_indirect_dma semaphore(%arg14 : memref<!tpu.dma_semaphore, #tpu.memory_space<semaphore_mem>>) src(%dma_wait3A_70 : memref<10240x128xf32, #tpu.memory_space<hbm>>) dst(%arg9 : memref<128x128xf32, #tpu.memory_space<vmem>>)
      %mul3A_71 = arith.constant 128 : i32
      %mul3A_72 = arith.muli %add3A_64, %mul3A_71 : i32
      "tpu.region"() ({
        %run_scoped3A_96 = tpu.sem_alloc : memref<!tpu.dma_semaphore, #tpu.memory_space<semaphore_mem>>
        %dma_start3A_97 = tpu.memref_slice %arg8[%mul3A_72] : memref<4992xi32, #tpu.memory_space<vmem>> -> memref<128xi32, #tpu.memory_space<vmem>>
        %dma_start3A_98 = arith.constant 0 : i32
        %dma_start3A_99 = arith.constant 0 : i32
        %dma_start3A_100 = tpu.memref_slice %arg6[%dma_start3A_98, %dma_start3A_99] : memref<10240x128xf32, #tpu.memory_space<vmem_shared>> -> memref<10240x128xf32, #tpu.memory_space<vmem_shared>>
        tpu.enqueue_indirect_dma source(%arg9 : memref<128x128xf32, #tpu.memory_space<vmem>>) target(%dma_start3A_100 : memref<10240x128xf32, #tpu.memory_space<vmem_shared>>) offsets(%dma_start3A_97 : memref<128xi32, #tpu.memory_space<vmem>>) semaphore(%run_scoped3A_96 : memref<!tpu.dma_semaphore, #tpu.memory_space<semaphore_mem>>) {add = true}
        %dma_wait3A_101 = tpu.memref_slice %arg8[%mul3A_72] : memref<4992xi32, #tpu.memory_space<vmem>> -> memref<128xi32, #tpu.memory_space<vmem>>
        %dma_wait3A_102 = arith.constant 0 : i32
        %dma_wait3A_103 = arith.constant 0 : i32
        %dma_wait3A_104 = tpu.memref_slice %arg6[%dma_wait3A_102, %dma_wait3A_103] : memref<10240x128xf32, #tpu.memory_space<vmem_shared>> -> memref<10240x128xf32, #tpu.memory_space<vmem_shared>>
        tpu.wait_indirect_dma semaphore(%run_scoped3A_96 : memref<!tpu.dma_semaphore, #tpu.memory_space<semaphore_mem>>) src(%arg9 : memref<128x128xf32, #tpu.memory_space<vmem>>) dst(%dma_wait3A_104 : memref<10240x128xf32, #tpu.memory_space<vmem_shared>>)
        tpu.yield
      }) : () -> ()
      %add3A_73 = arith.constant 2 : i32
      %add3A_74 = arith.addi %add3A_64, %add3A_73 : i32
      %lt3A = arith.constant 39 : i32
      %lt3A_75 = arith.cmpi slt, %add3A_74, %lt3A : i32
      %convert_element_type3A = arith.extui %lt3A_75 : i1 to i32
      %cond3A = arith.constant 0 : i32
      %cond3A_76 = arith.cmpi ne, %convert_element_type3A, %cond3A : i32
      scf.if %cond3A_76 {
        %add3A_96 = arith.constant 2 : i32
        %add3A_97 = arith.addi %add3A_64, %add3A_96 : i32
        %mul3A_98 = arith.constant 128 : i32
        %mul3A_99 = arith.muli %add3A_97, %mul3A_98 : i32
        %dma_start3A_100 = tpu.memref_slice %arg7[%mul3A_99] : memref<4992xi32, #tpu.memory_space<vmem>> -> memref<128xi32, #tpu.memory_space<vmem>>
        %dma_start3A_101 = arith.constant 0 : i32
        %dma_start3A_102 = arith.constant 0 : i32
        %dma_start3A_103 = tpu.memref_slice %arg3[%dma_start3A_101, %dma_start3A_102] : memref<10240x128xf32, #tpu.memory_space<hbm>> -> memref<10240x128xf32, #tpu.memory_space<hbm>>
        tpu.enqueue_indirect_dma source(%dma_start3A_103 : memref<10240x128xf32, #tpu.memory_space<hbm>>) target(%arg9 : memref<128x128xf32, #tpu.memory_space<vmem>>) offsets(%dma_start3A_100 : memref<128xi32, #tpu.memory_space<vmem>>) semaphore(%arg14 : memref<!tpu.dma_semaphore, #tpu.memory_space<semaphore_mem>>)
      } else {
      }
      %mul3A_77 = arith.constant 2 : i32
      %mul3A_78 = arith.muli %mul3A_77, %scan3A_60 : i32
      %add3A_79 = arith.constant 1 : i32
      %add3A_80 = arith.addi %mul3A_78, %add3A_79 : i32
      %mul3A_81 = arith.constant 128 : i32
      %mul3A_82 = arith.muli %add3A_80, %mul3A_81 : i32
      %dma_wait3A_83 = tpu.memref_slice %arg7[%mul3A_82] : memref<4992xi32, #tpu.memory_space<vmem>> -> memref<128xi32, #tpu.memory_space<vmem>>
      %dma_wait3A_84 = arith.constant 0 : i32
      %dma_wait3A_85 = arith.constant 0 : i32
      %dma_wait3A_86 = tpu.memref_slice %arg3[%dma_wait3A_84, %dma_wait3A_85] : memref<10240x128xf32, #tpu.memory_space<hbm>> -> memref<10240x128xf32, #tpu.memory_space<hbm>>
      tpu.wait_indirect_dma semaphore(%arg15 : memref<!tpu.dma_semaphore, #tpu.memory_space<semaphore_mem>>) src(%dma_wait3A_86 : memref<10240x128xf32, #tpu.memory_space<hbm>>) dst(%arg10 : memref<128x128xf32, #tpu.memory_space<vmem>>)
      %mul3A_87 = arith.constant 128 : i32
      %mul3A_88 = arith.muli %add3A_80, %mul3A_87 : i32
      "tpu.region"() ({
        %run_scoped3A_96 = tpu.sem_alloc : memref<!tpu.dma_semaphore, #tpu.memory_space<semaphore_mem>>
        %dma_start3A_97 = tpu.memref_slice %arg8[%mul3A_88] : memref<4992xi32, #tpu.memory_space<vmem>> -> memref<128xi32, #tpu.memory_space<vmem>>
        %dma_start3A_98 = arith.constant 0 : i32
        %dma_start3A_99 = arith.constant 0 : i32
        %dma_start3A_100 = tpu.memref_slice %arg6[%dma_start3A_98, %dma_start3A_99] : memref<10240x128xf32, #tpu.memory_space<vmem_shared>> -> memref<10240x128xf32, #tpu.memory_space<vmem_shared>>
        tpu.enqueue_indirect_dma source(%arg10 : memref<128x128xf32, #tpu.memory_space<vmem>>) target(%dma_start3A_100 : memref<10240x128xf32, #tpu.memory_space<vmem_shared>>) offsets(%dma_start3A_97 : memref<128xi32, #tpu.memory_space<vmem>>) semaphore(%run_scoped3A_96 : memref<!tpu.dma_semaphore, #tpu.memory_space<semaphore_mem>>) {add = true}
        %dma_wait3A_101 = tpu.memref_slice %arg8[%mul3A_88] : memref<4992xi32, #tpu.memory_space<vmem>> -> memref<128xi32, #tpu.memory_space<vmem>>
        %dma_wait3A_102 = arith.constant 0 : i32
        %dma_wait3A_103 = arith.constant 0 : i32
        %dma_wait3A_104 = tpu.memref_slice %arg6[%dma_wait3A_102, %dma_wait3A_103] : memref<10240x128xf32, #tpu.memory_space<vmem_shared>> -> memref<10240x128xf32, #tpu.memory_space<vmem_shared>>
        tpu.wait_indirect_dma semaphore(%run_scoped3A_96 : memref<!tpu.dma_semaphore, #tpu.memory_space<semaphore_mem>>) src(%arg10 : memref<128x128xf32, #tpu.memory_space<vmem>>) dst(%dma_wait3A_104 : memref<10240x128xf32, #tpu.memory_space<vmem_shared>>)
        tpu.yield
      }) : () -> ()
      %add3A_89 = arith.constant 2 : i32
      %add3A_90 = arith.addi %add3A_80, %add3A_89 : i32
      %lt3A_91 = arith.constant 39 : i32
      %lt3A_92 = arith.cmpi slt, %add3A_90, %lt3A_91 : i32
      %convert_element_type3A_93 = arith.extui %lt3A_92 : i1 to i32
      %cond3A_94 = arith.constant 0 : i32
      %cond3A_95 = arith.cmpi ne, %convert_element_type3A_93, %cond3A_94 : i32
      scf.if %cond3A_95 {
        %add3A_96 = arith.constant 2 : i32
        %add3A_97 = arith.addi %add3A_80, %add3A_96 : i32
        %mul3A_98 = arith.constant 128 : i32
        %mul3A_99 = arith.muli %add3A_97, %mul3A_98 : i32
        %dma_start3A_100 = tpu.memref_slice %arg7[%mul3A_99] : memref<4992xi32, #tpu.memory_space<vmem>> -> memref<128xi32, #tpu.memory_space<vmem>>
        %dma_start3A_101 = arith.constant 0 : i32
        %dma_start3A_102 = arith.constant 0 : i32
        %dma_start3A_103 = tpu.memref_slice %arg3[%dma_start3A_101, %dma_start3A_102] : memref<10240x128xf32, #tpu.memory_space<hbm>> -> memref<10240x128xf32, #tpu.memory_space<hbm>>
        tpu.enqueue_indirect_dma source(%dma_start3A_103 : memref<10240x128xf32, #tpu.memory_space<hbm>>) target(%arg10 : memref<128x128xf32, #tpu.memory_space<vmem>>) offsets(%dma_start3A_100 : memref<128xi32, #tpu.memory_space<vmem>>) semaphore(%arg15 : memref<!tpu.dma_semaphore, #tpu.memory_space<semaphore_mem>>)
      } else {
      }
    }
    %scan3A_41 = arith.constant 19 : i32
    %dma_wait3A_42 = arith.constant 4864 : i32
    %dma_wait3A_43 = tpu.memref_slice %arg7[%dma_wait3A_42] : memref<4992xi32, #tpu.memory_space<vmem>> -> memref<128xi32, #tpu.memory_space<vmem>>
    %dma_wait3A_44 = arith.constant 0 : i32
    %dma_wait3A_45 = arith.constant 0 : i32
    %dma_wait3A_46 = tpu.memref_slice %arg3[%dma_wait3A_44, %dma_wait3A_45] : memref<10240x128xf32, #tpu.memory_space<hbm>> -> memref<10240x128xf32, #tpu.memory_space<hbm>>
    tpu.wait_indirect_dma semaphore(%arg14 : memref<!tpu.dma_semaphore, #tpu.memory_space<semaphore_mem>>) src(%dma_wait3A_46 : memref<10240x128xf32, #tpu.memory_space<hbm>>) dst(%arg9 : memref<128x128xf32, #tpu.memory_space<vmem>>)
    "tpu.region"() ({
      %run_scoped3A_60 = tpu.sem_alloc : memref<!tpu.dma_semaphore, #tpu.memory_space<semaphore_mem>>
      %dma_start3A_61 = arith.constant 4864 : i32
      %dma_start3A_62 = tpu.memref_slice %arg8[%dma_start3A_61] : memref<4992xi32, #tpu.memory_space<vmem>> -> memref<128xi32, #tpu.memory_space<vmem>>
      %dma_start3A_63 = arith.constant 0 : i32
      %dma_start3A_64 = arith.constant 0 : i32
      %dma_start3A_65 = tpu.memref_slice %arg6[%dma_start3A_63, %dma_start3A_64] : memref<10240x128xf32, #tpu.memory_space<vmem_shared>> -> memref<10240x128xf32, #tpu.memory_space<vmem_shared>>
      tpu.enqueue_indirect_dma source(%arg9 : memref<128x128xf32, #tpu.memory_space<vmem>>) target(%dma_start3A_65 : memref<10240x128xf32, #tpu.memory_space<vmem_shared>>) offsets(%dma_start3A_62 : memref<128xi32, #tpu.memory_space<vmem>>) semaphore(%run_scoped3A_60 : memref<!tpu.dma_semaphore, #tpu.memory_space<semaphore_mem>>) {add = true}
      %dma_wait3A_66 = arith.constant 4864 : i32
      %dma_wait3A_67 = tpu.memref_slice %arg8[%dma_wait3A_66] : memref<4992xi32, #tpu.memory_space<vmem>> -> memref<128xi32, #tpu.memory_space<vmem>>
      %dma_wait3A_68 = arith.constant 0 : i32
      %dma_wait3A_69 = arith.constant 0 : i32
      %dma_wait3A_70 = tpu.memref_slice %arg6[%dma_wait3A_68, %dma_wait3A_69] : memref<10240x128xf32, #tpu.memory_space<vmem_shared>> -> memref<10240x128xf32, #tpu.memory_space<vmem_shared>>
      tpu.wait_indirect_dma semaphore(%run_scoped3A_60 : memref<!tpu.dma_semaphore, #tpu.memory_space<semaphore_mem>>) src(%arg9 : memref<128x128xf32, #tpu.memory_space<vmem>>) dst(%dma_wait3A_70 : memref<10240x128xf32, #tpu.memory_space<vmem_shared>>)
      tpu.yield
    }) : () -> ()
    %run_scoped3A_47 = arith.constant 0 : i32
    "tpu.region"() ({
      %run_scoped3A_60 = tpu.sem_alloc : memref<!tpu.dma_semaphore, #tpu.memory_space<semaphore_mem>>
      %dma_start3A_61 = arith.constant 9984 : i32
      %dma_start3A_62 = tpu.memref_slice %arg2[%run_scoped3A_47, %add3A, %dma_start3A_61] : memref<2x32x10000xi32, #tpu.memory_space<hbm>> -> memref<1x1x16xi32, #tpu.memory_space<hbm>>
      %dma_start3A_63 = tpu.memref_squeeze %dma_start3A_62 : memref<1x1x16xi32, #tpu.memory_space<hbm>> -> memref<16xi32, #tpu.memory_space<hbm>>
      %dma_start3A_64 = arith.constant 9984 : i32
      %dma_start3A_65 = tpu.memref_slice %arg2[%run_scoped3A_47, %add3A, %dma_start3A_64] : memref<2x32x10000xi32, #tpu.memory_space<hbm>> -> memref<1x1x16xi32, #tpu.memory_space<hbm>>
      %dma_start3A_66 = tpu.memref_squeeze %dma_start3A_65 : memref<1x1x16xi32, #tpu.memory_space<hbm>> -> memref<16xi32, #tpu.memory_space<hbm>>
      tpu.enqueue_dma source(%dma_start3A_66 : memref<16xi32, #tpu.memory_space<hbm>>) target(%arg12 : memref<16xi32, #tpu.memory_space<vmem>>) target_semaphore(%run_scoped3A_60 : memref<!tpu.dma_semaphore, #tpu.memory_space<semaphore_mem>>)
      %dma_wait3A_67 = arith.constant 9984 : i32
      %dma_wait3A_68 = tpu.memref_slice %arg2[%run_scoped3A_47, %add3A, %dma_wait3A_67] : memref<2x32x10000xi32, #tpu.memory_space<hbm>> -> memref<1x1x16xi32, #tpu.memory_space<hbm>>
      %dma_wait3A_69 = tpu.memref_squeeze %dma_wait3A_68 : memref<1x1x16xi32, #tpu.memory_space<hbm>> -> memref<16xi32, #tpu.memory_space<hbm>>
      %dma_wait3A_70 = arith.constant 9984 : i32
      %dma_wait3A_71 = tpu.memref_slice %arg2[%run_scoped3A_47, %add3A, %dma_wait3A_70] : memref<2x32x10000xi32, #tpu.memory_space<hbm>> -> memref<1x1x16xi32, #tpu.memory_space<hbm>>
      %dma_wait3A_72 = tpu.memref_squeeze %dma_wait3A_71 : memref<1x1x16xi32, #tpu.memory_space<hbm>> -> memref<16xi32, #tpu.memory_space<hbm>>
      tpu.wait_dma2 semaphore(%run_scoped3A_60 : memref<!tpu.dma_semaphore, #tpu.memory_space<semaphore_mem>>) src(%dma_wait3A_72 : memref<16xi32, #tpu.memory_space<hbm>>) dst(%arg12 : memref<16xi32, #tpu.memory_space<vmem>>)
      tpu.yield
    }) : () -> ()
    %run_scoped3A_48 = arith.constant 1 : i32
    "tpu.region"() ({
      %run_scoped3A_60 = tpu.sem_alloc : memref<!tpu.dma_semaphore, #tpu.memory_space<semaphore_mem>>
      %dma_start3A_61 = arith.constant 9984 : i32
      %dma_start3A_62 = tpu.memref_slice %arg2[%run_scoped3A_48, %add3A, %dma_start3A_61] : memref<2x32x10000xi32, #tpu.memory_space<hbm>> -> memref<1x1x16xi32, #tpu.memory_space<hbm>>
      %dma_start3A_63 = tpu.memref_squeeze %dma_start3A_62 : memref<1x1x16xi32, #tpu.memory_space<hbm>> -> memref<16xi32, #tpu.memory_space<hbm>>
      %dma_start3A_64 = arith.constant 9984 : i32
      %dma_start3A_65 = tpu.memref_slice %arg2[%run_scoped3A_48, %add3A, %dma_start3A_64] : memref<2x32x10000xi32, #tpu.memory_space<hbm>> -> memref<1x1x16xi32, #tpu.memory_space<hbm>>
      %dma_start3A_66 = tpu.memref_squeeze %dma_start3A_65 : memref<1x1x16xi32, #tpu.memory_space<hbm>> -> memref<16xi32, #tpu.memory_space<hbm>>
      tpu.enqueue_dma source(%dma_start3A_66 : memref<16xi32, #tpu.memory_space<hbm>>) target(%arg13 : memref<16xi32, #tpu.memory_space<vmem>>) target_semaphore(%run_scoped3A_60 : memref<!tpu.dma_semaphore, #tpu.memory_space<semaphore_mem>>)
      %dma_wait3A_67 = arith.constant 9984 : i32
      %dma_wait3A_68 = tpu.memref_slice %arg2[%run_scoped3A_48, %add3A, %dma_wait3A_67] : memref<2x32x10000xi32, #tpu.memory_space<hbm>> -> memref<1x1x16xi32, #tpu.memory_space<hbm>>
      %dma_wait3A_69 = tpu.memref_squeeze %dma_wait3A_68 : memref<1x1x16xi32, #tpu.memory_space<hbm>> -> memref<16xi32, #tpu.memory_space<hbm>>
      %dma_wait3A_70 = arith.constant 9984 : i32
      %dma_wait3A_71 = tpu.memref_slice %arg2[%run_scoped3A_48, %add3A, %dma_wait3A_70] : memref<2x32x10000xi32, #tpu.memory_space<hbm>> -> memref<1x1x16xi32, #tpu.memory_space<hbm>>
      %dma_wait3A_72 = tpu.memref_squeeze %dma_wait3A_71 : memref<1x1x16xi32, #tpu.memory_space<hbm>> -> memref<16xi32, #tpu.memory_space<hbm>>
      tpu.wait_dma2 semaphore(%run_scoped3A_60 : memref<!tpu.dma_semaphore, #tpu.memory_space<semaphore_mem>>) src(%dma_wait3A_72 : memref<16xi32, #tpu.memory_space<hbm>>) dst(%arg13 : memref<16xi32, #tpu.memory_space<vmem>>)
      tpu.yield
    }) : () -> ()
    %dma_start3A_49 = arith.constant 0 : i32
    %dma_start3A_50 = arith.constant 0 : i32
    %dma_start3A_51 = tpu.memref_slice %arg3[%dma_start3A_49, %dma_start3A_50] : memref<10240x128xf32, #tpu.memory_space<hbm>> -> memref<10240x128xf32, #tpu.memory_space<hbm>>
    tpu.enqueue_indirect_dma source(%dma_start3A_51 : memref<10240x128xf32, #tpu.memory_space<hbm>>) target(%arg11 : memref<16x128xf32, #tpu.memory_space<vmem>>) offsets(%arg12 : memref<16xi32, #tpu.memory_space<vmem>>) semaphore(%arg14 : memref<!tpu.dma_semaphore, #tpu.memory_space<semaphore_mem>>)
    %dma_wait3A_52 = arith.constant 0 : i32
    %dma_wait3A_53 = arith.constant 0 : i32
    %dma_wait3A_54 = tpu.memref_slice %arg3[%dma_wait3A_52, %dma_wait3A_53] : memref<10240x128xf32, #tpu.memory_space<hbm>> -> memref<10240x128xf32, #tpu.memory_space<hbm>>
    tpu.wait_indirect_dma semaphore(%arg14 : memref<!tpu.dma_semaphore, #tpu.memory_space<semaphore_mem>>) src(%dma_wait3A_54 : memref<10240x128xf32, #tpu.memory_space<hbm>>) dst(%arg11 : memref<16x128xf32, #tpu.memory_space<vmem>>)
    "tpu.region"() ({
      %run_scoped3A_60 = tpu.sem_alloc : memref<!tpu.dma_semaphore, #tpu.memory_space<semaphore_mem>>
      %dma_start3A_61 = arith.constant 0 : i32
      %dma_start3A_62 = arith.constant 0 : i32
      %dma_start3A_63 = tpu.memref_slice %arg6[%dma_start3A_61, %dma_start3A_62] : memref<10240x128xf32, #tpu.memory_space<vmem_shared>> -> memref<10240x128xf32, #tpu.memory_space<vmem_shared>>
      tpu.enqueue_indirect_dma source(%arg11 : memref<16x128xf32, #tpu.memory_space<vmem>>) target(%dma_start3A_63 : memref<10240x128xf32, #tpu.memory_space<vmem_shared>>) offsets(%arg13 : memref<16xi32, #tpu.memory_space<vmem>>) semaphore(%run_scoped3A_60 : memref<!tpu.dma_semaphore, #tpu.memory_space<semaphore_mem>>) {add = true}
      %dma_wait3A_64 = arith.constant 0 : i32
      %dma_wait3A_65 = arith.constant 0 : i32
      %dma_wait3A_66 = tpu.memref_slice %arg6[%dma_wait3A_64, %dma_wait3A_65] : memref<10240x128xf32, #tpu.memory_space<vmem_shared>> -> memref<10240x128xf32, #tpu.memory_space<vmem_shared>>
      tpu.wait_indirect_dma semaphore(%run_scoped3A_60 : memref<!tpu.dma_semaphore, #tpu.memory_space<semaphore_mem>>) src(%arg11 : memref<16x128xf32, #tpu.memory_space<vmem>>) dst(%dma_wait3A_66 : memref<10240x128xf32, #tpu.memory_space<vmem_shared>>)
      tpu.yield
    }) : () -> ()
    %barrier3A_55 = arith.constant 0 : index
    tpu.barrier barrier_id(%barrier3A_55)
    %mul3A_56 = arith.constant 640 : i32
    %mul3A_57 = arith.muli %arg1, %mul3A_56 : i32
    %mul3A_58 = arith.constant 640 : i32
    %mul3A_59 = arith.muli %arg1, %mul3A_58 : i32
    "tpu.region"() ({
      %run_scoped3A_60 = tpu.sem_alloc : memref<!tpu.dma_semaphore, #tpu.memory_space<semaphore_mem>>
      %dma_start3A_61 = arith.constant 0 : i32
      %dma_start3A_62 = tpu.memref_slice %arg5[%arg0, %mul3A_59, %dma_start3A_61] : memref<2x10240x128xf32, #tpu.memory_space<hbm>> -> memref<1x640x128xf32, #tpu.memory_space<hbm>>
      %dma_start3A_63 = tpu.memref_squeeze %dma_start3A_62 : memref<1x640x128xf32, #tpu.memory_space<hbm>> -> memref<640x128xf32, #tpu.memory_space<hbm>>
      %dma_start3A_64 = arith.constant 0 : i32
      %dma_start3A_65 = tpu.memref_slice %arg6[%mul3A_57, %dma_start3A_64] : memref<10240x128xf32, #tpu.memory_space<vmem_shared>> -> memref<640x128xf32, #tpu.memory_space<vmem_shared>>
      tpu.enqueue_dma source(%dma_start3A_65 : memref<640x128xf32, #tpu.memory_space<vmem_shared>>) target(%dma_start3A_63 : memref<640x128xf32, #tpu.memory_space<hbm>>) target_semaphore(%run_scoped3A_60 : memref<!tpu.dma_semaphore, #tpu.memory_space<semaphore_mem>>)
      %dma_wait3A_66 = arith.constant 0 : i32
      %dma_wait3A_67 = tpu.memref_slice %arg5[%arg0, %mul3A_59, %dma_wait3A_66] : memref<2x10240x128xf32, #tpu.memory_space<hbm>> -> memref<1x640x128xf32, #tpu.memory_space<hbm>>
      %dma_wait3A_68 = tpu.memref_squeeze %dma_wait3A_67 : memref<1x640x128xf32, #tpu.memory_space<hbm>> -> memref<640x128xf32, #tpu.memory_space<hbm>>
      %dma_wait3A_69 = arith.constant 0 : i32
      %dma_wait3A_70 = tpu.memref_slice %arg6[%mul3A_57, %dma_wait3A_69] : memref<10240x128xf32, #tpu.memory_space<vmem_shared>> -> memref<640x128xf32, #tpu.memory_space<vmem_shared>>
      tpu.wait_dma2 semaphore(%run_scoped3A_60 : memref<!tpu.dma_semaphore, #tpu.memory_space<semaphore_mem>>) src(%dma_wait3A_70 : memref<640x128xf32, #tpu.memory_space<vmem_shared>>) dst(%dma_wait3A_68 : memref<640x128xf32, #tpu.memory_space<hbm>>)
      tpu.yield
    }) : () -> ()
    return
  }
}

module attributes {stable_mosaic.version = 14 : i64} {
  func.func @_tc1_body(%arg0: i32, %arg1: memref<2x1x2048xf32, #tpu.memory_space<vmem>>, %arg2: memref<2048x128xf32, #tpu.memory_space<vmem>>, %arg3: memref<128x128xf32, #tpu.memory_space<vmem>>, %arg4: memref<128x128xf32, #tpu.memory_space<vmem>>, %arg5: memref<1x128xf32, #tpu.memory_space<vmem>>, %arg6: memref<2048x128xf32, #tpu.memory_space<vmem>>, %arg7: memref<2048x128xf32, #tpu.memory_space<vmem>>, %arg8: memref<2048xf32, #tpu.memory_space<vmem>>) attributes {dimension_semantics = [#tpu.dimension_semantics<arbitrary>], iteration_bounds = array<i64: 5>, scalar_prefetch = 0 : i64, scratch_operands = 0 : i64, tpu.core_type = #tpu.core_type<tc>, window_params = [{transform_indices = @transform_0, window_bounds = array<i64: 2, 1, 2048>}, {transform_indices = @transform_1, window_bounds = array<i64: 2048, 128>}, {pipeline_mode = #tpu.pipeline_mode<synchronous>, transform_indices = @transform_2, window_bounds = array<i64: 128, 128>}, {pipeline_mode = #tpu.pipeline_mode<synchronous>, transform_indices = @transform_3, window_bounds = array<i64: 128, 128>}, {pipeline_mode = #tpu.pipeline_mode<synchronous>, transform_indices = @transform_4, window_bounds = array<i64: 1, 128>}, {transform_indices = @transform_5, window_bounds = array<i64: 2048, 128>}, {transform_indices = @transform_6, window_bounds = array<i64: 2048, 128>}, {transform_indices = @transform_7, window_bounds = array<i64: 2048>}]} {
    %get3A = arith.constant 0 : index
    %get3A_0 = arith.constant 0 : index
    %get3A_1 = arith.constant 0 : index
    %get3A_2 = vector.load %arg1[%get3A, %get3A_0, %get3A_1] : memref<2x1x2048xf32, #tpu.memory_space<vmem>>, vector<1x1x2048xf32>
    %get3A_3 = vector.shape_cast %get3A_2 : vector<1x1x2048xf32> to vector<2048xf32>
    %get3A_4 = arith.constant 1 : index
    %get3A_5 = arith.constant 0 : index
    %get3A_6 = arith.constant 0 : index
    %get3A_7 = vector.load %arg1[%get3A_4, %get3A_5, %get3A_6] : memref<2x1x2048xf32, #tpu.memory_space<vmem>>, vector<1x1x2048xf32>
    %get3A_8 = vector.shape_cast %get3A_7 : vector<1x1x2048xf32> to vector<2048xf32>
    %add3A = arith.addf %get3A_3, %get3A_8 : vector<2048xf32>
    %gt3A = arith.constant 0.000000e+00 : f32
    %gt3A_9 = vector.broadcast %gt3A : f32 to vector<2048xf32>
    %gt3A_10 = arith.cmpf ogt, %add3A, %gt3A_9 : vector<2048xf32>
    %max3A = arith.constant 9.99999996E-13 : f32
    %max3A_11 = vector.broadcast %max3A : f32 to vector<2048xf32>
    %max3A_12 = arith.maximumf %add3A, %max3A_11 : vector<2048xf32>
    %rsqrt3A = math.rsqrt %max3A_12 : vector<2048xf32>
    %jit3A = arith.constant 0.000000e+00 : f32
    %broadcast_in_dim3A = vector.broadcast %jit3A : f32 to vector<2048xf32>
    %select_n3A = arith.select %gt3A_10, %rsqrt3A, %broadcast_in_dim3A : vector<2048xi1>, vector<2048xf32>
    %reshape3A = vector.shape_cast %select_n3A : vector<2048xf32> to vector<2048x1xf32>
    %get3A_13 = arith.constant 0 : index
    %get3A_14 = arith.constant 0 : index
    %get3A_15 = vector.load %arg2[%get3A_13, %get3A_14] : memref<2048x128xf32, #tpu.memory_space<vmem>>, vector<2048x128xf32>
    %get3A_16 = arith.constant 0 : index
    %get3A_17 = arith.constant 0 : index
    %get3A_18 = vector.load %arg3[%get3A_16, %get3A_17] : memref<128x128xf32, #tpu.memory_space<vmem>>, vector<128x128xf32>
    %dot_general3A = arith.constant dense<0.000000e+00> : vector<2048x128xf32>
    %dot_general3A_19 = tpu.matmul %get3A_15, %get3A_18, %dot_general3A {dimension_numbers = #tpu.dot_dimension_numbers<[1], [0], [0], [1], [0, 0, 1, 1], [], []>, transpose_lhs_hint = false} : vector<2048x128xf32>, vector<128x128xf32>, vector<2048x128xf32> -> vector<2048x128xf32>
    %get3A_20 = arith.constant 0 : index
    %get3A_21 = arith.constant 0 : index
    %get3A_22 = vector.load %arg5[%get3A_20, %get3A_21] : memref<1x128xf32, #tpu.memory_space<vmem>>, vector<1x128xf32>
    %add3A_23 = vector.broadcast %get3A_22 : vector<1x128xf32> to vector<2048x128xf32>
    %add3A_24 = arith.addf %dot_general3A_19, %add3A_23 : vector<2048x128xf32>
    %swap3A = arith.constant 0 : index
    %swap3A_25 = arith.constant 0 : index
    %swap3A_26 = vector.load %arg6[%swap3A, %swap3A_25] : memref<2048x128xf32, #tpu.memory_space<vmem>>, vector<2048x128xf32>
    tpu.vector_store %arg6[%swap3A, %swap3A_25], %add3A_24 {strides = array<i32>} : memref<2048x128xf32, #tpu.memory_space<vmem>>, vector<2048x128xf32>,
    %get3A_27 = arith.constant 0 : index
    %get3A_28 = arith.constant 0 : index
    %get3A_29 = vector.load %arg4[%get3A_27, %get3A_28] : memref<128x128xf32, #tpu.memory_space<vmem>>, vector<128x128xf32>
    %dot_general3A_30 = arith.constant dense<0.000000e+00> : vector<2048x128xf32>
    %dot_general3A_31 = tpu.matmul %get3A_15, %get3A_29, %dot_general3A_30 {dimension_numbers = #tpu.dot_dimension_numbers<[1], [0], [0], [1], [0, 0, 1, 1], [], []>, transpose_lhs_hint = false} : vector<2048x128xf32>, vector<128x128xf32>, vector<2048x128xf32> -> vector<2048x128xf32>
    %mul3A = vector.broadcast %reshape3A : vector<2048x1xf32> to vector<2048x128xf32>
    %mul3A_32 = arith.mulf %mul3A, %dot_general3A_31 : vector<2048x128xf32>
    %swap3A_33 = arith.constant 0 : index
    %swap3A_34 = arith.constant 0 : index
    %swap3A_35 = vector.load %arg7[%swap3A_33, %swap3A_34] : memref<2048x128xf32, #tpu.memory_space<vmem>>, vector<2048x128xf32>
    tpu.vector_store %arg7[%swap3A_33, %swap3A_34], %mul3A_32 {strides = array<i32>} : memref<2048x128xf32, #tpu.memory_space<vmem>>, vector<2048x128xf32>,
    %swap3A_36 = arith.constant 0 : index
    %swap3A_37 = vector.load %arg8[%swap3A_36] : memref<2048xf32, #tpu.memory_space<vmem>>, vector<2048xf32>
    tpu.vector_store %arg8[%swap3A_36], %select_n3A {strides = array<i32>} : memref<2048xf32, #tpu.memory_space<vmem>>, vector<2048xf32>,
    return
  }
  func.func @transform_0(%arg0: i32) -> (i32, i32, i32) {
    %c0_i32 = arith.constant 0 : i32
    %c0_i32_0 = arith.constant 0 : i32
    %c0_i32_1 = arith.constant 0 : i32
    return %c0_i32, %c0_i32_0, %arg0 : i32, i32, i32
  }
  func.func @transform_1(%arg0: i32) -> (i32, i32) {
    %c0_i32 = arith.constant 0 : i32
    %c0_i32_0 = arith.constant 0 : i32
    return %arg0, %c0_i32 : i32, i32
  }
  func.func @transform_2(%arg0: i32) -> (i32, i32) {
    %c0_i32 = arith.constant 0 : i32
    %c0_i32_0 = arith.constant 0 : i32
    %c0_i32_1 = arith.constant 0 : i32
    return %c0_i32, %c0_i32_0 : i32, i32
  }
  func.func @transform_3(%arg0: i32) -> (i32, i32) {
    %c0_i32 = arith.constant 0 : i32
    %c0_i32_0 = arith.constant 0 : i32
    %c0_i32_1 = arith.constant 0 : i32
    return %c0_i32, %c0_i32_0 : i32, i32
  }
  func.func @transform_4(%arg0: i32) -> (i32, i32) {
    %c0_i32 = arith.constant 0 : i32
    %c0_i32_0 = arith.constant 0 : i32
    %c0_i32_1 = arith.constant 0 : i32
    return %c0_i32, %c0_i32_0 : i32, i32
  }
  func.func @transform_5(%arg0: i32) -> (i32, i32) {
    %c0_i32 = arith.constant 0 : i32
    %c0_i32_0 = arith.constant 0 : i32
    return %arg0, %c0_i32 : i32, i32
  }
  func.func @transform_6(%arg0: i32) -> (i32, i32) {
    %c0_i32 = arith.constant 0 : i32
    %c0_i32_0 = arith.constant 0 : i32
    return %arg0, %c0_i32 : i32, i32
  }
  func.func @transform_7(%arg0: i32) -> i32 {
    %c0_i32 = arith.constant 0 : i32
    return %arg0 : i32
  }
}

module attributes {stable_mosaic.version = 14 : i64} {
  func.func @_tc2_body(%arg0: i32, %arg1: memref<2048x128xf32, #tpu.memory_space<vmem>>, %arg2: memref<2x2048x128xf32, #tpu.memory_space<vmem>>, %arg3: memref<2048xf32, #tpu.memory_space<vmem>>, %arg4: memref<128x128xf32, #tpu.memory_space<vmem>>, %arg5: memref<128x128xf32, #tpu.memory_space<vmem>>, %arg6: memref<1x128xf32, #tpu.memory_space<vmem>>, %arg7: memref<2048x128xf32, #tpu.memory_space<vmem>>, %arg8: memref<2048x128xf32, #tpu.memory_space<vmem>>) attributes {dimension_semantics = [#tpu.dimension_semantics<arbitrary>], iteration_bounds = array<i64: 5>, scalar_prefetch = 0 : i64, scratch_operands = 0 : i64, tpu.core_type = #tpu.core_type<tc>, window_params = [{transform_indices = @transform_0, window_bounds = array<i64: 2048, 128>}, {transform_indices = @transform_1, window_bounds = array<i64: 2, 2048, 128>}, {transform_indices = @transform_2, window_bounds = array<i64: 2048>}, {pipeline_mode = #tpu.pipeline_mode<synchronous>, transform_indices = @transform_3, window_bounds = array<i64: 128, 128>}, {pipeline_mode = #tpu.pipeline_mode<synchronous>, transform_indices = @transform_4, window_bounds = array<i64: 128, 128>}, {pipeline_mode = #tpu.pipeline_mode<synchronous>, transform_indices = @transform_5, window_bounds = array<i64: 1, 128>}, {transform_indices = @transform_6, window_bounds = array<i64: 2048, 128>}, {transform_indices = @transform_7, window_bounds = array<i64: 2048, 128>}]} {
    %get3A = arith.constant 0 : index
    %get3A_0 = vector.load %arg3[%get3A] : memref<2048xf32, #tpu.memory_space<vmem>>, vector<2048xf32>
    %reshape3A = vector.shape_cast %get3A_0 : vector<2048xf32> to vector<2048x1xf32>
    %get3A_1 = arith.constant 0 : index
    %get3A_2 = arith.constant 0 : index
    %get3A_3 = arith.constant 0 : index
    %get3A_4 = vector.load %arg2[%get3A_1, %get3A_2, %get3A_3] : memref<2x2048x128xf32, #tpu.memory_space<vmem>>, vector<1x2048x128xf32>
    %get3A_5 = vector.shape_cast %get3A_4 : vector<1x2048x128xf32> to vector<2048x128xf32>
    %get3A_6 = arith.constant 1 : index
    %get3A_7 = arith.constant 0 : index
    %get3A_8 = arith.constant 0 : index
    %get3A_9 = vector.load %arg2[%get3A_6, %get3A_7, %get3A_8] : memref<2x2048x128xf32, #tpu.memory_space<vmem>>, vector<1x2048x128xf32>
    %get3A_10 = vector.shape_cast %get3A_9 : vector<1x2048x128xf32> to vector<2048x128xf32>
    %add3A = arith.addf %get3A_5, %get3A_10 : vector<2048x128xf32>
    %get3A_11 = arith.constant 0 : index
    %get3A_12 = arith.constant 0 : index
    %get3A_13 = vector.load %arg1[%get3A_11, %get3A_12] : memref<2048x128xf32, #tpu.memory_space<vmem>>, vector<2048x128xf32>
    %mul3A = vector.broadcast %reshape3A : vector<2048x1xf32> to vector<2048x128xf32>
    %mul3A_14 = arith.mulf %mul3A, %add3A : vector<2048x128xf32>
    %sub3A = arith.subf %get3A_13, %mul3A_14 : vector<2048x128xf32>
    %max3A = arith.constant 0.000000e+00 : f32
    %max3A_15 = vector.broadcast %max3A : f32 to vector<2048x128xf32>
    %max3A_16 = arith.maximumf %sub3A, %max3A_15 : vector<2048x128xf32>
    %get3A_17 = arith.constant 0 : index
    %get3A_18 = arith.constant 0 : index
    %get3A_19 = vector.load %arg4[%get3A_17, %get3A_18] : memref<128x128xf32, #tpu.memory_space<vmem>>, vector<128x128xf32>
    %dot_general3A = arith.constant dense<0.000000e+00> : vector<2048x128xf32>
    %dot_general3A_20 = tpu.matmul %max3A_16, %get3A_19, %dot_general3A {dimension_numbers = #tpu.dot_dimension_numbers<[1], [0], [0], [1], [0, 0, 1, 1], [], []>, transpose_lhs_hint = false} : vector<2048x128xf32>, vector<128x128xf32>, vector<2048x128xf32> -> vector<2048x128xf32>
    %get3A_21 = arith.constant 0 : index
    %get3A_22 = arith.constant 0 : index
    %get3A_23 = vector.load %arg6[%get3A_21, %get3A_22] : memref<1x128xf32, #tpu.memory_space<vmem>>, vector<1x128xf32>
    %add3A_24 = vector.broadcast %get3A_23 : vector<1x128xf32> to vector<2048x128xf32>
    %add3A_25 = arith.addf %dot_general3A_20, %add3A_24 : vector<2048x128xf32>
    %swap3A = arith.constant 0 : index
    %swap3A_26 = arith.constant 0 : index
    %swap3A_27 = vector.load %arg7[%swap3A, %swap3A_26] : memref<2048x128xf32, #tpu.memory_space<vmem>>, vector<2048x128xf32>
    tpu.vector_store %arg7[%swap3A, %swap3A_26], %add3A_25 {strides = array<i32>} : memref<2048x128xf32, #tpu.memory_space<vmem>>, vector<2048x128xf32>,
    %get3A_28 = arith.constant 0 : index
    %get3A_29 = arith.constant 0 : index
    %get3A_30 = vector.load %arg5[%get3A_28, %get3A_29] : memref<128x128xf32, #tpu.memory_space<vmem>>, vector<128x128xf32>
    %dot_general3A_31 = arith.constant dense<0.000000e+00> : vector<2048x128xf32>
    %dot_general3A_32 = tpu.matmul %max3A_16, %get3A_30, %dot_general3A_31 {dimension_numbers = #tpu.dot_dimension_numbers<[1], [0], [0], [1], [0, 0, 1, 1], [], []>, transpose_lhs_hint = false} : vector<2048x128xf32>, vector<128x128xf32>, vector<2048x128xf32> -> vector<2048x128xf32>
    %mul3A_33 = vector.broadcast %reshape3A : vector<2048x1xf32> to vector<2048x128xf32>
    %mul3A_34 = arith.mulf %mul3A_33, %dot_general3A_32 : vector<2048x128xf32>
    %swap3A_35 = arith.constant 0 : index
    %swap3A_36 = arith.constant 0 : index
    %swap3A_37 = vector.load %arg8[%swap3A_35, %swap3A_36] : memref<2048x128xf32, #tpu.memory_space<vmem>>, vector<2048x128xf32>
    tpu.vector_store %arg8[%swap3A_35, %swap3A_36], %mul3A_34 {strides = array<i32>} : memref<2048x128xf32, #tpu.memory_space<vmem>>, vector<2048x128xf32>,
    return
  }
  func.func @transform_0(%arg0: i32) -> (i32, i32) {
    %c0_i32 = arith.constant 0 : i32
    %c0_i32_0 = arith.constant 0 : i32
    return %arg0, %c0_i32 : i32, i32
  }
  func.func @transform_1(%arg0: i32) -> (i32, i32, i32) {
    %c0_i32 = arith.constant 0 : i32
    %c0_i32_0 = arith.constant 0 : i32
    %c0_i32_1 = arith.constant 0 : i32
    return %c0_i32, %arg0, %c0_i32_0 : i32, i32, i32
  }
  func.func @transform_2(%arg0: i32) -> i32 {
    %c0_i32 = arith.constant 0 : i32
    return %arg0 : i32
  }
  func.func @transform_3(%arg0: i32) -> (i32, i32) {
    %c0_i32 = arith.constant 0 : i32
    %c0_i32_0 = arith.constant 0 : i32
    %c0_i32_1 = arith.constant 0 : i32
    return %c0_i32, %c0_i32_0 : i32, i32
  }
  func.func @transform_4(%arg0: i32) -> (i32, i32) {
    %c0_i32 = arith.constant 0 : i32
    %c0_i32_0 = arith.constant 0 : i32
    %c0_i32_1 = arith.constant 0 : i32
    return %c0_i32, %c0_i32_0 : i32, i32
  }
  func.func @transform_5(%arg0: i32) -> (i32, i32) {
    %c0_i32 = arith.constant 0 : i32
    %c0_i32_0 = arith.constant 0 : i32
    %c0_i32_1 = arith.constant 0 : i32
    return %c0_i32, %c0_i32_0 : i32, i32
  }
  func.func @transform_6(%arg0: i32) -> (i32, i32) {
    %c0_i32 = arith.constant 0 : i32
    %c0_i32_0 = arith.constant 0 : i32
    return %arg0, %c0_i32 : i32, i32
  }
  func.func @transform_7(%arg0: i32) -> (i32, i32) {
    %c0_i32 = arith.constant 0 : i32
    %c0_i32_0 = arith.constant 0 : i32
    return %arg0, %c0_i32 : i32, i32
  }
}

module attributes {stable_mosaic.version = 14 : i64} {
  func.func @_tc3_body(%arg0: i32, %arg1: memref<2048x128xf32, #tpu.memory_space<vmem>>, %arg2: memref<2x2048x128xf32, #tpu.memory_space<vmem>>, %arg3: memref<2048xf32, #tpu.memory_space<vmem>>, %arg4: memref<1x128xf32, #tpu.memory_space<vmem>>, %arg5: memref<1x1xf32, #tpu.memory_space<vmem>>, %arg6: memref<2048x1xf32, #tpu.memory_space<vmem>>) attributes {dimension_semantics = [#tpu.dimension_semantics<arbitrary>], iteration_bounds = array<i64: 5>, scalar_prefetch = 0 : i64, scratch_operands = 0 : i64, tpu.core_type = #tpu.core_type<tc>, window_params = [{transform_indices = @transform_0, window_bounds = array<i64: 2048, 128>}, {transform_indices = @transform_1, window_bounds = array<i64: 2, 2048, 128>}, {transform_indices = @transform_2, window_bounds = array<i64: 2048>}, {pipeline_mode = #tpu.pipeline_mode<synchronous>, transform_indices = @transform_3, window_bounds = array<i64: 1, 128>}, {pipeline_mode = #tpu.pipeline_mode<synchronous>, transform_indices = @transform_4, window_bounds = array<i64: 1, 1>}, {transform_indices = @transform_5, window_bounds = array<i64: 2048, 1>}]} {
    %get3A = arith.constant 0 : index
    %get3A_0 = vector.load %arg3[%get3A] : memref<2048xf32, #tpu.memory_space<vmem>>, vector<2048xf32>
    %reshape3A = vector.shape_cast %get3A_0 : vector<2048xf32> to vector<2048x1xf32>
    %get3A_1 = arith.constant 0 : index
    %get3A_2 = arith.constant 0 : index
    %get3A_3 = arith.constant 0 : index
    %get3A_4 = vector.load %arg2[%get3A_1, %get3A_2, %get3A_3] : memref<2x2048x128xf32, #tpu.memory_space<vmem>>, vector<1x2048x128xf32>
    %get3A_5 = vector.shape_cast %get3A_4 : vector<1x2048x128xf32> to vector<2048x128xf32>
    %get3A_6 = arith.constant 1 : index
    %get3A_7 = arith.constant 0 : index
    %get3A_8 = arith.constant 0 : index
    %get3A_9 = vector.load %arg2[%get3A_6, %get3A_7, %get3A_8] : memref<2x2048x128xf32, #tpu.memory_space<vmem>>, vector<1x2048x128xf32>
    %get3A_10 = vector.shape_cast %get3A_9 : vector<1x2048x128xf32> to vector<2048x128xf32>
    %add3A = arith.addf %get3A_5, %get3A_10 : vector<2048x128xf32>
    %get3A_11 = arith.constant 0 : index
    %get3A_12 = arith.constant 0 : index
    %get3A_13 = vector.load %arg1[%get3A_11, %get3A_12] : memref<2048x128xf32, #tpu.memory_space<vmem>>, vector<2048x128xf32>
    %mul3A = vector.broadcast %reshape3A : vector<2048x1xf32> to vector<2048x128xf32>
    %mul3A_14 = arith.mulf %mul3A, %add3A : vector<2048x128xf32>
    %sub3A = arith.subf %get3A_13, %mul3A_14 : vector<2048x128xf32>
    %max3A = arith.constant 0.000000e+00 : f32
    %max3A_15 = vector.broadcast %max3A : f32 to vector<2048x128xf32>
    %max3A_16 = arith.maximumf %sub3A, %max3A_15 : vector<2048x128xf32>
    %get3A_17 = arith.constant 0 : index
    %get3A_18 = arith.constant 0 : index
    %get3A_19 = vector.load %arg4[%get3A_17, %get3A_18] : memref<1x128xf32, #tpu.memory_space<vmem>>, vector<1x128xf32>
    %mul3A_20 = vector.broadcast %get3A_19 : vector<1x128xf32> to vector<2048x128xf32>
    %mul3A_21 = arith.mulf %max3A_16, %mul3A_20 : vector<2048x128xf32>
    %reduce_sum3A = arith.constant dense<0.000000e+00> : vector<2048xf32>
    %reduce_sum3A_22 = vector.multi_reduction <add>, %mul3A_21, %reduce_sum3A [1] : vector<2048x128xf32> to vector<2048xf32>
    %broadcast_in_dim3A = vector.shape_cast %reduce_sum3A_22 : vector<2048xf32> to vector<2048x1xf32>
    %get3A_23 = arith.constant 0 : index
    %get3A_24 = arith.constant 0 : index
    %get3A_25 = vector.load %arg5[%get3A_23, %get3A_24] : memref<1x1xf32, #tpu.memory_space<vmem>>, vector<1x1xf32>
    %add3A_26 = vector.broadcast %get3A_25 : vector<1x1xf32> to vector<2048x1xf32>
    %add3A_27 = arith.addf %broadcast_in_dim3A, %add3A_26 : vector<2048x1xf32>
    %swap3A = arith.constant 0 : index
    %swap3A_28 = arith.constant 0 : index
    %swap3A_29 = vector.load %arg6[%swap3A, %swap3A_28] : memref<2048x1xf32, #tpu.memory_space<vmem>>, vector<2048x1xf32>
    tpu.vector_store %arg6[%swap3A, %swap3A_28], %add3A_27 {strides = array<i32>} : memref<2048x1xf32, #tpu.memory_space<vmem>>, vector<2048x1xf32>,
    return
  }
  func.func @transform_0(%arg0: i32) -> (i32, i32) {
    %c0_i32 = arith.constant 0 : i32
    %c0_i32_0 = arith.constant 0 : i32
    return %arg0, %c0_i32 : i32, i32
  }
  func.func @transform_1(%arg0: i32) -> (i32, i32, i32) {
    %c0_i32 = arith.constant 0 : i32
    %c0_i32_0 = arith.constant 0 : i32
    %c0_i32_1 = arith.constant 0 : i32
    return %c0_i32, %arg0, %c0_i32_0 : i32, i32, i32
  }
  func.func @transform_2(%arg0: i32) -> i32 {
    %c0_i32 = arith.constant 0 : i32
    return %arg0 : i32
  }
  func.func @transform_3(%arg0: i32) -> (i32, i32) {
    %c0_i32 = arith.constant 0 : i32
    %c0_i32_0 = arith.constant 0 : i32
    %c0_i32_1 = arith.constant 0 : i32
    return %c0_i32, %c0_i32_0 : i32, i32
  }
  func.func @transform_4(%arg0: i32) -> (i32, i32) {
    %c0_i32 = arith.constant 0 : i32
    %c0_i32_0 = arith.constant 0 : i32
    %c0_i32_1 = arith.constant 0 : i32
    return %c0_i32, %c0_i32_0 : i32, i32
  }
  func.func @transform_5(%arg0: i32) -> (i32, i32) {
    %c0_i32 = arith.constant 0 : i32
    %c0_i32_0 = arith.constant 0 : i32
    return %arg0, %c0_i32 : i32, i32
  }
}

module attributes {stable_mosaic.version = 14 : i64} {
  func.func @_tc4_body(%arg0: memref<80x128xf32, #tpu.memory_space<vmem>>, %arg1: memref<80x128xi32, #tpu.memory_space<vmem>>, %arg2: memref<80x128xf32, #tpu.memory_space<vmem>>) attributes {dimension_semantics = [], scalar_prefetch = 0 : i64, scratch_operands = 0 : i64, tpu.core_type = #tpu.core_type<tc>} {
    %get3A = arith.constant 0 : index
    %get3A_0 = arith.constant 0 : index
    %get3A_1 = vector.load %arg0[%get3A, %get3A_0] : memref<80x128xf32, #tpu.memory_space<vmem>>, vector<80x128xf32>
    %get3A_2 = arith.constant 0 : index
    %get3A_3 = arith.constant 0 : index
    %get3A_4 = vector.load %arg1[%get3A_2, %get3A_3] : memref<80x128xi32, #tpu.memory_space<vmem>>, vector<80x128xi32>
    %broadcast_in_dim3A = arith.constant 0.000000e+00 : f32
    %broadcast_in_dim3A_5 = vector.broadcast %broadcast_in_dim3A : f32 to vector<80x128xf32>
    %eq3A = arith.constant 0 : i32
    %eq3A_6 = vector.broadcast %eq3A : i32 to vector<80x128xi32>
    %eq3A_7 = arith.cmpi eq, %get3A_4, %eq3A_6 : vector<80x128xi32>
    %jit3A = arith.constant 0xFF800000 : f32
    %broadcast_in_dim3A_8 = vector.broadcast %jit3A : f32 to vector<80x128xf32>
    %select_n3A = arith.select %eq3A_7, %get3A_1, %broadcast_in_dim3A_8 : vector<80x128xi1>, vector<80x128xf32>
    %reduce_max3A = vector.shape_cast %select_n3A : vector<80x128xf32> to vector<1x80x128xf32>
    %reduce_max3A_9 = arith.constant dense<0xFF800000> : vector<1xf32>
    %reduce_max3A_10 = vector.multi_reduction <maximumf>, %reduce_max3A, %reduce_max3A_9 [1, 2] : vector<1x80x128xf32> to vector<1xf32>
    %reduce_max3A_11 = vector.shape_cast %reduce_max3A_10 : vector<1xf32> to vector<1x1x1xf32>
    %reduce_max3A_12 = vector.extract %reduce_max3A_11[0, 0, 0] : f32 from vector<1x1x1xf32>
    %eq3A_13 = arith.constant 0xFF800000 : f32
    %eq3A_14 = arith.cmpf oeq, %reduce_max3A_12, %eq3A_13 : f32
    %jit3A_15 = arith.constant 0.000000e+00 : f32
    %select_n3A_16 = arith.select %eq3A_14, %jit3A_15, %reduce_max3A_12 : f32
    %broadcast_in_dim3A_17 = vector.broadcast %select_n3A_16 : f32 to vector<80x128xf32>
    %select_n3A_18 = arith.select %eq3A_7, %broadcast_in_dim3A_17, %broadcast_in_dim3A_5 : vector<80x128xi1>, vector<80x128xf32>
    %eq3A_19 = arith.constant 1 : i32
    %eq3A_20 = vector.broadcast %eq3A_19 : i32 to vector<80x128xi32>
    %eq3A_21 = arith.cmpi eq, %get3A_4, %eq3A_20 : vector<80x128xi32>
    %jit3A_22 = arith.constant 0xFF800000 : f32
    %broadcast_in_dim3A_23 = vector.broadcast %jit3A_22 : f32 to vector<80x128xf32>
    %select_n3A_24 = arith.select %eq3A_21, %get3A_1, %broadcast_in_dim3A_23 : vector<80x128xi1>, vector<80x128xf32>
    %reduce_max3A_25 = vector.shape_cast %select_n3A_24 : vector<80x128xf32> to vector<1x80x128xf32>
    %reduce_max3A_26 = arith.constant dense<0xFF800000> : vector<1xf32>
    %reduce_max3A_27 = vector.multi_reduction <maximumf>, %reduce_max3A_25, %reduce_max3A_26 [1, 2] : vector<1x80x128xf32> to vector<1xf32>
    %reduce_max3A_28 = vector.shape_cast %reduce_max3A_27 : vector<1xf32> to vector<1x1x1xf32>
    %reduce_max3A_29 = vector.extract %reduce_max3A_28[0, 0, 0] : f32 from vector<1x1x1xf32>
    %eq3A_30 = arith.constant 0xFF800000 : f32
    %eq3A_31 = arith.cmpf oeq, %reduce_max3A_29, %eq3A_30 : f32
    %jit3A_32 = arith.constant 0.000000e+00 : f32
    %select_n3A_33 = arith.select %eq3A_31, %jit3A_32, %reduce_max3A_29 : f32
    %broadcast_in_dim3A_34 = vector.broadcast %select_n3A_33 : f32 to vector<80x128xf32>
    %select_n3A_35 = arith.select %eq3A_21, %broadcast_in_dim3A_34, %select_n3A_18 : vector<80x128xi1>, vector<80x128xf32>
    %eq3A_36 = arith.constant 2 : i32
    %eq3A_37 = vector.broadcast %eq3A_36 : i32 to vector<80x128xi32>
    %eq3A_38 = arith.cmpi eq, %get3A_4, %eq3A_37 : vector<80x128xi32>
    %jit3A_39 = arith.constant 0xFF800000 : f32
    %broadcast_in_dim3A_40 = vector.broadcast %jit3A_39 : f32 to vector<80x128xf32>
    %select_n3A_41 = arith.select %eq3A_38, %get3A_1, %broadcast_in_dim3A_40 : vector<80x128xi1>, vector<80x128xf32>
    %reduce_max3A_42 = vector.shape_cast %select_n3A_41 : vector<80x128xf32> to vector<1x80x128xf32>
    %reduce_max3A_43 = arith.constant dense<0xFF800000> : vector<1xf32>
    %reduce_max3A_44 = vector.multi_reduction <maximumf>, %reduce_max3A_42, %reduce_max3A_43 [1, 2] : vector<1x80x128xf32> to vector<1xf32>
    %reduce_max3A_45 = vector.shape_cast %reduce_max3A_44 : vector<1xf32> to vector<1x1x1xf32>
    %reduce_max3A_46 = vector.extract %reduce_max3A_45[0, 0, 0] : f32 from vector<1x1x1xf32>
    %eq3A_47 = arith.constant 0xFF800000 : f32
    %eq3A_48 = arith.cmpf oeq, %reduce_max3A_46, %eq3A_47 : f32
    %jit3A_49 = arith.constant 0.000000e+00 : f32
    %select_n3A_50 = arith.select %eq3A_48, %jit3A_49, %reduce_max3A_46 : f32
    %broadcast_in_dim3A_51 = vector.broadcast %select_n3A_50 : f32 to vector<80x128xf32>
    %select_n3A_52 = arith.select %eq3A_38, %broadcast_in_dim3A_51, %select_n3A_35 : vector<80x128xi1>, vector<80x128xf32>
    %eq3A_53 = arith.constant 3 : i32
    %eq3A_54 = vector.broadcast %eq3A_53 : i32 to vector<80x128xi32>
    %eq3A_55 = arith.cmpi eq, %get3A_4, %eq3A_54 : vector<80x128xi32>
    %jit3A_56 = arith.constant 0xFF800000 : f32
    %broadcast_in_dim3A_57 = vector.broadcast %jit3A_56 : f32 to vector<80x128xf32>
    %select_n3A_58 = arith.select %eq3A_55, %get3A_1, %broadcast_in_dim3A_57 : vector<80x128xi1>, vector<80x128xf32>
    %reduce_max3A_59 = vector.shape_cast %select_n3A_58 : vector<80x128xf32> to vector<1x80x128xf32>
    %reduce_max3A_60 = arith.constant dense<0xFF800000> : vector<1xf32>
    %reduce_max3A_61 = vector.multi_reduction <maximumf>, %reduce_max3A_59, %reduce_max3A_60 [1, 2] : vector<1x80x128xf32> to vector<1xf32>
    %reduce_max3A_62 = vector.shape_cast %reduce_max3A_61 : vector<1xf32> to vector<1x1x1xf32>
    %reduce_max3A_63 = vector.extract %reduce_max3A_62[0, 0, 0] : f32 from vector<1x1x1xf32>
    %eq3A_64 = arith.constant 0xFF800000 : f32
    %eq3A_65 = arith.cmpf oeq, %reduce_max3A_63, %eq3A_64 : f32
    %jit3A_66 = arith.constant 0.000000e+00 : f32
    %select_n3A_67 = arith.select %eq3A_65, %jit3A_66, %reduce_max3A_63 : f32
    %broadcast_in_dim3A_68 = vector.broadcast %select_n3A_67 : f32 to vector<80x128xf32>
    %select_n3A_69 = arith.select %eq3A_55, %broadcast_in_dim3A_68, %select_n3A_52 : vector<80x128xi1>, vector<80x128xf32>
    %eq3A_70 = arith.constant 4 : i32
    %eq3A_71 = vector.broadcast %eq3A_70 : i32 to vector<80x128xi32>
    %eq3A_72 = arith.cmpi eq, %get3A_4, %eq3A_71 : vector<80x128xi32>
    %jit3A_73 = arith.constant 0xFF800000 : f32
    %broadcast_in_dim3A_74 = vector.broadcast %jit3A_73 : f32 to vector<80x128xf32>
    %select_n3A_75 = arith.select %eq3A_72, %get3A_1, %broadcast_in_dim3A_74 : vector<80x128xi1>, vector<80x128xf32>
    %reduce_max3A_76 = vector.shape_cast %select_n3A_75 : vector<80x128xf32> to vector<1x80x128xf32>
    %reduce_max3A_77 = arith.constant dense<0xFF800000> : vector<1xf32>
    %reduce_max3A_78 = vector.multi_reduction <maximumf>, %reduce_max3A_76, %reduce_max3A_77 [1, 2] : vector<1x80x128xf32> to vector<1xf32>
    %reduce_max3A_79 = vector.shape_cast %reduce_max3A_78 : vector<1xf32> to vector<1x1x1xf32>
    %reduce_max3A_80 = vector.extract %reduce_max3A_79[0, 0, 0] : f32 from vector<1x1x1xf32>
    %eq3A_81 = arith.constant 0xFF800000 : f32
    %eq3A_82 = arith.cmpf oeq, %reduce_max3A_80, %eq3A_81 : f32
    %jit3A_83 = arith.constant 0.000000e+00 : f32
    %select_n3A_84 = arith.select %eq3A_82, %jit3A_83, %reduce_max3A_80 : f32
    %broadcast_in_dim3A_85 = vector.broadcast %select_n3A_84 : f32 to vector<80x128xf32>
    %select_n3A_86 = arith.select %eq3A_72, %broadcast_in_dim3A_85, %select_n3A_69 : vector<80x128xi1>, vector<80x128xf32>
    %eq3A_87 = arith.constant 5 : i32
    %eq3A_88 = vector.broadcast %eq3A_87 : i32 to vector<80x128xi32>
    %eq3A_89 = arith.cmpi eq, %get3A_4, %eq3A_88 : vector<80x128xi32>
    %jit3A_90 = arith.constant 0xFF800000 : f32
    %broadcast_in_dim3A_91 = vector.broadcast %jit3A_90 : f32 to vector<80x128xf32>
    %select_n3A_92 = arith.select %eq3A_89, %get3A_1, %broadcast_in_dim3A_91 : vector<80x128xi1>, vector<80x128xf32>
    %reduce_max3A_93 = vector.shape_cast %select_n3A_92 : vector<80x128xf32> to vector<1x80x128xf32>
    %reduce_max3A_94 = arith.constant dense<0xFF800000> : vector<1xf32>
    %reduce_max3A_95 = vector.multi_reduction <maximumf>, %reduce_max3A_93, %reduce_max3A_94 [1, 2] : vector<1x80x128xf32> to vector<1xf32>
    %reduce_max3A_96 = vector.shape_cast %reduce_max3A_95 : vector<1xf32> to vector<1x1x1xf32>
    %reduce_max3A_97 = vector.extract %reduce_max3A_96[0, 0, 0] : f32 from vector<1x1x1xf32>
    %eq3A_98 = arith.constant 0xFF800000 : f32
    %eq3A_99 = arith.cmpf oeq, %reduce_max3A_97, %eq3A_98 : f32
    %jit3A_100 = arith.constant 0.000000e+00 : f32
    %select_n3A_101 = arith.select %eq3A_99, %jit3A_100, %reduce_max3A_97 : f32
    %broadcast_in_dim3A_102 = vector.broadcast %select_n3A_101 : f32 to vector<80x128xf32>
    %select_n3A_103 = arith.select %eq3A_89, %broadcast_in_dim3A_102, %select_n3A_86 : vector<80x128xi1>, vector<80x128xf32>
    %eq3A_104 = arith.constant 6 : i32
    %eq3A_105 = vector.broadcast %eq3A_104 : i32 to vector<80x128xi32>
    %eq3A_106 = arith.cmpi eq, %get3A_4, %eq3A_105 : vector<80x128xi32>
    %jit3A_107 = arith.constant 0xFF800000 : f32
    %broadcast_in_dim3A_108 = vector.broadcast %jit3A_107 : f32 to vector<80x128xf32>
    %select_n3A_109 = arith.select %eq3A_106, %get3A_1, %broadcast_in_dim3A_108 : vector<80x128xi1>, vector<80x128xf32>
    %reduce_max3A_110 = vector.shape_cast %select_n3A_109 : vector<80x128xf32> to vector<1x80x128xf32>
    %reduce_max3A_111 = arith.constant dense<0xFF800000> : vector<1xf32>
    %reduce_max3A_112 = vector.multi_reduction <maximumf>, %reduce_max3A_110, %reduce_max3A_111 [1, 2] : vector<1x80x128xf32> to vector<1xf32>
    %reduce_max3A_113 = vector.shape_cast %reduce_max3A_112 : vector<1xf32> to vector<1x1x1xf32>
    %reduce_max3A_114 = vector.extract %reduce_max3A_113[0, 0, 0] : f32 from vector<1x1x1xf32>
    %eq3A_115 = arith.constant 0xFF800000 : f32
    %eq3A_116 = arith.cmpf oeq, %reduce_max3A_114, %eq3A_115 : f32
    %jit3A_117 = arith.constant 0.000000e+00 : f32
    %select_n3A_118 = arith.select %eq3A_116, %jit3A_117, %reduce_max3A_114 : f32
    %broadcast_in_dim3A_119 = vector.broadcast %select_n3A_118 : f32 to vector<80x128xf32>
    %select_n3A_120 = arith.select %eq3A_106, %broadcast_in_dim3A_119, %select_n3A_103 : vector<80x128xi1>, vector<80x128xf32>
    %eq3A_121 = arith.constant 7 : i32
    %eq3A_122 = vector.broadcast %eq3A_121 : i32 to vector<80x128xi32>
    %eq3A_123 = arith.cmpi eq, %get3A_4, %eq3A_122 : vector<80x128xi32>
    %jit3A_124 = arith.constant 0xFF800000 : f32
    %broadcast_in_dim3A_125 = vector.broadcast %jit3A_124 : f32 to vector<80x128xf32>
    %select_n3A_126 = arith.select %eq3A_123, %get3A_1, %broadcast_in_dim3A_125 : vector<80x128xi1>, vector<80x128xf32>
    %reduce_max3A_127 = vector.shape_cast %select_n3A_126 : vector<80x128xf32> to vector<1x80x128xf32>
    %reduce_max3A_128 = arith.constant dense<0xFF800000> : vector<1xf32>
    %reduce_max3A_129 = vector.multi_reduction <maximumf>, %reduce_max3A_127, %reduce_max3A_128 [1, 2] : vector<1x80x128xf32> to vector<1xf32>
    %reduce_max3A_130 = vector.shape_cast %reduce_max3A_129 : vector<1xf32> to vector<1x1x1xf32>
    %reduce_max3A_131 = vector.extract %reduce_max3A_130[0, 0, 0] : f32 from vector<1x1x1xf32>
    %eq3A_132 = arith.constant 0xFF800000 : f32
    %eq3A_133 = arith.cmpf oeq, %reduce_max3A_131, %eq3A_132 : f32
    %jit3A_134 = arith.constant 0.000000e+00 : f32
    %select_n3A_135 = arith.select %eq3A_133, %jit3A_134, %reduce_max3A_131 : f32
    %broadcast_in_dim3A_136 = vector.broadcast %select_n3A_135 : f32 to vector<80x128xf32>
    %select_n3A_137 = arith.select %eq3A_123, %broadcast_in_dim3A_136, %select_n3A_120 : vector<80x128xi1>, vector<80x128xf32>
    %eq3A_138 = arith.constant 8 : i32
    %eq3A_139 = vector.broadcast %eq3A_138 : i32 to vector<80x128xi32>
    %eq3A_140 = arith.cmpi eq, %get3A_4, %eq3A_139 : vector<80x128xi32>
    %jit3A_141 = arith.constant 0xFF800000 : f32
    %broadcast_in_dim3A_142 = vector.broadcast %jit3A_141 : f32 to vector<80x128xf32>
    %select_n3A_143 = arith.select %eq3A_140, %get3A_1, %broadcast_in_dim3A_142 : vector<80x128xi1>, vector<80x128xf32>
    %reduce_max3A_144 = vector.shape_cast %select_n3A_143 : vector<80x128xf32> to vector<1x80x128xf32>
    %reduce_max3A_145 = arith.constant dense<0xFF800000> : vector<1xf32>
    %reduce_max3A_146 = vector.multi_reduction <maximumf>, %reduce_max3A_144, %reduce_max3A_145 [1, 2] : vector<1x80x128xf32> to vector<1xf32>
    %reduce_max3A_147 = vector.shape_cast %reduce_max3A_146 : vector<1xf32> to vector<1x1x1xf32>
    %reduce_max3A_148 = vector.extract %reduce_max3A_147[0, 0, 0] : f32 from vector<1x1x1xf32>
    %eq3A_149 = arith.constant 0xFF800000 : f32
    %eq3A_150 = arith.cmpf oeq, %reduce_max3A_148, %eq3A_149 : f32
    %jit3A_151 = arith.constant 0.000000e+00 : f32
    %select_n3A_152 = arith.select %eq3A_150, %jit3A_151, %reduce_max3A_148 : f32
    %broadcast_in_dim3A_153 = vector.broadcast %select_n3A_152 : f32 to vector<80x128xf32>
    %select_n3A_154 = arith.select %eq3A_140, %broadcast_in_dim3A_153, %select_n3A_137 : vector<80x128xi1>, vector<80x128xf32>
    %eq3A_155 = arith.constant 9 : i32
    %eq3A_156 = vector.broadcast %eq3A_155 : i32 to vector<80x128xi32>
    %eq3A_157 = arith.cmpi eq, %get3A_4, %eq3A_156 : vector<80x128xi32>
    %jit3A_158 = arith.constant 0xFF800000 : f32
    %broadcast_in_dim3A_159 = vector.broadcast %jit3A_158 : f32 to vector<80x128xf32>
    %select_n3A_160 = arith.select %eq3A_157, %get3A_1, %broadcast_in_dim3A_159 : vector<80x128xi1>, vector<80x128xf32>
    %reduce_max3A_161 = vector.shape_cast %select_n3A_160 : vector<80x128xf32> to vector<1x80x128xf32>
    %reduce_max3A_162 = arith.constant dense<0xFF800000> : vector<1xf32>
    %reduce_max3A_163 = vector.multi_reduction <maximumf>, %reduce_max3A_161, %reduce_max3A_162 [1, 2] : vector<1x80x128xf32> to vector<1xf32>
    %reduce_max3A_164 = vector.shape_cast %reduce_max3A_163 : vector<1xf32> to vector<1x1x1xf32>
    %reduce_max3A_165 = vector.extract %reduce_max3A_164[0, 0, 0] : f32 from vector<1x1x1xf32>
    %eq3A_166 = arith.constant 0xFF800000 : f32
    %eq3A_167 = arith.cmpf oeq, %reduce_max3A_165, %eq3A_166 : f32
    %jit3A_168 = arith.constant 0.000000e+00 : f32
    %select_n3A_169 = arith.select %eq3A_167, %jit3A_168, %reduce_max3A_165 : f32
    %broadcast_in_dim3A_170 = vector.broadcast %select_n3A_169 : f32 to vector<80x128xf32>
    %select_n3A_171 = arith.select %eq3A_157, %broadcast_in_dim3A_170, %select_n3A_154 : vector<80x128xi1>, vector<80x128xf32>
    %eq3A_172 = arith.constant 10 : i32
    %eq3A_173 = vector.broadcast %eq3A_172 : i32 to vector<80x128xi32>
    %eq3A_174 = arith.cmpi eq, %get3A_4, %eq3A_173 : vector<80x128xi32>
    %jit3A_175 = arith.constant 0xFF800000 : f32
    %broadcast_in_dim3A_176 = vector.broadcast %jit3A_175 : f32 to vector<80x128xf32>
    %select_n3A_177 = arith.select %eq3A_174, %get3A_1, %broadcast_in_dim3A_176 : vector<80x128xi1>, vector<80x128xf32>
    %reduce_max3A_178 = vector.shape_cast %select_n3A_177 : vector<80x128xf32> to vector<1x80x128xf32>
    %reduce_max3A_179 = arith.constant dense<0xFF800000> : vector<1xf32>
    %reduce_max3A_180 = vector.multi_reduction <maximumf>, %reduce_max3A_178, %reduce_max3A_179 [1, 2] : vector<1x80x128xf32> to vector<1xf32>
    %reduce_max3A_181 = vector.shape_cast %reduce_max3A_180 : vector<1xf32> to vector<1x1x1xf32>
    %reduce_max3A_182 = vector.extract %reduce_max3A_181[0, 0, 0] : f32 from vector<1x1x1xf32>
    %eq3A_183 = arith.constant 0xFF800000 : f32
    %eq3A_184 = arith.cmpf oeq, %reduce_max3A_182, %eq3A_183 : f32
    %jit3A_185 = arith.constant 0.000000e+00 : f32
    %select_n3A_186 = arith.select %eq3A_184, %jit3A_185, %reduce_max3A_182 : f32
    %broadcast_in_dim3A_187 = vector.broadcast %select_n3A_186 : f32 to vector<80x128xf32>
    %select_n3A_188 = arith.select %eq3A_174, %broadcast_in_dim3A_187, %select_n3A_171 : vector<80x128xi1>, vector<80x128xf32>
    %eq3A_189 = arith.constant 11 : i32
    %eq3A_190 = vector.broadcast %eq3A_189 : i32 to vector<80x128xi32>
    %eq3A_191 = arith.cmpi eq, %get3A_4, %eq3A_190 : vector<80x128xi32>
    %jit3A_192 = arith.constant 0xFF800000 : f32
    %broadcast_in_dim3A_193 = vector.broadcast %jit3A_192 : f32 to vector<80x128xf32>
    %select_n3A_194 = arith.select %eq3A_191, %get3A_1, %broadcast_in_dim3A_193 : vector<80x128xi1>, vector<80x128xf32>
    %reduce_max3A_195 = vector.shape_cast %select_n3A_194 : vector<80x128xf32> to vector<1x80x128xf32>
    %reduce_max3A_196 = arith.constant dense<0xFF800000> : vector<1xf32>
    %reduce_max3A_197 = vector.multi_reduction <maximumf>, %reduce_max3A_195, %reduce_max3A_196 [1, 2] : vector<1x80x128xf32> to vector<1xf32>
    %reduce_max3A_198 = vector.shape_cast %reduce_max3A_197 : vector<1xf32> to vector<1x1x1xf32>
    %reduce_max3A_199 = vector.extract %reduce_max3A_198[0, 0, 0] : f32 from vector<1x1x1xf32>
    %eq3A_200 = arith.constant 0xFF800000 : f32
    %eq3A_201 = arith.cmpf oeq, %reduce_max3A_199, %eq3A_200 : f32
    %jit3A_202 = arith.constant 0.000000e+00 : f32
    %select_n3A_203 = arith.select %eq3A_201, %jit3A_202, %reduce_max3A_199 : f32
    %broadcast_in_dim3A_204 = vector.broadcast %select_n3A_203 : f32 to vector<80x128xf32>
    %select_n3A_205 = arith.select %eq3A_191, %broadcast_in_dim3A_204, %select_n3A_188 : vector<80x128xi1>, vector<80x128xf32>
    %eq3A_206 = arith.constant 12 : i32
    %eq3A_207 = vector.broadcast %eq3A_206 : i32 to vector<80x128xi32>
    %eq3A_208 = arith.cmpi eq, %get3A_4, %eq3A_207 : vector<80x128xi32>
    %jit3A_209 = arith.constant 0xFF800000 : f32
    %broadcast_in_dim3A_210 = vector.broadcast %jit3A_209 : f32 to vector<80x128xf32>
    %select_n3A_211 = arith.select %eq3A_208, %get3A_1, %broadcast_in_dim3A_210 : vector<80x128xi1>, vector<80x128xf32>
    %reduce_max3A_212 = vector.shape_cast %select_n3A_211 : vector<80x128xf32> to vector<1x80x128xf32>
    %reduce_max3A_213 = arith.constant dense<0xFF800000> : vector<1xf32>
    %reduce_max3A_214 = vector.multi_reduction <maximumf>, %reduce_max3A_212, %reduce_max3A_213 [1, 2] : vector<1x80x128xf32> to vector<1xf32>
    %reduce_max3A_215 = vector.shape_cast %reduce_max3A_214 : vector<1xf32> to vector<1x1x1xf32>
    %reduce_max3A_216 = vector.extract %reduce_max3A_215[0, 0, 0] : f32 from vector<1x1x1xf32>
    %eq3A_217 = arith.constant 0xFF800000 : f32
    %eq3A_218 = arith.cmpf oeq, %reduce_max3A_216, %eq3A_217 : f32
    %jit3A_219 = arith.constant 0.000000e+00 : f32
    %select_n3A_220 = arith.select %eq3A_218, %jit3A_219, %reduce_max3A_216 : f32
    %broadcast_in_dim3A_221 = vector.broadcast %select_n3A_220 : f32 to vector<80x128xf32>
    %select_n3A_222 = arith.select %eq3A_208, %broadcast_in_dim3A_221, %select_n3A_205 : vector<80x128xi1>, vector<80x128xf32>
    %eq3A_223 = arith.constant 13 : i32
    %eq3A_224 = vector.broadcast %eq3A_223 : i32 to vector<80x128xi32>
    %eq3A_225 = arith.cmpi eq, %get3A_4, %eq3A_224 : vector<80x128xi32>
    %jit3A_226 = arith.constant 0xFF800000 : f32
    %broadcast_in_dim3A_227 = vector.broadcast %jit3A_226 : f32 to vector<80x128xf32>
    %select_n3A_228 = arith.select %eq3A_225, %get3A_1, %broadcast_in_dim3A_227 : vector<80x128xi1>, vector<80x128xf32>
    %reduce_max3A_229 = vector.shape_cast %select_n3A_228 : vector<80x128xf32> to vector<1x80x128xf32>
    %reduce_max3A_230 = arith.constant dense<0xFF800000> : vector<1xf32>
    %reduce_max3A_231 = vector.multi_reduction <maximumf>, %reduce_max3A_229, %reduce_max3A_230 [1, 2] : vector<1x80x128xf32> to vector<1xf32>
    %reduce_max3A_232 = vector.shape_cast %reduce_max3A_231 : vector<1xf32> to vector<1x1x1xf32>
    %reduce_max3A_233 = vector.extract %reduce_max3A_232[0, 0, 0] : f32 from vector<1x1x1xf32>
    %eq3A_234 = arith.constant 0xFF800000 : f32
    %eq3A_235 = arith.cmpf oeq, %reduce_max3A_233, %eq3A_234 : f32
    %jit3A_236 = arith.constant 0.000000e+00 : f32
    %select_n3A_237 = arith.select %eq3A_235, %jit3A_236, %reduce_max3A_233 : f32
    %broadcast_in_dim3A_238 = vector.broadcast %select_n3A_237 : f32 to vector<80x128xf32>
    %select_n3A_239 = arith.select %eq3A_225, %broadcast_in_dim3A_238, %select_n3A_222 : vector<80x128xi1>, vector<80x128xf32>
    %eq3A_240 = arith.constant 14 : i32
    %eq3A_241 = vector.broadcast %eq3A_240 : i32 to vector<80x128xi32>
    %eq3A_242 = arith.cmpi eq, %get3A_4, %eq3A_241 : vector<80x128xi32>
    %jit3A_243 = arith.constant 0xFF800000 : f32
    %broadcast_in_dim3A_244 = vector.broadcast %jit3A_243 : f32 to vector<80x128xf32>
    %select_n3A_245 = arith.select %eq3A_242, %get3A_1, %broadcast_in_dim3A_244 : vector<80x128xi1>, vector<80x128xf32>
    %reduce_max3A_246 = vector.shape_cast %select_n3A_245 : vector<80x128xf32> to vector<1x80x128xf32>
    %reduce_max3A_247 = arith.constant dense<0xFF800000> : vector<1xf32>
    %reduce_max3A_248 = vector.multi_reduction <maximumf>, %reduce_max3A_246, %reduce_max3A_247 [1, 2] : vector<1x80x128xf32> to vector<1xf32>
    %reduce_max3A_249 = vector.shape_cast %reduce_max3A_248 : vector<1xf32> to vector<1x1x1xf32>
    %reduce_max3A_250 = vector.extract %reduce_max3A_249[0, 0, 0] : f32 from vector<1x1x1xf32>
    %eq3A_251 = arith.constant 0xFF800000 : f32
    %eq3A_252 = arith.cmpf oeq, %reduce_max3A_250, %eq3A_251 : f32
    %jit3A_253 = arith.constant 0.000000e+00 : f32
    %select_n3A_254 = arith.select %eq3A_252, %jit3A_253, %reduce_max3A_250 : f32
    %broadcast_in_dim3A_255 = vector.broadcast %select_n3A_254 : f32 to vector<80x128xf32>
    %select_n3A_256 = arith.select %eq3A_242, %broadcast_in_dim3A_255, %select_n3A_239 : vector<80x128xi1>, vector<80x128xf32>
    %eq3A_257 = arith.constant 15 : i32
    %eq3A_258 = vector.broadcast %eq3A_257 : i32 to vector<80x128xi32>
    %eq3A_259 = arith.cmpi eq, %get3A_4, %eq3A_258 : vector<80x128xi32>
    %jit3A_260 = arith.constant 0xFF800000 : f32
    %broadcast_in_dim3A_261 = vector.broadcast %jit3A_260 : f32 to vector<80x128xf32>
    %select_n3A_262 = arith.select %eq3A_259, %get3A_1, %broadcast_in_dim3A_261 : vector<80x128xi1>, vector<80x128xf32>
    %reduce_max3A_263 = vector.shape_cast %select_n3A_262 : vector<80x128xf32> to vector<1x80x128xf32>
    %reduce_max3A_264 = arith.constant dense<0xFF800000> : vector<1xf32>
    %reduce_max3A_265 = vector.multi_reduction <maximumf>, %reduce_max3A_263, %reduce_max3A_264 [1, 2] : vector<1x80x128xf32> to vector<1xf32>
    %reduce_max3A_266 = vector.shape_cast %reduce_max3A_265 : vector<1xf32> to vector<1x1x1xf32>
    %reduce_max3A_267 = vector.extract %reduce_max3A_266[0, 0, 0] : f32 from vector<1x1x1xf32>
    %eq3A_268 = arith.constant 0xFF800000 : f32
    %eq3A_269 = arith.cmpf oeq, %reduce_max3A_267, %eq3A_268 : f32
    %jit3A_270 = arith.constant 0.000000e+00 : f32
    %select_n3A_271 = arith.select %eq3A_269, %jit3A_270, %reduce_max3A_267 : f32
    %broadcast_in_dim3A_272 = vector.broadcast %select_n3A_271 : f32 to vector<80x128xf32>
    %select_n3A_273 = arith.select %eq3A_259, %broadcast_in_dim3A_272, %select_n3A_256 : vector<80x128xi1>, vector<80x128xf32>
    %sub3A = arith.subf %get3A_1, %select_n3A_273 : vector<80x128xf32>
    %exp3A = math.exp %sub3A : vector<80x128xf32>
    %broadcast_in_dim3A_274 = arith.constant 1.000000e+00 : f32
    %broadcast_in_dim3A_275 = vector.broadcast %broadcast_in_dim3A_274 : f32 to vector<80x128xf32>
    %eq3A_276 = arith.constant 0 : i32
    %eq3A_277 = vector.broadcast %eq3A_276 : i32 to vector<80x128xi32>
    %eq3A_278 = arith.cmpi eq, %get3A_4, %eq3A_277 : vector<80x128xi32>
    %jit3A_279 = arith.constant 0.000000e+00 : f32
    %broadcast_in_dim3A_280 = vector.broadcast %jit3A_279 : f32 to vector<80x128xf32>
    %select_n3A_281 = arith.select %eq3A_278, %exp3A, %broadcast_in_dim3A_280 : vector<80x128xi1>, vector<80x128xf32>
    %reduce_sum3A = vector.shape_cast %select_n3A_281 : vector<80x128xf32> to vector<1x80x128xf32>
    %reduce_sum3A_282 = arith.constant dense<0.000000e+00> : vector<1xf32>
    %reduce_sum3A_283 = vector.multi_reduction <add>, %reduce_sum3A, %reduce_sum3A_282 [1, 2] : vector<1x80x128xf32> to vector<1xf32>
    %reduce_sum3A_284 = vector.shape_cast %reduce_sum3A_283 : vector<1xf32> to vector<1x1x1xf32>
    %reduce_sum3A_285 = vector.extract %reduce_sum3A_284[0, 0, 0] : f32 from vector<1x1x1xf32>
    %broadcast_in_dim3A_286 = vector.broadcast %reduce_sum3A_285 : f32 to vector<80x128xf32>
    %select_n3A_287 = arith.select %eq3A_278, %broadcast_in_dim3A_286, %broadcast_in_dim3A_275 : vector<80x128xi1>, vector<80x128xf32>
    %eq3A_288 = arith.constant 1 : i32
    %eq3A_289 = vector.broadcast %eq3A_288 : i32 to vector<80x128xi32>
    %eq3A_290 = arith.cmpi eq, %get3A_4, %eq3A_289 : vector<80x128xi32>
    %jit3A_291 = arith.constant 0.000000e+00 : f32
    %broadcast_in_dim3A_292 = vector.broadcast %jit3A_291 : f32 to vector<80x128xf32>
    %select_n3A_293 = arith.select %eq3A_290, %exp3A, %broadcast_in_dim3A_292 : vector<80x128xi1>, vector<80x128xf32>
    %reduce_sum3A_294 = vector.shape_cast %select_n3A_293 : vector<80x128xf32> to vector<1x80x128xf32>
    %reduce_sum3A_295 = arith.constant dense<0.000000e+00> : vector<1xf32>
    %reduce_sum3A_296 = vector.multi_reduction <add>, %reduce_sum3A_294, %reduce_sum3A_295 [1, 2] : vector<1x80x128xf32> to vector<1xf32>
    %reduce_sum3A_297 = vector.shape_cast %reduce_sum3A_296 : vector<1xf32> to vector<1x1x1xf32>
    %reduce_sum3A_298 = vector.extract %reduce_sum3A_297[0, 0, 0] : f32 from vector<1x1x1xf32>
    %broadcast_in_dim3A_299 = vector.broadcast %reduce_sum3A_298 : f32 to vector<80x128xf32>
    %select_n3A_300 = arith.select %eq3A_290, %broadcast_in_dim3A_299, %select_n3A_287 : vector<80x128xi1>, vector<80x128xf32>
    %eq3A_301 = arith.constant 2 : i32
    %eq3A_302 = vector.broadcast %eq3A_301 : i32 to vector<80x128xi32>
    %eq3A_303 = arith.cmpi eq, %get3A_4, %eq3A_302 : vector<80x128xi32>
    %jit3A_304 = arith.constant 0.000000e+00 : f32
    %broadcast_in_dim3A_305 = vector.broadcast %jit3A_304 : f32 to vector<80x128xf32>
    %select_n3A_306 = arith.select %eq3A_303, %exp3A, %broadcast_in_dim3A_305 : vector<80x128xi1>, vector<80x128xf32>
    %reduce_sum3A_307 = vector.shape_cast %select_n3A_306 : vector<80x128xf32> to vector<1x80x128xf32>
    %reduce_sum3A_308 = arith.constant dense<0.000000e+00> : vector<1xf32>
    %reduce_sum3A_309 = vector.multi_reduction <add>, %reduce_sum3A_307, %reduce_sum3A_308 [1, 2] : vector<1x80x128xf32> to vector<1xf32>
    %reduce_sum3A_310 = vector.shape_cast %reduce_sum3A_309 : vector<1xf32> to vector<1x1x1xf32>
    %reduce_sum3A_311 = vector.extract %reduce_sum3A_310[0, 0, 0] : f32 from vector<1x1x1xf32>
    %broadcast_in_dim3A_312 = vector.broadcast %reduce_sum3A_311 : f32 to vector<80x128xf32>
    %select_n3A_313 = arith.select %eq3A_303, %broadcast_in_dim3A_312, %select_n3A_300 : vector<80x128xi1>, vector<80x128xf32>
    %eq3A_314 = arith.constant 3 : i32
    %eq3A_315 = vector.broadcast %eq3A_314 : i32 to vector<80x128xi32>
    %eq3A_316 = arith.cmpi eq, %get3A_4, %eq3A_315 : vector<80x128xi32>
    %jit3A_317 = arith.constant 0.000000e+00 : f32
    %broadcast_in_dim3A_318 = vector.broadcast %jit3A_317 : f32 to vector<80x128xf32>
    %select_n3A_319 = arith.select %eq3A_316, %exp3A, %broadcast_in_dim3A_318 : vector<80x128xi1>, vector<80x128xf32>
    %reduce_sum3A_320 = vector.shape_cast %select_n3A_319 : vector<80x128xf32> to vector<1x80x128xf32>
    %reduce_sum3A_321 = arith.constant dense<0.000000e+00> : vector<1xf32>
    %reduce_sum3A_322 = vector.multi_reduction <add>, %reduce_sum3A_320, %reduce_sum3A_321 [1, 2] : vector<1x80x128xf32> to vector<1xf32>
    %reduce_sum3A_323 = vector.shape_cast %reduce_sum3A_322 : vector<1xf32> to vector<1x1x1xf32>
    %reduce_sum3A_324 = vector.extract %reduce_sum3A_323[0, 0, 0] : f32 from vector<1x1x1xf32>
    %broadcast_in_dim3A_325 = vector.broadcast %reduce_sum3A_324 : f32 to vector<80x128xf32>
    %select_n3A_326 = arith.select %eq3A_316, %broadcast_in_dim3A_325, %select_n3A_313 : vector<80x128xi1>, vector<80x128xf32>
    %eq3A_327 = arith.constant 4 : i32
    %eq3A_328 = vector.broadcast %eq3A_327 : i32 to vector<80x128xi32>
    %eq3A_329 = arith.cmpi eq, %get3A_4, %eq3A_328 : vector<80x128xi32>
    %jit3A_330 = arith.constant 0.000000e+00 : f32
    %broadcast_in_dim3A_331 = vector.broadcast %jit3A_330 : f32 to vector<80x128xf32>
    %select_n3A_332 = arith.select %eq3A_329, %exp3A, %broadcast_in_dim3A_331 : vector<80x128xi1>, vector<80x128xf32>
    %reduce_sum3A_333 = vector.shape_cast %select_n3A_332 : vector<80x128xf32> to vector<1x80x128xf32>
    %reduce_sum3A_334 = arith.constant dense<0.000000e+00> : vector<1xf32>
    %reduce_sum3A_335 = vector.multi_reduction <add>, %reduce_sum3A_333, %reduce_sum3A_334 [1, 2] : vector<1x80x128xf32> to vector<1xf32>
    %reduce_sum3A_336 = vector.shape_cast %reduce_sum3A_335 : vector<1xf32> to vector<1x1x1xf32>
    %reduce_sum3A_337 = vector.extract %reduce_sum3A_336[0, 0, 0] : f32 from vector<1x1x1xf32>
    %broadcast_in_dim3A_338 = vector.broadcast %reduce_sum3A_337 : f32 to vector<80x128xf32>
    %select_n3A_339 = arith.select %eq3A_329, %broadcast_in_dim3A_338, %select_n3A_326 : vector<80x128xi1>, vector<80x128xf32>
    %eq3A_340 = arith.constant 5 : i32
    %eq3A_341 = vector.broadcast %eq3A_340 : i32 to vector<80x128xi32>
    %eq3A_342 = arith.cmpi eq, %get3A_4, %eq3A_341 : vector<80x128xi32>
    %jit3A_343 = arith.constant 0.000000e+00 : f32
    %broadcast_in_dim3A_344 = vector.broadcast %jit3A_343 : f32 to vector<80x128xf32>
    %select_n3A_345 = arith.select %eq3A_342, %exp3A, %broadcast_in_dim3A_344 : vector<80x128xi1>, vector<80x128xf32>
    %reduce_sum3A_346 = vector.shape_cast %select_n3A_345 : vector<80x128xf32> to vector<1x80x128xf32>
    %reduce_sum3A_347 = arith.constant dense<0.000000e+00> : vector<1xf32>
    %reduce_sum3A_348 = vector.multi_reduction <add>, %reduce_sum3A_346, %reduce_sum3A_347 [1, 2] : vector<1x80x128xf32> to vector<1xf32>
    %reduce_sum3A_349 = vector.shape_cast %reduce_sum3A_348 : vector<1xf32> to vector<1x1x1xf32>
    %reduce_sum3A_350 = vector.extract %reduce_sum3A_349[0, 0, 0] : f32 from vector<1x1x1xf32>
    %broadcast_in_dim3A_351 = vector.broadcast %reduce_sum3A_350 : f32 to vector<80x128xf32>
    %select_n3A_352 = arith.select %eq3A_342, %broadcast_in_dim3A_351, %select_n3A_339 : vector<80x128xi1>, vector<80x128xf32>
    %eq3A_353 = arith.constant 6 : i32
    %eq3A_354 = vector.broadcast %eq3A_353 : i32 to vector<80x128xi32>
    %eq3A_355 = arith.cmpi eq, %get3A_4, %eq3A_354 : vector<80x128xi32>
    %jit3A_356 = arith.constant 0.000000e+00 : f32
    %broadcast_in_dim3A_357 = vector.broadcast %jit3A_356 : f32 to vector<80x128xf32>
    %select_n3A_358 = arith.select %eq3A_355, %exp3A, %broadcast_in_dim3A_357 : vector<80x128xi1>, vector<80x128xf32>
    %reduce_sum3A_359 = vector.shape_cast %select_n3A_358 : vector<80x128xf32> to vector<1x80x128xf32>
    %reduce_sum3A_360 = arith.constant dense<0.000000e+00> : vector<1xf32>
    %reduce_sum3A_361 = vector.multi_reduction <add>, %reduce_sum3A_359, %reduce_sum3A_360 [1, 2] : vector<1x80x128xf32> to vector<1xf32>
    %reduce_sum3A_362 = vector.shape_cast %reduce_sum3A_361 : vector<1xf32> to vector<1x1x1xf32>
    %reduce_sum3A_363 = vector.extract %reduce_sum3A_362[0, 0, 0] : f32 from vector<1x1x1xf32>
    %broadcast_in_dim3A_364 = vector.broadcast %reduce_sum3A_363 : f32 to vector<80x128xf32>
    %select_n3A_365 = arith.select %eq3A_355, %broadcast_in_dim3A_364, %select_n3A_352 : vector<80x128xi1>, vector<80x128xf32>
    %eq3A_366 = arith.constant 7 : i32
    %eq3A_367 = vector.broadcast %eq3A_366 : i32 to vector<80x128xi32>
    %eq3A_368 = arith.cmpi eq, %get3A_4, %eq3A_367 : vector<80x128xi32>
    %jit3A_369 = arith.constant 0.000000e+00 : f32
    %broadcast_in_dim3A_370 = vector.broadcast %jit3A_369 : f32 to vector<80x128xf32>
    %select_n3A_371 = arith.select %eq3A_368, %exp3A, %broadcast_in_dim3A_370 : vector<80x128xi1>, vector<80x128xf32>
    %reduce_sum3A_372 = vector.shape_cast %select_n3A_371 : vector<80x128xf32> to vector<1x80x128xf32>
    %reduce_sum3A_373 = arith.constant dense<0.000000e+00> : vector<1xf32>
    %reduce_sum3A_374 = vector.multi_reduction <add>, %reduce_sum3A_372, %reduce_sum3A_373 [1, 2] : vector<1x80x128xf32> to vector<1xf32>
    %reduce_sum3A_375 = vector.shape_cast %reduce_sum3A_374 : vector<1xf32> to vector<1x1x1xf32>
    %reduce_sum3A_376 = vector.extract %reduce_sum3A_375[0, 0, 0] : f32 from vector<1x1x1xf32>
    %broadcast_in_dim3A_377 = vector.broadcast %reduce_sum3A_376 : f32 to vector<80x128xf32>
    %select_n3A_378 = arith.select %eq3A_368, %broadcast_in_dim3A_377, %select_n3A_365 : vector<80x128xi1>, vector<80x128xf32>
    %eq3A_379 = arith.constant 8 : i32
    %eq3A_380 = vector.broadcast %eq3A_379 : i32 to vector<80x128xi32>
    %eq3A_381 = arith.cmpi eq, %get3A_4, %eq3A_380 : vector<80x128xi32>
    %jit3A_382 = arith.constant 0.000000e+00 : f32
    %broadcast_in_dim3A_383 = vector.broadcast %jit3A_382 : f32 to vector<80x128xf32>
    %select_n3A_384 = arith.select %eq3A_381, %exp3A, %broadcast_in_dim3A_383 : vector<80x128xi1>, vector<80x128xf32>
    %reduce_sum3A_385 = vector.shape_cast %select_n3A_384 : vector<80x128xf32> to vector<1x80x128xf32>
    %reduce_sum3A_386 = arith.constant dense<0.000000e+00> : vector<1xf32>
    %reduce_sum3A_387 = vector.multi_reduction <add>, %reduce_sum3A_385, %reduce_sum3A_386 [1, 2] : vector<1x80x128xf32> to vector<1xf32>
    %reduce_sum3A_388 = vector.shape_cast %reduce_sum3A_387 : vector<1xf32> to vector<1x1x1xf32>
    %reduce_sum3A_389 = vector.extract %reduce_sum3A_388[0, 0, 0] : f32 from vector<1x1x1xf32>
    %broadcast_in_dim3A_390 = vector.broadcast %reduce_sum3A_389 : f32 to vector<80x128xf32>
    %select_n3A_391 = arith.select %eq3A_381, %broadcast_in_dim3A_390, %select_n3A_378 : vector<80x128xi1>, vector<80x128xf32>
    %eq3A_392 = arith.constant 9 : i32
    %eq3A_393 = vector.broadcast %eq3A_392 : i32 to vector<80x128xi32>
    %eq3A_394 = arith.cmpi eq, %get3A_4, %eq3A_393 : vector<80x128xi32>
    %jit3A_395 = arith.constant 0.000000e+00 : f32
    %broadcast_in_dim3A_396 = vector.broadcast %jit3A_395 : f32 to vector<80x128xf32>
    %select_n3A_397 = arith.select %eq3A_394, %exp3A, %broadcast_in_dim3A_396 : vector<80x128xi1>, vector<80x128xf32>
    %reduce_sum3A_398 = vector.shape_cast %select_n3A_397 : vector<80x128xf32> to vector<1x80x128xf32>
    %reduce_sum3A_399 = arith.constant dense<0.000000e+00> : vector<1xf32>
    %reduce_sum3A_400 = vector.multi_reduction <add>, %reduce_sum3A_398, %reduce_sum3A_399 [1, 2] : vector<1x80x128xf32> to vector<1xf32>
    %reduce_sum3A_401 = vector.shape_cast %reduce_sum3A_400 : vector<1xf32> to vector<1x1x1xf32>
    %reduce_sum3A_402 = vector.extract %reduce_sum3A_401[0, 0, 0] : f32 from vector<1x1x1xf32>
    %broadcast_in_dim3A_403 = vector.broadcast %reduce_sum3A_402 : f32 to vector<80x128xf32>
    %select_n3A_404 = arith.select %eq3A_394, %broadcast_in_dim3A_403, %select_n3A_391 : vector<80x128xi1>, vector<80x128xf32>
    %eq3A_405 = arith.constant 10 : i32
    %eq3A_406 = vector.broadcast %eq3A_405 : i32 to vector<80x128xi32>
    %eq3A_407 = arith.cmpi eq, %get3A_4, %eq3A_406 : vector<80x128xi32>
    %jit3A_408 = arith.constant 0.000000e+00 : f32
    %broadcast_in_dim3A_409 = vector.broadcast %jit3A_408 : f32 to vector<80x128xf32>
    %select_n3A_410 = arith.select %eq3A_407, %exp3A, %broadcast_in_dim3A_409 : vector<80x128xi1>, vector<80x128xf32>
    %reduce_sum3A_411 = vector.shape_cast %select_n3A_410 : vector<80x128xf32> to vector<1x80x128xf32>
    %reduce_sum3A_412 = arith.constant dense<0.000000e+00> : vector<1xf32>
    %reduce_sum3A_413 = vector.multi_reduction <add>, %reduce_sum3A_411, %reduce_sum3A_412 [1, 2] : vector<1x80x128xf32> to vector<1xf32>
    %reduce_sum3A_414 = vector.shape_cast %reduce_sum3A_413 : vector<1xf32> to vector<1x1x1xf32>
    %reduce_sum3A_415 = vector.extract %reduce_sum3A_414[0, 0, 0] : f32 from vector<1x1x1xf32>
    %broadcast_in_dim3A_416 = vector.broadcast %reduce_sum3A_415 : f32 to vector<80x128xf32>
    %select_n3A_417 = arith.select %eq3A_407, %broadcast_in_dim3A_416, %select_n3A_404 : vector<80x128xi1>, vector<80x128xf32>
    %eq3A_418 = arith.constant 11 : i32
    %eq3A_419 = vector.broadcast %eq3A_418 : i32 to vector<80x128xi32>
    %eq3A_420 = arith.cmpi eq, %get3A_4, %eq3A_419 : vector<80x128xi32>
    %jit3A_421 = arith.constant 0.000000e+00 : f32
    %broadcast_in_dim3A_422 = vector.broadcast %jit3A_421 : f32 to vector<80x128xf32>
    %select_n3A_423 = arith.select %eq3A_420, %exp3A, %broadcast_in_dim3A_422 : vector<80x128xi1>, vector<80x128xf32>
    %reduce_sum3A_424 = vector.shape_cast %select_n3A_423 : vector<80x128xf32> to vector<1x80x128xf32>
    %reduce_sum3A_425 = arith.constant dense<0.000000e+00> : vector<1xf32>
    %reduce_sum3A_426 = vector.multi_reduction <add>, %reduce_sum3A_424, %reduce_sum3A_425 [1, 2] : vector<1x80x128xf32> to vector<1xf32>
    %reduce_sum3A_427 = vector.shape_cast %reduce_sum3A_426 : vector<1xf32> to vector<1x1x1xf32>
    %reduce_sum3A_428 = vector.extract %reduce_sum3A_427[0, 0, 0] : f32 from vector<1x1x1xf32>
    %broadcast_in_dim3A_429 = vector.broadcast %reduce_sum3A_428 : f32 to vector<80x128xf32>
    %select_n3A_430 = arith.select %eq3A_420, %broadcast_in_dim3A_429, %select_n3A_417 : vector<80x128xi1>, vector<80x128xf32>
    %eq3A_431 = arith.constant 12 : i32
    %eq3A_432 = vector.broadcast %eq3A_431 : i32 to vector<80x128xi32>
    %eq3A_433 = arith.cmpi eq, %get3A_4, %eq3A_432 : vector<80x128xi32>
    %jit3A_434 = arith.constant 0.000000e+00 : f32
    %broadcast_in_dim3A_435 = vector.broadcast %jit3A_434 : f32 to vector<80x128xf32>
    %select_n3A_436 = arith.select %eq3A_433, %exp3A, %broadcast_in_dim3A_435 : vector<80x128xi1>, vector<80x128xf32>
    %reduce_sum3A_437 = vector.shape_cast %select_n3A_436 : vector<80x128xf32> to vector<1x80x128xf32>
    %reduce_sum3A_438 = arith.constant dense<0.000000e+00> : vector<1xf32>
    %reduce_sum3A_439 = vector.multi_reduction <add>, %reduce_sum3A_437, %reduce_sum3A_438 [1, 2] : vector<1x80x128xf32> to vector<1xf32>
    %reduce_sum3A_440 = vector.shape_cast %reduce_sum3A_439 : vector<1xf32> to vector<1x1x1xf32>
    %reduce_sum3A_441 = vector.extract %reduce_sum3A_440[0, 0, 0] : f32 from vector<1x1x1xf32>
    %broadcast_in_dim3A_442 = vector.broadcast %reduce_sum3A_441 : f32 to vector<80x128xf32>
    %select_n3A_443 = arith.select %eq3A_433, %broadcast_in_dim3A_442, %select_n3A_430 : vector<80x128xi1>, vector<80x128xf32>
    %eq3A_444 = arith.constant 13 : i32
    %eq3A_445 = vector.broadcast %eq3A_444 : i32 to vector<80x128xi32>
    %eq3A_446 = arith.cmpi eq, %get3A_4, %eq3A_445 : vector<80x128xi32>
    %jit3A_447 = arith.constant 0.000000e+00 : f32
    %broadcast_in_dim3A_448 = vector.broadcast %jit3A_447 : f32 to vector<80x128xf32>
    %select_n3A_449 = arith.select %eq3A_446, %exp3A, %broadcast_in_dim3A_448 : vector<80x128xi1>, vector<80x128xf32>
    %reduce_sum3A_450 = vector.shape_cast %select_n3A_449 : vector<80x128xf32> to vector<1x80x128xf32>
    %reduce_sum3A_451 = arith.constant dense<0.000000e+00> : vector<1xf32>
    %reduce_sum3A_452 = vector.multi_reduction <add>, %reduce_sum3A_450, %reduce_sum3A_451 [1, 2] : vector<1x80x128xf32> to vector<1xf32>
    %reduce_sum3A_453 = vector.shape_cast %reduce_sum3A_452 : vector<1xf32> to vector<1x1x1xf32>
    %reduce_sum3A_454 = vector.extract %reduce_sum3A_453[0, 0, 0] : f32 from vector<1x1x1xf32>
    %broadcast_in_dim3A_455 = vector.broadcast %reduce_sum3A_454 : f32 to vector<80x128xf32>
    %select_n3A_456 = arith.select %eq3A_446, %broadcast_in_dim3A_455, %select_n3A_443 : vector<80x128xi1>, vector<80x128xf32>
    %eq3A_457 = arith.constant 14 : i32
    %eq3A_458 = vector.broadcast %eq3A_457 : i32 to vector<80x128xi32>
    %eq3A_459 = arith.cmpi eq, %get3A_4, %eq3A_458 : vector<80x128xi32>
    %jit3A_460 = arith.constant 0.000000e+00 : f32
    %broadcast_in_dim3A_461 = vector.broadcast %jit3A_460 : f32 to vector<80x128xf32>
    %select_n3A_462 = arith.select %eq3A_459, %exp3A, %broadcast_in_dim3A_461 : vector<80x128xi1>, vector<80x128xf32>
    %reduce_sum3A_463 = vector.shape_cast %select_n3A_462 : vector<80x128xf32> to vector<1x80x128xf32>
    %reduce_sum3A_464 = arith.constant dense<0.000000e+00> : vector<1xf32>
    %reduce_sum3A_465 = vector.multi_reduction <add>, %reduce_sum3A_463, %reduce_sum3A_464 [1, 2] : vector<1x80x128xf32> to vector<1xf32>
    %reduce_sum3A_466 = vector.shape_cast %reduce_sum3A_465 : vector<1xf32> to vector<1x1x1xf32>
    %reduce_sum3A_467 = vector.extract %reduce_sum3A_466[0, 0, 0] : f32 from vector<1x1x1xf32>
    %broadcast_in_dim3A_468 = vector.broadcast %reduce_sum3A_467 : f32 to vector<80x128xf32>
    %select_n3A_469 = arith.select %eq3A_459, %broadcast_in_dim3A_468, %select_n3A_456 : vector<80x128xi1>, vector<80x128xf32>
    %eq3A_470 = arith.constant 15 : i32
    %eq3A_471 = vector.broadcast %eq3A_470 : i32 to vector<80x128xi32>
    %eq3A_472 = arith.cmpi eq, %get3A_4, %eq3A_471 : vector<80x128xi32>
    %jit3A_473 = arith.constant 0.000000e+00 : f32
    %broadcast_in_dim3A_474 = vector.broadcast %jit3A_473 : f32 to vector<80x128xf32>
    %select_n3A_475 = arith.select %eq3A_472, %exp3A, %broadcast_in_dim3A_474 : vector<80x128xi1>, vector<80x128xf32>
    %reduce_sum3A_476 = vector.shape_cast %select_n3A_475 : vector<80x128xf32> to vector<1x80x128xf32>
    %reduce_sum3A_477 = arith.constant dense<0.000000e+00> : vector<1xf32>
    %reduce_sum3A_478 = vector.multi_reduction <add>, %reduce_sum3A_476, %reduce_sum3A_477 [1, 2] : vector<1x80x128xf32> to vector<1xf32>
    %reduce_sum3A_479 = vector.shape_cast %reduce_sum3A_478 : vector<1xf32> to vector<1x1x1xf32>
    %reduce_sum3A_480 = vector.extract %reduce_sum3A_479[0, 0, 0] : f32 from vector<1x1x1xf32>
    %broadcast_in_dim3A_481 = vector.broadcast %reduce_sum3A_480 : f32 to vector<80x128xf32>
    %select_n3A_482 = arith.select %eq3A_472, %broadcast_in_dim3A_481, %select_n3A_469 : vector<80x128xi1>, vector<80x128xf32>
    %div3A = arith.divf %exp3A, %select_n3A_482 : vector<80x128xf32>
    %swap3A = arith.constant 0 : index
    %swap3A_483 = arith.constant 0 : index
    %swap3A_484 = vector.load %arg2[%swap3A, %swap3A_483] : memref<80x128xf32, #tpu.memory_space<vmem>>, vector<80x128xf32>
    tpu.vector_store %arg2[%swap3A, %swap3A_483], %div3A {strides = array<i32>} : memref<80x128xf32, #tpu.memory_space<vmem>>, vector<80x128xf32>,
    return
  }
}

</mosaic_0001>

<sc_bundles>
// kernel: kernel.12.cloned.1.call-start
scs
__scs_entry_jumppad:
0x0: {  	(pc) =	sbr.rel $0x88, $3  }
0x1: {  	(tag) =	ssettag $0x0;
	lr =	simm.s32 $0x1  }
0x2: {  	[smem:$0x3F96] =	sst lr;
	_ =	strace $0xD0000000  }
0x3: {  	_ = 	snop  }
0x4: {  	_ = 	snop  }
0x5: {  	_ = 	snop  }
0x6: {  	_ = 	snop  }
0x7: {  	_ = 	snop  }
__scs_overlays_trampoline_lowered:
0x8: {  	[smem:$0x3FA5] =	sst s0  }
0x9: {  	[smem:$0x3FA6] =	sst s1  }
0xa: {  	[smem:$0x3FA7] =	sst s2  }
0xb: {  	[smem:$0x3FA8] =	sst s3  }
0xc: {  	[smem:$0x3FA9] =	sst s4  }
0xd: {  	[smem:$0x3FAA] =	sst s5  }
0xe: {  	[smem:$0x3FAB] =	sst s6  }
0xf: {  	[smem:$0x3FAC] =	sst s7  }
0x10: {  	[smem:$0x3FAD] =	sst s8  }
0x11: {  	[smem:$0x3FAE] =	sst s9;
	s0 =	simm.s32 @!p0 $0x0  }
0x12: {  	s1 =	sld [smem:$0x3F94];
	s0 =	simm.s32 @p0 $0x1  }
0x13: {  	[smem:$0x3FAF] =	sst s0;
	s0 =	simm.s32 @!p1 $0x0  }
0x14: {  	s2 =	sld [smem:$0x3F93];
	s0 =	simm.s32 @p1 $0x1  }
0x15: {  	[smem:$0x3FB0] =	sst s0;
	s0 =	simm.s32 @!p2 $0x0  }
0x16: {  	s3 =	sld [smem:$0x3FDB];
	s0 =	simm.s32 @p2 $0x1  }
0x17: {  	s4 =	simm.s32 $0x1BF5;
	[smem:$0x3FB2] =	sst s0  }
0x18: {  	s0 =	sld [smem:$0x3F95];
	_ =	swait.ge [sflag:s4], $0x0  }
0x19: {  	s7 =	sld [smem:$0x3F96]  }
0x1a: {  	s8 =	sadd.s32 $0xFFFFE003, lr  }
0x1b: {  	s9 =	sadd.s32 $0xFFFFFEF7, lr;
	s5 =	simm.s32 $0xFFFFFFFF;
	p2 =	slt.u32 s8, $0xFFFFF086  }
0x1c: {  	p1 =	slt.u32 s9, $0xF7A;
	s5 =	simm.s32 @!p2 $0x0  }
0x1d: {  	s5 =	simm.s32 @p1 $0x1;
	p0 =	seq.s32 s7, s2  }
0x1e: {  	s7 =	smul.u32 @!p0 $0xF7A, s2;
	p2 =	seq.s32 @!p0 s5, $0x0  }
0x1f: {  	s9 =	smul.u32 $0xF7A, s1;
	s8 =	simm.s32 @!p0 $0x1BF5;
	p2 =	por !p2, p0  }
0x20: {  	[sflag:s8] =	ssyncset.s32 @!p0 $0xFFFFF086;
	s6 =	sadd.s32 @!p0 s3, s7;
	s7 =	simm.s32 @!p0 $0x108  }
0x21: {  	s3 =	sadd.s32 s3, s9;
	s6 =	sadd.s32 @!p0 $0x88, s6;
	s7 =	simm.s32 @p2 $0x1082  }
0x22: {  	[simem:s7], [sflag:s8] =	dma.local @!p0 [hbm:s6], $0xF7A  }
0x23: {  	s9 =	sor.u32 $0xD0000000, s2;
	s6 =	simm.s32 $0x108;
	_ =	swait.ge @!p0 [sflag:s8], $0x0  }
0x24: {  	s3 =	sadd.s32 $0x88, s3;
	s6 =	simm.s32 @!p1 $0x1082;
	[sflag:s4] =	ssyncset.s32 $0xFFFFF086  }
0x25: {  	[simem:s6], [sflag:s4] =	dma.local [hbm:s3], $0xF7A  }
0x26: {  	[smem:$0x3F96] =	sst s1;
	(tag) =	ssettag s2;
	_ =	strace s9  }
0x27: {  	s1 =	sld [smem:$0x3FA6]  }
0x28: {  	s2 =	sld [smem:$0x3FA7]  }
0x29: {  	s4 =	sld [smem:$0x3FA9]  }
0x2a: {  	p0 =	seq.s32 s5, $0x0;
	s5 =	sld [smem:$0x3FAA]  }
0x2b: {  	s6 =	sld [smem:$0x3FAB]  }
0x2c: {  	s7 =	sld [smem:$0x3FAC]  }
0x2d: {  	s3 =	simm.s32 $0x108;
	s8 =	sld [smem:$0x3FAD]  }
0x2e: {  	s3 =	simm.s32 @!p0 $0x1082;
	s9 =	sld [smem:$0x3FAE]  }
0x2f: {  	lr =	sadd.s32 s0, s3;
	s0 =	sld [smem:$0x3FA5]  }
0x30: {  	s3 =	sld [smem:$0x3FA8]  }
0x31: {  	[smem:$0x3FB1] =	sst s10  }
0x32: {  	s10 =	sld [smem:$0x3FAF];
	_ =	sdelay $0x3  }
0x33: {  	p0 =	seq.s32 s10, $0x1;
	s10 =	sld [smem:$0x3FB1];
	_ =	sdelay $0x3  }
0x34: {  	[smem:$0x3FB1] =	sst s10  }
0x35: {  	s10 =	sld [smem:$0x3FB0];
	_ =	sdelay $0x3  }
0x36: {  	p1 =	seq.s32 s10, $0x1;
	s10 =	sld [smem:$0x3FB1];
	_ =	sdelay $0x3  }
0x37: {  	[smem:$0x3FB1] =	sst s10  }
0x38: {  	s10 =	sld [smem:$0x3FB2]  }
0x39: {  	_ = 	snop;
	(pc) =	sbr.ind lr, $3  }
0x3a: {  	_ = 	snop  }
0x3b: {  	_ = 	snop  }
0x3c: {  	p2 =	seq.s32 s10, $0x1;
	s10 =	sld [smem:$0x3FB1]  }
0x3d: {  	_ =	shalt  }
0x3e: {  	_ =	shalt  }
0x3f: {  	_ =	shalt  }
0x40: {  	_ =	shalt  }
0x41: {  	_ =	shalt  }
0x42: {  	_ =	shalt  }
0x43: {  	_ =	shalt  }
0x44: {  	_ =	shalt  }
0x45: {  	_ =	shalt  }
0x46: {  	_ =	shalt  }
0x47: {  	_ =	shalt  }
0x48: {  	_ =	shalt  }
0x49: {  	_ =	shalt  }
0x4a: {  	_ =	shalt  }
0x4b: {  	_ =	shalt  }
0x4c: {  	_ =	shalt  }
0x4d: {  	_ =	shalt  }
0x4e: {  	_ =	shalt  }
0x4f: {  	_ =	shalt  }
0x50: {  	_ =	shalt  }
0x51: {  	_ =	shalt  }
0x52: {  	_ =	shalt  }
0x53: {  	_ =	shalt  }
0x54: {  	_ =	shalt  }
0x55: {  	_ =	shalt  }
0x56: {  	_ =	shalt  }
0x57: {  	_ =	shalt  }
0x58: {  	_ =	shalt  }
0x59: {  	_ =	shalt  }
0x5a: {  	_ =	shalt  }
0x5b: {  	_ =	shalt  }
0x5c: {  	_ =	shalt  }
0x5d: {  	_ =	shalt  }
0x5e: {  	_ =	shalt  }
0x5f: {  	_ =	shalt  }
0x60: {  	_ =	shalt  }
0x61: {  	_ =	shalt  }
0x62: {  	_ =	shalt  }
0x63: {  	_ =	shalt  }
0x64: {  	_ =	shalt  }
0x65: {  	_ =	shalt  }
0x66: {  	_ =	shalt  }
0x67: {  	_ =	shalt  }
0x68: {  	_ =	shalt  }
0x69: {  	_ =	shalt  }
0x6a: {  	_ =	shalt  }
0x6b: {  	_ =	shalt  }
0x6c: {  	_ =	shalt  }
0x6d: {  	_ =	shalt  }
0x6e: {  	_ =	shalt  }
0x6f: {  	_ =	shalt  }
0x70: {  	_ =	shalt  }
0x71: {  	_ =	shalt  }
0x72: {  	_ =	shalt  }
0x73: {  	_ =	shalt  }
0x74: {  	_ =	shalt  }
0x75: {  	_ =	shalt  }
0x76: {  	_ =	shalt  }
0x77: {  	_ =	shalt  }
0x78: {  	_ =	shalt  }
0x79: {  	_ =	shalt  }
0x7a: {  	_ =	shalt  }
0x7b: {  	_ =	shalt  }
0x7c: {  	_ =	shalt  }
0x7d: {  	_ =	shalt  }
0x7e: {  	_ =	shalt  }
0x7f: {  	_ =	shalt  }
0x80: {  	_ =	shalt  }
0x81: {  	_ =	shalt  }
0x82: {  	_ =	shalt  }
0x83: {  	_ =	shalt  }
0x84: {  	_ =	shalt  }
0x85: {  	_ =	shalt  }
0x86: {  	_ =	shalt  }
0x87: {  	_ =	shalt  }
.Lfunc_end0:
.L_simem_size_0:
called_computation.1_lowered:
.L_overlay_start_0:
0x88: {  	s2 =	sld [smem:$0x3FD9]  }
0x89: {  	s3 =	sld [smem:$0x3FFE];
	_ =	sdelay $0x1  }
0x8a: {  	s1 =	srdreg.scid  }
0x8b: {  	s0 =	sand.u32 $0x1, s1  }
0x8c: {  	s16 =	sshll.u32 s0, $0xA;
	s2 =	sadd.s32 s3, s2  }
0x8d: {  	s2 =	sadd.s32 s2, s16  }
0x8e: {  	[smem:$0x3FBD] =	sst s2  }
0x8f: {  	_ = 	snop  }
0x90: {  	(tm) =	ssettm $0x1  }
0x91: {  	s17 =	sld [smem:$0x3FFB];
	_ =	sdelay $0x3  }
0x92: {  	_ =	strace s17  }
0x93: {  	s2 =	sld [smem:$0x3FFC];
	_ =	sdelay $0x3  }
0x94: {  	_ =	strace s2  }
0x95: {  	s2 =	sld [smem:$0x3FFD];
	_ =	sdelay $0x3  }
0x96: {  	_ =	strace s2  }
0x97: {  	_ =	strace $0x8FFFFFFF  }
0x98: {  	s18 =	sld [smem:$0x3FDB];
	_ =	sdelay $0x1  }
0x99: {  	s19 =	simm.s32 $_scs_section_size  }
0x9a: {  	s4 =	simm.s32 $_size__tile_overlayer_lowered;
	s5 =	simm.s32 $_tile_overlayer_lowered  }
0x9b: {  	s22 =	simm.s32 $0x1BFF;
	s21 =	sshll.u32 s5, $0x1;
	s2 =	sadd.s32 s19, s18  }
0x9c: {  	s6 =	simm.s32 $0x0;
	s20 =	sshll.u32 s4, $0x1;
	s4 =	sadd.s32 s21, s2  }
0x9d: {  	[timem:s6], [sflag:s22] =	dma.local [hbm:s4], s20  }
0x9e: {  	_ =	swait.ge [sflag:s22], s20  }
0x9f: {  	s3 =	ssub.s32 $0x0, s20;
	[sflag:s22] =	ssyncset.done $0x0  }
0xa0: {  	[sflag:s22] =	ssyncadd.s32 s3;
	_ =	sdelay $0x1  }
0xa1: {  	s23 =	simm.s32 $0x1B8B  }
0xa2: {  	_ =	swait.ge [sflag:s23], $0x1  }
0xa3: {  	[sflag:s23] =	ssyncset.done $0x0  }
0xa4: {  	s25 =	simm.s32 $0x1B8E;
	s24 =	sld [smem:$0x3FFE];
	[sflag:s23] =	ssyncadd.s32 $0xFFFFFFFF  }
0xa5: {  	s26 =	simm.s32 $execute0_lowered;
	[smem:$0x3FD2] =	sst s25  }
0xa6: {  	s4 =	sshll.u32 s26, $0x1;
	_ =	strace $0x80000049;
	[dreg:$0x1] =	wrdreg $0xFFFFFFFF  }
0xa7: {  	s28 =	simm.s32 $_size_execute0_lowered;
	s2 =	sadd.s32 s2, s4;
	[dreg:$0x0] =	wrdreg $0x0  }
0xa8: {  	s4 =	sshll.u32 s28, $0x1;
	[dreg:$0x2] =	wrdreg s2  }
0xa9: {  	[dreg:$0x3] =	wrdreg s4  }
0xaa: {  	[dreg:$0x4] =	wrdreg $0xC0  }
0xab: {  	_ =	task [dreg:s6], $0x5FFFF  }
0xac: {  	[dreg:$0x1] =	wrdreg $0xFFFFFFFF  }
0xad: {  	[dreg:$0x0] =	wrdreg $0x60  }
0xae: {  	[dreg:$0x2] =	wrdreg s24  }
0xaf: {  	[dreg:$0x3] =	wrdreg $0x0  }
0xb0: {  	[dreg:$0x4] =	wrdreg $0x9  }
0xb1: {  	_ =	task.clear_ibuf [dreg:s6], $0x5FFFF;
	_ =	strace $0x90000049  }
0xb2: {  	s29 =	simm.s32 $0x9;
	_ =	strace $0x8000004B  }
0xb3: {  	_ =	swait.ge [sflag:s29], $0x1  }
0xb4: {  	[sflag:s29] =	ssyncadd.s32 $0xFFFFFFFF  }
0xb5: {  	_ =	strace $0x9000004B  }
0xb6: {  	_ =	sfence  }
0xb7: {  	s30 =	sld [smem:$0x0];
	_ =	sdelay $0x2  }
0xb8: {  	s31 =	sshll.u32 s1, $0xD;
	s1 =	sshrl.u32 s1, $0x2  }
0xb9: {  	s3 =	sand.u32 $0x4000, s31;
	s1 =	sadd.s32 s1, s30  }
0xba: {  	s0 =	sor.u32 s3, s0;
	s1 =	sshll.u32 s1, $0x11  }
0xbb: {  	s0 =	sor.u32 s1, s0  }
0xbc: {  	s0 =	sadd.s32 $0x8F2B, s0  }
0xbd: {  	[sflag:s0] =	ssyncadd.remote.s32 $0x1  }
0xbe: {  	_ =	sfence.sel $0xFFFF  }
0xbf: {  	[dreg:$0x0] =	wrdreg $0xFFFFFFFF;
	(pc) =	sbr.abs _section_cstart, $3  }
0xc0: {  	[dreg:$0x1] =	wrdreg $0xFFFFFFFF  }
0xc1: {  	_ =	task.clear_ibuf [dreg:s6], $0x2FFFF;
	_ =	strace $0x9FFFFFFF  }
0xc2: {  	(tm) =	ssettm $0x7FFFFFFF  }
0xc3: {  	_ =	shalt  }
tec
execute0_lowered:
.L_overlay_start_1:
0x0: {  	(tag) =	ssettag $0x1  }
0x1: {  	s0 =	rddreg [dreg:$0x0]  }
0x2: {  	s2 =	rddreg [dreg:$0x1]  }
0x3: {  	s10 =	stileid.u32;
	s1 =	srdreg.scid  }
0x4: {  	s4 =	simm.s32 $0x0;
	s28 =	simm.s32 $0x15300;
	s29 =	simm.s32 $0x16600  }
0x5: {  	s30 =	simm.s32 $0x16680;
	s31 =	simm.s32 $0x1EF00;
	s3 =	smul.u32 $0x14000, s10  }
0x6: {  	s1 =	sand.u32 $0x1, s1;
	[smem:$0x7FF] =	sst s4;
	s7 =	sadd.s32 $0x2A00, s0  }
0x7: {  	s4 =	sadd.s32 $0x16600, s0;
	s9 =	smul.u32 $0x50000, s10;
	s18 =	sshll.u32 s10, $0x7  }
0x8: {  	s19 =	sshll.u32 s10, $0x6;
	s5 =	smul.u32 $0x140000, s1;
	_ =	strace $0x8000004A  }
0x9: {  	s15 =	ssub.s32 $0x2, s1;
	s1 =	sshll.u32 s1, $0x4;
	s6 =	sshrl.u32 s3, $0x3  }
0xa: {  	s8 =	sshrl.u32 s15, $0x1;
	s1 =	sor.u32 s10, s1;
	s17 =	sshrl.u32 s9, $0x2  }
0xb: {  	s6 =	sadd.s32 s6, s0;
	s3 =	sadd.s32 s3, s5;
	s16 =	ssub.s32 s15, s8  }
0xc: {  	s1 =	sshrl.u32 s1, $0x3;
	s5 =	sadd.s32 s17, s2;
	s8 =	sand.u32 $0x380, s18  }
0xd: {  	s17 =	simm.s32 $0x80;
	s18 =	simm.s32 $0x400;
	s3 =	sshrl.u32 s3, $0x3  }
0xe: {  	s1 =	smul.u32 $0x13C00, s1;
	s6 =	sadd.s32 $0x3E600, s6;
	s14 =	smax.u32 s16, $0x1  }
0xf: {  	s15 =	sshrl.u32 s5, $0x3;
	s16 =	simm.s32 $0x3;
	s5 =	simm.s32 $0x0  }
0x10: {  	s0 =	sadd.s32 s3, s0;
	[dreg:$0x3] =	wrdreg s6;
	s6 =	sor.u32 $0x1C03, s19  }
0x11: {  	s19 =	simm.s32 $0x14000;
	s3 =	simm.s32 $0x1E700;
	s1 =	sor.u32 s8, s1  }
0x12: {  	s13 =	sadd.s32 $0x66600, s0;
	s0 =	simm.s32 $0x1EF80;
	s8 =	sshrl.u32 s1, $0x3  }
0x13: {  	s20 =	sadd.s32 $0x4F000, s1;
	s21 =	sadd.s32 $0x9C00, s1;
	s25 =	sadd.s32 $0x58C00, s1  }
0x14: {  	s11 =	sadd.s32 $0x13800, s1;
	s1 =	sadd.s32 $0x62800, s1;
	s8 =	sadd.s32 s7, s8  }
0x15: {  	s22 =	sshrl.u32 s20, $0x3;
	s23 =	sshrl.u32 s21, $0x3;
	s26 =	sshrl.u32 s11, $0x3  }
0x16: {  	s1 =	sshrl.u32 s1, $0x3;
	s20 =	simm.s32 $0x15380;
	s21 =	simm.s32 $0x16700  }
0x17: {  	[dreg:$0x4] =	wrdreg s8;
	s8 =	sadd.s32 s7, s22;
	s24 =	sadd.s32 s7, s23  }
0x18: {  	s11 =	sadd.s32 s7, s26;
	s12 =	sadd.s32 s7, s1;
	s22 =	simm.s32 $0x14080  }
0x19: {  	s23 =	simm.s32 $0x1A700;
	s26 =	simm.s32 $0x16580;
	[dreg:$0x5] =	wrdreg s8  }
0x1a: {  	s1 =	simm.s32 $0x10;
	[dreg:$0x6] =	wrdreg s24;
	s8 =	sshrl.u32 s25, $0x3  }
0x1b: {  	s24 =	simm.s32 $0x1;
	s25 =	simm.s32 $0x2;
	s10 =	sadd.s32 s7, s8  }
.LBB2_1:
0x1c: {  	s7 =	rddreg [dreg:$0x3]  }
0x1d: {  	[spmem:s15], [sflag:s6] =	dma.local [hbm:s7], $0x2800  }
0x1e: {  	_ =	swait.ge [sflag:s16], $0x2800  }
0x1f: {  	[sflag:s16] =	ssyncset.done $0x0  }
0x20: {  	[sflag:s16] =	ssyncadd.s32 $0xFFFFD800  }
0x21: {  	[bflag:$0x0] =	sbarrier.arrive $0xFFFF  }
0x22: {  	s9 =	rddreg [dreg:$0x4]  }
0x23: {  	[tilespmem:s19], [sflag:$0x3] =	stream.strided.gather [hbm4b:s9+s17], $0x1380, s18, s17, $0x38;
	[tilespmem:$0x1F000] =	vst v63  }
0x24: {  	_ =	swait.ge [sflag:s16], $0x1380  }
0x25: {  	[sflag:s16] =	ssyncset.done $0x0  }
0x26: {  	s8 =	rddreg [dreg:$0x5];
	[sflag:s16] =	ssyncadd.s32 $0xFFFFEC80  }
0x27: {  	[tilespmem:s20], [sflag:$0x3] =	stream.strided.gather [hbm4b:s8+s17], $0x1380, s18, s17, $0x38;
	[tilespmem:$0x1F000] =	vst v63  }
0x28: {  	_ =	swait.ge [sflag:s16], $0x1380  }
0x29: {  	[sflag:s16] =	ssyncset.done $0x0  }
0x2a: {  	[sflag:s16] =	ssyncadd.s32 $0xFFFFEC80  }
0x2b: {  	[tilespmem:s21], [sflag:$0x1] =	stream.indirect.gather [hbm4b:s4+s17], $0x80, s19, s17, $0xb8;
	[tilespmem:$0x1F000] =	vst v63  }
0x2c: {  	_ = 	snop  }
0x2d: {  	[tilespmem:s23], [sflag:$0x2] =	stream.indirect.gather [hbm4b:s4+s17], $0x80, s22, s17, $0xb8;
	[tilespmem:$0x1F000] =	vst v63  }
0x2e: {  	_ =	swait.ge [sflag:s24], $0x4000  }
0x2f: {  	[sflag:s24] =	ssyncset.done $0x0  }
0x30: {  	s9 =	simm.s32 $0x15380;
	[sflag:s24] =	ssyncadd.s32 $0xFFFFC000  }
0x31: {  	[spmem:s2] =	stream.indirect.scatter.add.f32 [tilespmem:s21], [sflag:$0x3], $0x80, s9, s17, $0xb8;
	[tilespmem:$0x1F000] =	vst v63  }
0x32: {  	_ =	swait.ge [sflag:s16], $0x4000  }
0x33: {  	[sflag:s16] =	ssyncset.done $0x0  }
0x34: {  	s8 =	simm.s32 $0x14100;
	[sflag:s16] =	ssyncadd.s32 $0xFFFFC000  }
0x35: {  	[tilespmem:s21], [sflag:$0x1] =	stream.indirect.gather [hbm4b:s4+s17], $0x80, s8, s17, $0xb8;
	[tilespmem:$0x1F000] =	vst v63  }
0x36: {  	_ =	swait.ge [sflag:s25], $0x4000  }
0x37: {  	[sflag:s25] =	ssyncset.done $0x0  }
0x38: {  	s9 =	simm.s32 $0x15400;
	[sflag:s25] =	ssyncadd.s32 $0xFFFFC000  }
0x39: {  	[spmem:s2] =	stream.indirect.scatter.add.f32 [tilespmem:s23], [sflag:$0x3], $0x80, s9, s17, $0xb8;
	[tilespmem:$0x1F000] =	vst v63  }
0x3a: {  	_ =	swait.ge [sflag:s16], $0x4000  }
0x3b: {  	[sflag:s16] =	ssyncset.done $0x0  }
0x3c: {  	s7 =	simm.s32 $0x400;
	s8 =	simm.s32 $0x14180;
	[sflag:s16] =	ssyncadd.s32 $0xFFFFC000  }
.LBB2_2:
0x3d: {  	[tilespmem:s23], [sflag:$0x2] =	stream.indirect.gather [hbm4b:s4+s17], $0x80, s8, s17, $0xb8;
	[tilespmem:$0x1F000] =	vst v63  }
0x3e: {  	s8 =	smov.u32 s7  }
0x3f: {  	p0 =	sne.s32 s7, $0x4400;
	s7 =	sadd.s32 $0x400, s7;
	_ =	swait.ge [sflag:s24], $0x4000  }
0x40: {  	s8 =	sshra.s32 s8, $0x2;
	[sflag:s24] =	ssyncset.done $0x0  }
0x41: {  	s9 =	sadd.s32 $0x15380, s8;
	[sflag:s24] =	ssyncadd.s32 $0xFFFFC000  }
0x42: {  	[spmem:s2] =	stream.indirect.scatter.add.f32 [tilespmem:s21], [sflag:$0x3], $0x80, s9, s17, $0xb8;
	[tilespmem:$0x1F000] =	vst v63  }
0x43: {  	_ =	swait.ge [sflag:s16], $0x4000  }
0x44: {  	[sflag:s16] =	ssyncset.done $0x0  }
0x45: {  	s9 =	sadd.s32 $0x14100, s8;
	[sflag:s16] =	ssyncadd.s32 $0xFFFFC000  }
0x46: {  	[tilespmem:s21], [sflag:$0x1] =	stream.indirect.gather [hbm4b:s4+s17], $0x80, s9, s17, $0xb8;
	[tilespmem:$0x1F000] =	vst v63  }
0x47: {  	_ =	swait.ge [sflag:s25], $0x4000  }
0x48: {  	[sflag:s25] =	ssyncset.done $0x0  }
.Ltmp0:
0x49: {  	s9 =	sadd.s32 $0x15400, s8;
	[sflag:s25] =	ssyncadd.s32 $0xFFFFC000;
	(pc) =	sbr.rel @p0 .LBB2_2-.Ltmp0, $4  }
0x4a: {  	[spmem:s2] =	stream.indirect.scatter.add.f32 [tilespmem:s23], [sflag:$0x3], $0x80, s9, s17, $0xb8;
	[tilespmem:$0x1F000] =	vst v63  }
0x4b: {  	_ =	swait.ge [sflag:s16], $0x4000  }
0x4c: {  	[sflag:s16] =	ssyncset.done $0x0  }
0x4d: {  	s8 =	sadd.s32 $0x14180, s8;
	[sflag:s16] =	ssyncadd.s32 $0xFFFFC000  }
0x4e: {  	[tilespmem:s23], [sflag:$0x2] =	stream.indirect.gather [hbm4b:s4+s17], $0x80, s8, s17, $0xb8;
	[tilespmem:$0x1F000] =	vst v63  }
0x4f: {  	_ =	swait.ge [sflag:s24], $0x4000  }
0x50: {  	[sflag:s24] =	ssyncset.done $0x0  }
0x51: {  	[sflag:s24] =	ssyncadd.s32 $0xFFFFC000  }
0x52: {  	[spmem:s2] =	stream.indirect.scatter.add.f32 [tilespmem:s21], [sflag:$0x3], $0x80, s26, s17, $0xb8;
	[tilespmem:$0x1F000] =	vst v63  }
0x53: {  	_ =	swait.ge [sflag:s16], $0x4000  }
0x54: {  	[sflag:s16] =	ssyncset.done $0x0  }
0x55: {  	[sflag:s16] =	ssyncadd.s32 $0xFFFFC000  }
0x56: {  	[tilespmem:s21], [sflag:$0x1] =	stream.indirect.gather [hbm4b:s4+s17], $0x80, s28, s17, $0xb8;
	[tilespmem:$0x1F000] =	vst v63  }
0x57: {  	_ =	swait.ge [sflag:s25], $0x4000  }
0x58: {  	[sflag:s25] =	ssyncset.done $0x0  }
0x59: {  	[sflag:s25] =	ssyncadd.s32 $0xFFFFC000  }
0x5a: {  	[spmem:s2] =	stream.indirect.scatter.add.f32 [tilespmem:s23], [sflag:$0x3], $0x80, s29, s17, $0xb8;
	[tilespmem:$0x1F000] =	vst v63  }
0x5b: {  	_ =	swait.ge [sflag:s16], $0x4000  }
0x5c: {  	[sflag:s16] =	ssyncset.done $0x0  }
0x5d: {  	[sflag:s16] =	ssyncadd.s32 $0xFFFFC000  }
0x5e: {  	_ =	swait.ge [sflag:s24], $0x4000  }
0x5f: {  	[sflag:s24] =	ssyncset.done $0x0  }
0x60: {  	[sflag:s24] =	ssyncadd.s32 $0xFFFFC000  }
0x61: {  	[spmem:s2] =	stream.indirect.scatter.add.f32 [tilespmem:s21], [sflag:$0x3], $0x80, s30, s17, $0xb8;
	[tilespmem:$0x1F000] =	vst v63  }
0x62: {  	_ =	swait.ge [sflag:s16], $0x4000  }
0x63: {  	[sflag:s16] =	ssyncset.done $0x0  }
0x64: {  	s7 =	rddreg [dreg:$0x6];
	[sflag:s16] =	ssyncadd.s32 $0xFFFFC000  }
0x65: {  	[tilespmem:s19], [sflag:$0x3] =	stream.strided.gather [hbm4b:s7+s17], $0x1380, s18, s17, $0x38;
	[tilespmem:$0x1F000] =	vst v63  }
0x66: {  	_ =	swait.ge [sflag:s16], $0x1380  }
0x67: {  	[sflag:s16] =	ssyncset.done $0x0  }
0x68: {  	[sflag:s16] =	ssyncadd.s32 $0xFFFFEC80  }
0x69: {  	[tilespmem:s20], [sflag:$0x3] =	stream.strided.gather [hbm4b:s10+s17], $0x1380, s18, s17, $0x38;
	[tilespmem:$0x1F000] =	vst v63  }
0x6a: {  	_ =	swait.ge [sflag:s16], $0x1380  }
0x6b: {  	[sflag:s16] =	ssyncset.done $0x0  }
0x6c: {  	[sflag:s16] =	ssyncadd.s32 $0xFFFFEC80  }
0x6d: {  	[tilespmem:s21], [sflag:$0x1] =	stream.indirect.gather [hbm4b:s4+s17], $0x80, s19, s17, $0xb8;
	[tilespmem:$0x1F000] =	vst v63  }
0x6e: {  	_ = 	snop  }
0x6f: {  	[tilespmem:s23], [sflag:$0x2] =	stream.indirect.gather [hbm4b:s4+s17], $0x80, s22, s17, $0xb8;
	[tilespmem:$0x1F000] =	vst v63  }
0x70: {  	_ =	swait.ge [sflag:s24], $0x4000  }
0x71: {  	[sflag:s24] =	ssyncset.done $0x0  }
0x72: {  	s9 =	simm.s32 $0x15380;
	[sflag:s24] =	ssyncadd.s32 $0xFFFFC000  }
0x73: {  	[spmem:s2] =	stream.indirect.scatter.add.f32 [tilespmem:s21], [sflag:$0x3], $0x80, s9, s17, $0xb8;
	[tilespmem:$0x1F000] =	vst v63  }
0x74: {  	_ =	swait.ge [sflag:s16], $0x4000  }
0x75: {  	[sflag:s16] =	ssyncset.done $0x0  }
0x76: {  	s8 =	simm.s32 $0x14100;
	[sflag:s16] =	ssyncadd.s32 $0xFFFFC000  }
0x77: {  	[tilespmem:s21], [sflag:$0x1] =	stream.indirect.gather [hbm4b:s4+s17], $0x80, s8, s17, $0xb8;
	[tilespmem:$0x1F000] =	vst v63  }
0x78: {  	_ =	swait.ge [sflag:s25], $0x4000  }
0x79: {  	[sflag:s25] =	ssyncset.done $0x0  }
0x7a: {  	s9 =	simm.s32 $0x15400;
	[sflag:s25] =	ssyncadd.s32 $0xFFFFC000  }
0x7b: {  	[spmem:s2] =	stream.indirect.scatter.add.f32 [tilespmem:s23], [sflag:$0x3], $0x80, s9, s17, $0xb8;
	[tilespmem:$0x1F000] =	vst v63  }
0x7c: {  	_ =	swait.ge [sflag:s16], $0x4000  }
0x7d: {  	[sflag:s16] =	ssyncset.done $0x0  }
0x7e: {  	s7 =	simm.s32 $0x400;
	s8 =	simm.s32 $0x14180;
	[sflag:s16] =	ssyncadd.s32 $0xFFFFC000  }
.LBB2_4:
0x7f: {  	[tilespmem:s23], [sflag:$0x2] =	stream.indirect.gather [hbm4b:s4+s17], $0x80, s8, s17, $0xb8;
	[tilespmem:$0x1F000] =	vst v63  }
0x80: {  	s8 =	smov.u32 s7  }
0x81: {  	p0 =	sne.s32 s7, $0x4400;
	s7 =	sadd.s32 $0x400, s7;
	_ =	swait.ge [sflag:s24], $0x4000  }
0x82: {  	s8 =	sshra.s32 s8, $0x2;
	[sflag:s24] =	ssyncset.done $0x0  }
0x83: {  	s9 =	sadd.s32 $0x15380, s8;
	[sflag:s24] =	ssyncadd.s32 $0xFFFFC000  }
0x84: {  	[spmem:s2] =	stream.indirect.scatter.add.f32 [tilespmem:s21], [sflag:$0x3], $0x80, s9, s17, $0xb8;
	[tilespmem:$0x1F000] =	vst v63  }
0x85: {  	_ =	swait.ge [sflag:s16], $0x4000  }
0x86: {  	[sflag:s16] =	ssyncset.done $0x0  }
0x87: {  	s9 =	sadd.s32 $0x14100, s8;
	[sflag:s16] =	ssyncadd.s32 $0xFFFFC000  }
0x88: {  	[tilespmem:s21], [sflag:$0x1] =	stream.indirect.gather [hbm4b:s4+s17], $0x80, s9, s17, $0xb8;
	[tilespmem:$0x1F000] =	vst v63  }
0x89: {  	_ =	swait.ge [sflag:s25], $0x4000  }
0x8a: {  	[sflag:s25] =	ssyncset.done $0x0  }
.Ltmp1:
0x8b: {  	s9 =	sadd.s32 $0x15400, s8;
	[sflag:s25] =	ssyncadd.s32 $0xFFFFC000;
	(pc) =	sbr.rel @p0 .LBB2_4-.Ltmp1, $4  }
0x8c: {  	[spmem:s2] =	stream.indirect.scatter.add.f32 [tilespmem:s23], [sflag:$0x3], $0x80, s9, s17, $0xb8;
	[tilespmem:$0x1F000] =	vst v63  }
0x8d: {  	_ =	swait.ge [sflag:s16], $0x4000  }
0x8e: {  	[sflag:s16] =	ssyncset.done $0x0  }
0x8f: {  	s8 =	sadd.s32 $0x14180, s8;
	[sflag:s16] =	ssyncadd.s32 $0xFFFFC000  }
0x90: {  	[tilespmem:s23], [sflag:$0x2] =	stream.indirect.gather [hbm4b:s4+s17], $0x80, s8, s17, $0xb8;
	[tilespmem:$0x1F000] =	vst v63  }
0x91: {  	_ =	swait.ge [sflag:s24], $0x4000  }
0x92: {  	[sflag:s24] =	ssyncset.done $0x0  }
0x93: {  	[sflag:s24] =	ssyncadd.s32 $0xFFFFC000  }
0x94: {  	[spmem:s2] =	stream.indirect.scatter.add.f32 [tilespmem:s21], [sflag:$0x3], $0x80, s26, s17, $0xb8;
	[tilespmem:$0x1F000] =	vst v63  }
0x95: {  	_ =	swait.ge [sflag:s16], $0x4000  }
0x96: {  	[sflag:s16] =	ssyncset.done $0x0  }
0x97: {  	[sflag:s16] =	ssyncadd.s32 $0xFFFFC000  }
0x98: {  	[tilespmem:s21], [sflag:$0x1] =	stream.indirect.gather [hbm4b:s4+s17], $0x80, s28, s17, $0xb8;
	[tilespmem:$0x1F000] =	vst v63  }
0x99: {  	_ =	swait.ge [sflag:s25], $0x4000  }
0x9a: {  	[sflag:s25] =	ssyncset.done $0x0  }
0x9b: {  	[sflag:s25] =	ssyncadd.s32 $0xFFFFC000  }
0x9c: {  	[spmem:s2] =	stream.indirect.scatter.add.f32 [tilespmem:s23], [sflag:$0x3], $0x80, s29, s17, $0xb8;
	[tilespmem:$0x1F000] =	vst v63  }
0x9d: {  	_ =	swait.ge [sflag:s16], $0x4000  }
0x9e: {  	[sflag:s16] =	ssyncset.done $0x0  }
0x9f: {  	[sflag:s16] =	ssyncadd.s32 $0xFFFFC000  }
0xa0: {  	_ =	swait.ge [sflag:s24], $0x4000  }
0xa1: {  	[sflag:s24] =	ssyncset.done $0x0  }
0xa2: {  	[sflag:s24] =	ssyncadd.s32 $0xFFFFC000  }
0xa3: {  	[spmem:s2] =	stream.indirect.scatter.add.f32 [tilespmem:s21], [sflag:$0x3], $0x80, s30, s17, $0xb8;
	[tilespmem:$0x1F000] =	vst v63  }
0xa4: {  	_ =	swait.ge [sflag:s16], $0x4000  }
0xa5: {  	[sflag:s16] =	ssyncset.done $0x0  }
0xa6: {  	s7 =	simm.s32 $0x0;
	[sflag:s16] =	ssyncadd.s32 $0xFFFFC000  }
0xa7: {  	[tilespmem:s31], [sflag:$0x3] =	stream.linear.gather [hbm4b:s11+s7], $0x80, $0x38;
	[tilespmem:$0x1F000] =	vst v63  }
0xa8: {  	_ =	swait.ge [sflag:s16], $0x80  }
0xa9: {  	[sflag:s16] =	ssyncset.done $0x0  }
0xaa: {  	[sflag:s16] =	ssyncadd.s32 $0xFFFFFF80  }
0xab: {  	[tilespmem:s0], [sflag:$0x3] =	stream.linear.gather [hbm4b:s12+s7], $0x80, $0x38;
	[tilespmem:$0x1F000] =	vst v63  }
0xac: {  	_ =	swait.ge [sflag:s16], $0x80  }
0xad: {  	[sflag:s16] =	ssyncset.done $0x0  }
0xae: {  	[sflag:s16] =	ssyncadd.s32 $0xFFFFFF80  }
0xaf: {  	[tilespmem:s3], [sflag:$0x1] =	stream.indirect.gather [hbm4b:s4+s1], $0x80, s31, s1, $0xb8;
	[tilespmem:$0x1F000] =	vst v63  }
0xb0: {  	_ =	swait.ge [sflag:s24], $0x800  }
0xb1: {  	[sflag:s24] =	ssyncset.done $0x0  }
0xb2: {  	[sflag:s24] =	ssyncadd.s32 $0xFFFFF800  }
0xb3: {  	[spmem:s2] =	stream.indirect.scatter.add.f32 [tilespmem:s3], [sflag:$0x3], $0x80, s0, s1, $0xb8;
	[tilespmem:$0x1F000] =	vst v63  }
0xb4: {  	_ =	swait.ge [sflag:s16], $0x800  }
0xb5: {  	s5 =	sadd.s32 $0x1, s5;
	[sflag:s16] =	ssyncset.done $0x0  }
0xb6: {  	p0 =	sne.s32 s5, s14;
	[sflag:s16] =	ssyncadd.s32 $0xFFFFF800  }
.Ltmp2:
0xb7: {  	[bflag:$0x0] =	sbarrier.arrive $0xFFFF;
	(pc) =	sbr.rel @p0 .LBB2_1-.Ltmp2, $4  }
0xb8: {  	[hbm:s13], [sflag:s6] =	dma.local [spmem:s15], $0x2800  }
0xb9: {  	_ =	swait.ge [sflag:s16], $0x2800  }
0xba: {  	[sflag:s16] =	ssyncset.done $0x0  }
0xbb: {  	[sflag:s16] =	ssyncadd.s32 $0xFFFFD800  }
0xbc: {  	_ =	sfence.sel $0x180000  }
0xbd: {  	[bflag:$0x0] =	sbarrier.arrive $0xFFFF  }
0xbe: {  	_ =	strace $0x9000004A  }
0xbf: {  	s0 =	stileid.u32;
	[bflag:$0x2] =	sbarrier.arrive $0xFFFF  }
0xc0: {  	p0 =	sne.s32 s0, $0x0;
	s0 =	rddreg [dreg:$0x2]  }
0xc1: {  	s0 =	sadd.s32 @!p0 $0x100000, s0  }
0xc2: {  	[sflag:s0] =	ssyncadd.tile.s32 @!p0 $0x1;
	_ =	shalt  }
.Lfunc_end2:
_tile_overlayer_lowered:
.L_overlay_start_2:
0xc3: {  	(tag) =	ssettag $0x2  }
0xc4: {  	s0 =	rddreg [dreg:$0x0];
	s2 =	stileid.u32  }
0xc5: {  	s1 =	rddreg [dreg:$0x1];
	p0 =	sne.s32 s2, $0x0  }
0xc6: {  	s3 =	rddreg [dreg:$0x2];
	[bflag:$0x3] =	sbarrier.arrive $0xFFFF;
	s2 =	simm.s32 @!p0 $0x1C03  }
0xc7: {  	[timem:s3], [sflag:s2] =	dma.local @!p0 [hbm:s0], s1  }
0xc8: {  	s0 =	simm.s32 @!p0 $0x3  }
0xc9: {  	_ =	swait.ge @!p0 [sflag:s0], s1  }
0xca: {  	s1 =	ssub.s32 @!p0 $0x0, s1;
	[sflag:s0] =	ssyncset.done @!p0 $0x0  }
0xcb: {  	[sflag:s0] =	ssyncadd.s32 @!p0 s1  }
0xcc: {  	[bflag:$0x3] =	sbarrier.arrive $0xFFFF  }
0xcd: {  	_ =	shalt  }

// kernel: kernel.15.cloned.1.call-start
scs
__scs_entry_jumppad:
0x0: {  	(pc) =	sbr.rel $0x88, $3  }
0x1: {  	(tag) =	ssettag $0x0;
	lr =	simm.s32 $0x1  }
0x2: {  	[smem:$0x3F96] =	sst lr;
	_ =	strace $0xD0000000  }
0x3: {  	_ = 	snop  }
0x4: {  	_ = 	snop  }
0x5: {  	_ = 	snop  }
0x6: {  	_ = 	snop  }
0x7: {  	_ = 	snop  }
__scs_overlays_trampoline_lowered:
0x8: {  	[smem:$0x3FA5] =	sst s0  }
0x9: {  	[smem:$0x3FA6] =	sst s1  }
0xa: {  	[smem:$0x3FA7] =	sst s2  }
0xb: {  	[smem:$0x3FA8] =	sst s3  }
0xc: {  	[smem:$0x3FA9] =	sst s4  }
0xd: {  	[smem:$0x3FAA] =	sst s5  }
0xe: {  	[smem:$0x3FAB] =	sst s6  }
0xf: {  	[smem:$0x3FAC] =	sst s7  }
0x10: {  	[smem:$0x3FAD] =	sst s8  }
0x11: {  	[smem:$0x3FAE] =	sst s9;
	s0 =	simm.s32 @!p0 $0x0  }
0x12: {  	s1 =	sld [smem:$0x3F94];
	s0 =	simm.s32 @p0 $0x1  }
0x13: {  	[smem:$0x3FAF] =	sst s0;
	s0 =	simm.s32 @!p1 $0x0  }
0x14: {  	s2 =	sld [smem:$0x3F93];
	s0 =	simm.s32 @p1 $0x1  }
0x15: {  	[smem:$0x3FB0] =	sst s0;
	s0 =	simm.s32 @!p2 $0x0  }
0x16: {  	s3 =	sld [smem:$0x3FDB];
	s0 =	simm.s32 @p2 $0x1  }
0x17: {  	s4 =	simm.s32 $0x1BF5;
	[smem:$0x3FB2] =	sst s0  }
0x18: {  	s0 =	sld [smem:$0x3F95];
	_ =	swait.ge [sflag:s4], $0x0  }
0x19: {  	s7 =	sld [smem:$0x3F96]  }
0x1a: {  	s8 =	sadd.s32 $0xFFFFE003, lr  }
0x1b: {  	s9 =	sadd.s32 $0xFFFFFEF7, lr;
	s5 =	simm.s32 $0xFFFFFFFF;
	p2 =	slt.u32 s8, $0xFFFFF086  }
0x1c: {  	p1 =	slt.u32 s9, $0xF7A;
	s5 =	simm.s32 @!p2 $0x0  }
0x1d: {  	s5 =	simm.s32 @p1 $0x1;
	p0 =	seq.s32 s7, s2  }
0x1e: {  	s7 =	smul.u32 @!p0 $0xF7A, s2;
	p2 =	seq.s32 @!p0 s5, $0x0  }
0x1f: {  	s9 =	smul.u32 $0xF7A, s1;
	s8 =	simm.s32 @!p0 $0x1BF5;
	p2 =	por !p2, p0  }
0x20: {  	[sflag:s8] =	ssyncset.s32 @!p0 $0xFFFFF086;
	s6 =	sadd.s32 @!p0 s3, s7;
	s7 =	simm.s32 @!p0 $0x108  }
0x21: {  	s3 =	sadd.s32 s3, s9;
	s6 =	sadd.s32 @!p0 $0x88, s6;
	s7 =	simm.s32 @p2 $0x1082  }
0x22: {  	[simem:s7], [sflag:s8] =	dma.local @!p0 [hbm:s6], $0xF7A  }
0x23: {  	s9 =	sor.u32 $0xD0000000, s2;
	s6 =	simm.s32 $0x108;
	_ =	swait.ge @!p0 [sflag:s8], $0x0  }
0x24: {  	s3 =	sadd.s32 $0x88, s3;
	s6 =	simm.s32 @!p1 $0x1082;
	[sflag:s4] =	ssyncset.s32 $0xFFFFF086  }
0x25: {  	[simem:s6], [sflag:s4] =	dma.local [hbm:s3], $0xF7A  }
0x26: {  	[smem:$0x3F96] =	sst s1;
	(tag) =	ssettag s2;
	_ =	strace s9  }
0x27: {  	s1 =	sld [smem:$0x3FA6]  }
0x28: {  	s2 =	sld [smem:$0x3FA7]  }
0x29: {  	s4 =	sld [smem:$0x3FA9]  }
0x2a: {  	p0 =	seq.s32 s5, $0x0;
	s5 =	sld [smem:$0x3FAA]  }
0x2b: {  	s6 =	sld [smem:$0x3FAB]  }
0x2c: {  	s7 =	sld [smem:$0x3FAC]  }
0x2d: {  	s3 =	simm.s32 $0x108;
	s8 =	sld [smem:$0x3FAD]  }
0x2e: {  	s3 =	simm.s32 @!p0 $0x1082;
	s9 =	sld [smem:$0x3FAE]  }
0x2f: {  	lr =	sadd.s32 s0, s3;
	s0 =	sld [smem:$0x3FA5]  }
0x30: {  	s3 =	sld [smem:$0x3FA8]  }
0x31: {  	[smem:$0x3FB1] =	sst s10  }
0x32: {  	s10 =	sld [smem:$0x3FAF];
	_ =	sdelay $0x3  }
0x33: {  	p0 =	seq.s32 s10, $0x1;
	s10 =	sld [smem:$0x3FB1];
	_ =	sdelay $0x3  }
0x34: {  	[smem:$0x3FB1] =	sst s10  }
0x35: {  	s10 =	sld [smem:$0x3FB0];
	_ =	sdelay $0x3  }
0x36: {  	p1 =	seq.s32 s10, $0x1;
	s10 =	sld [smem:$0x3FB1];
	_ =	sdelay $0x3  }
0x37: {  	[smem:$0x3FB1] =	sst s10  }
0x38: {  	s10 =	sld [smem:$0x3FB2]  }
0x39: {  	_ = 	snop;
	(pc) =	sbr.ind lr, $3  }
0x3a: {  	_ = 	snop  }
0x3b: {  	_ = 	snop  }
0x3c: {  	p2 =	seq.s32 s10, $0x1;
	s10 =	sld [smem:$0x3FB1]  }
0x3d: {  	_ =	shalt  }
0x3e: {  	_ =	shalt  }
0x3f: {  	_ =	shalt  }
0x40: {  	_ =	shalt  }
0x41: {  	_ =	shalt  }
0x42: {  	_ =	shalt  }
0x43: {  	_ =	shalt  }
0x44: {  	_ =	shalt  }
0x45: {  	_ =	shalt  }
0x46: {  	_ =	shalt  }
0x47: {  	_ =	shalt  }
0x48: {  	_ =	shalt  }
0x49: {  	_ =	shalt  }
0x4a: {  	_ =	shalt  }
0x4b: {  	_ =	shalt  }
0x4c: {  	_ =	shalt  }
0x4d: {  	_ =	shalt  }
0x4e: {  	_ =	shalt  }
0x4f: {  	_ =	shalt  }
0x50: {  	_ =	shalt  }
0x51: {  	_ =	shalt  }
0x52: {  	_ =	shalt  }
0x53: {  	_ =	shalt  }
0x54: {  	_ =	shalt  }
0x55: {  	_ =	shalt  }
0x56: {  	_ =	shalt  }
0x57: {  	_ =	shalt  }
0x58: {  	_ =	shalt  }
0x59: {  	_ =	shalt  }
0x5a: {  	_ =	shalt  }
0x5b: {  	_ =	shalt  }
0x5c: {  	_ =	shalt  }
0x5d: {  	_ =	shalt  }
0x5e: {  	_ =	shalt  }
0x5f: {  	_ =	shalt  }
0x60: {  	_ =	shalt  }
0x61: {  	_ =	shalt  }
0x62: {  	_ =	shalt  }
0x63: {  	_ =	shalt  }
0x64: {  	_ =	shalt  }
0x65: {  	_ =	shalt  }
0x66: {  	_ =	shalt  }
0x67: {  	_ =	shalt  }
0x68: {  	_ =	shalt  }
0x69: {  	_ =	shalt  }
0x6a: {  	_ =	shalt  }
0x6b: {  	_ =	shalt  }
0x6c: {  	_ =	shalt  }
0x6d: {  	_ =	shalt  }
0x6e: {  	_ =	shalt  }
0x6f: {  	_ =	shalt  }
0x70: {  	_ =	shalt  }
0x71: {  	_ =	shalt  }
0x72: {  	_ =	shalt  }
0x73: {  	_ =	shalt  }
0x74: {  	_ =	shalt  }
0x75: {  	_ =	shalt  }
0x76: {  	_ =	shalt  }
0x77: {  	_ =	shalt  }
0x78: {  	_ =	shalt  }
0x79: {  	_ =	shalt  }
0x7a: {  	_ =	shalt  }
0x7b: {  	_ =	shalt  }
0x7c: {  	_ =	shalt  }
0x7d: {  	_ =	shalt  }
0x7e: {  	_ =	shalt  }
0x7f: {  	_ =	shalt  }
0x80: {  	_ =	shalt  }
0x81: {  	_ =	shalt  }
0x82: {  	_ =	shalt  }
0x83: {  	_ =	shalt  }
0x84: {  	_ =	shalt  }
0x85: {  	_ =	shalt  }
0x86: {  	_ =	shalt  }
0x87: {  	_ =	shalt  }
.Lfunc_end0:
.L_simem_size_0:
called_computation.2_lowered:
.L_overlay_start_0:
0x88: {  	s2 =	sld [smem:$0x3FD9]  }
0x89: {  	s3 =	sld [smem:$0x3FFE];
	_ =	sdelay $0x1  }
0x8a: {  	s1 =	srdreg.scid  }
0x8b: {  	s0 =	sand.u32 $0x1, s1  }
0x8c: {  	s16 =	sshll.u32 s0, $0xA;
	s2 =	sadd.s32 s3, s2  }
0x8d: {  	s2 =	sadd.s32 s2, s16  }
0x8e: {  	[smem:$0x3FBD] =	sst s2  }
0x8f: {  	_ = 	snop  }
0x90: {  	(tm) =	ssettm $0x1  }
0x91: {  	s17 =	sld [smem:$0x3FFB];
	_ =	sdelay $0x3  }
0x92: {  	_ =	strace s17  }
0x93: {  	s2 =	sld [smem:$0x3FFC];
	_ =	sdelay $0x3  }
0x94: {  	_ =	strace s2  }
0x95: {  	s2 =	sld [smem:$0x3FFD];
	_ =	sdelay $0x3  }
0x96: {  	_ =	strace s2  }
0x97: {  	_ =	strace $0x8FFFFFFF  }
0x98: {  	s18 =	sld [smem:$0x3FDB];
	_ =	sdelay $0x1  }
0x99: {  	s19 =	simm.s32 $_scs_section_size  }
0x9a: {  	s4 =	simm.s32 $_size__tile_overlayer_lowered;
	s5 =	simm.s32 $_tile_overlayer_lowered  }
0x9b: {  	s22 =	simm.s32 $0x1BFF;
	s21 =	sshll.u32 s5, $0x1;
	s2 =	sadd.s32 s19, s18  }
0x9c: {  	s6 =	simm.s32 $0x0;
	s20 =	sshll.u32 s4, $0x1;
	s4 =	sadd.s32 s21, s2  }
0x9d: {  	[timem:s6], [sflag:s22] =	dma.local [hbm:s4], s20  }
0x9e: {  	_ =	swait.ge [sflag:s22], s20  }
0x9f: {  	s3 =	ssub.s32 $0x0, s20;
	[sflag:s22] =	ssyncset.done $0x0  }
0xa0: {  	[sflag:s22] =	ssyncadd.s32 s3;
	_ =	sdelay $0x1  }
0xa1: {  	s23 =	simm.s32 $0x1B8B  }
0xa2: {  	_ =	swait.ge [sflag:s23], $0x1  }
0xa3: {  	[sflag:s23] =	ssyncset.done $0x0  }
0xa4: {  	s25 =	simm.s32 $0x1B8E;
	s24 =	sld [smem:$0x3FFE];
	[sflag:s23] =	ssyncadd.s32 $0xFFFFFFFF  }
0xa5: {  	s26 =	simm.s32 $execute0_lowered;
	[smem:$0x3FD2] =	sst s25  }
0xa6: {  	s4 =	sshll.u32 s26, $0x1;
	_ =	strace $0x8000004C;
	[dreg:$0x1] =	wrdreg $0xFFFFFFFF  }
0xa7: {  	s28 =	simm.s32 $_size_execute0_lowered;
	s2 =	sadd.s32 s2, s4;
	[dreg:$0x0] =	wrdreg $0x0  }
0xa8: {  	s4 =	sshll.u32 s28, $0x1;
	[dreg:$0x2] =	wrdreg s2  }
0xa9: {  	[dreg:$0x3] =	wrdreg s4  }
0xaa: {  	[dreg:$0x4] =	wrdreg $0xC0  }
0xab: {  	_ =	task [dreg:s6], $0x5FFFF  }
0xac: {  	[dreg:$0x1] =	wrdreg $0xFFFFFFFF  }
0xad: {  	[dreg:$0x0] =	wrdreg $0x60  }
0xae: {  	[dreg:$0x2] =	wrdreg s24  }
0xaf: {  	[dreg:$0x3] =	wrdreg $0x0  }
0xb0: {  	[dreg:$0x4] =	wrdreg $0x9  }
0xb1: {  	_ =	task.clear_ibuf [dreg:s6], $0x5FFFF;
	_ =	strace $0x9000004C  }
0xb2: {  	s29 =	simm.s32 $0x9;
	_ =	strace $0x8000004E  }
0xb3: {  	_ =	swait.ge [sflag:s29], $0x1  }
0xb4: {  	[sflag:s29] =	ssyncadd.s32 $0xFFFFFFFF  }
0xb5: {  	_ =	strace $0x9000004E  }
0xb6: {  	_ =	sfence  }
0xb7: {  	s30 =	sld [smem:$0x0];
	_ =	sdelay $0x2  }
0xb8: {  	s31 =	sshll.u32 s1, $0xD;
	s1 =	sshrl.u32 s1, $0x2  }
0xb9: {  	s3 =	sand.u32 $0x4000, s31;
	s1 =	sadd.s32 s1, s30  }
0xba: {  	s0 =	sor.u32 s3, s0;
	s1 =	sshll.u32 s1, $0x11  }
0xbb: {  	s0 =	sor.u32 s1, s0  }
0xbc: {  	s0 =	sadd.s32 $0x8F2B, s0  }
0xbd: {  	[sflag:s0] =	ssyncadd.remote.s32 $0x1  }
0xbe: {  	_ =	sfence.sel $0xFFFF  }
0xbf: {  	[dreg:$0x0] =	wrdreg $0xFFFFFFFF;
	(pc) =	sbr.abs _section_cstart, $3  }
0xc0: {  	[dreg:$0x1] =	wrdreg $0xFFFFFFFF  }
0xc1: {  	_ =	task.clear_ibuf [dreg:s6], $0x2FFFF;
	_ =	strace $0x9FFFFFFF  }
0xc2: {  	(tm) =	ssettm $0x7FFFFFFF  }
0xc3: {  	_ =	shalt  }
tec
execute0_lowered:
.L_overlay_start_1:
0x0: {  	(tag) =	ssettag $0x1  }
0x1: {  	s0 =	rddreg [dreg:$0x0]  }
0x2: {  	s2 =	rddreg [dreg:$0x1]  }
0x3: {  	s10 =	stileid.u32;
	s1 =	srdreg.scid  }
0x4: {  	s4 =	simm.s32 $0x0;
	s28 =	simm.s32 $0x15300;
	s29 =	simm.s32 $0x16600  }
0x5: {  	s30 =	simm.s32 $0x16680;
	s31 =	simm.s32 $0x1EF00;
	s3 =	smul.u32 $0x14000, s10  }
0x6: {  	s1 =	sand.u32 $0x1, s1;
	[smem:$0x7FF] =	sst s4;
	s7 =	sadd.s32 $0x2A00, s0  }
0x7: {  	s4 =	sadd.s32 $0x16600, s0;
	s9 =	smul.u32 $0x50000, s10;
	s18 =	sshll.u32 s10, $0x7  }
0x8: {  	s19 =	sshll.u32 s10, $0x6;
	s5 =	smul.u32 $0x140000, s1;
	_ =	strace $0x8000004D  }
0x9: {  	s15 =	ssub.s32 $0x2, s1;
	s1 =	sshll.u32 s1, $0x4;
	s6 =	sshrl.u32 s3, $0x3  }
0xa: {  	s8 =	sshrl.u32 s15, $0x1;
	s1 =	sor.u32 s10, s1;
	s17 =	sshrl.u32 s9, $0x2  }
0xb: {  	s6 =	sadd.s32 s6, s0;
	s3 =	sadd.s32 s3, s5;
	s16 =	ssub.s32 s15, s8  }
0xc: {  	s1 =	sshrl.u32 s1, $0x3;
	s5 =	sadd.s32 s17, s2;
	s8 =	sand.u32 $0x380, s18  }
0xd: {  	s17 =	simm.s32 $0x80;
	s18 =	simm.s32 $0x400;
	s3 =	sshrl.u32 s3, $0x3  }
0xe: {  	s1 =	smul.u32 $0x13C00, s1;
	s6 =	sadd.s32 $0x3E600, s6;
	s14 =	smax.u32 s16, $0x1  }
0xf: {  	s15 =	sshrl.u32 s5, $0x3;
	s16 =	simm.s32 $0x3;
	s5 =	simm.s32 $0x0  }
0x10: {  	s0 =	sadd.s32 s3, s0;
	[dreg:$0x3] =	wrdreg s6;
	s6 =	sor.u32 $0x1C03, s19  }
0x11: {  	s19 =	simm.s32 $0x14000;
	s3 =	simm.s32 $0x1E700;
	s1 =	sor.u32 s8, s1  }
0x12: {  	s13 =	sadd.s32 $0x66600, s0;
	s0 =	simm.s32 $0x1EF80;
	s8 =	sshrl.u32 s1, $0x3  }
0x13: {  	s20 =	sadd.s32 $0x4F000, s1;
	s21 =	sadd.s32 $0x9C00, s1;
	s25 =	sadd.s32 $0x58C00, s1  }
0x14: {  	s11 =	sadd.s32 $0x13800, s1;
	s1 =	sadd.s32 $0x62800, s1;
	s8 =	sadd.s32 s7, s8  }
0x15: {  	s22 =	sshrl.u32 s20, $0x3;
	s23 =	sshrl.u32 s21, $0x3;
	s26 =	sshrl.u32 s11, $0x3  }
0x16: {  	s1 =	sshrl.u32 s1, $0x3;
	s20 =	simm.s32 $0x15380;
	s21 =	simm.s32 $0x16700  }
0x17: {  	[dreg:$0x4] =	wrdreg s8;
	s8 =	sadd.s32 s7, s22;
	s24 =	sadd.s32 s7, s23  }
0x18: {  	s11 =	sadd.s32 s7, s26;
	s12 =	sadd.s32 s7, s1;
	s22 =	simm.s32 $0x14080  }
0x19: {  	s23 =	simm.s32 $0x1A700;
	s26 =	simm.s32 $0x16580;
	[dreg:$0x5] =	wrdreg s8  }
0x1a: {  	s1 =	simm.s32 $0x10;
	[dreg:$0x6] =	wrdreg s24;
	s8 =	sshrl.u32 s25, $0x3  }
0x1b: {  	s24 =	simm.s32 $0x1;
	s25 =	simm.s32 $0x2;
	s10 =	sadd.s32 s7, s8  }
.LBB2_1:
0x1c: {  	s7 =	rddreg [dreg:$0x3]  }
0x1d: {  	[spmem:s15], [sflag:s6] =	dma.local [hbm:s7], $0x2800  }
0x1e: {  	_ =	swait.ge [sflag:s16], $0x2800  }
0x1f: {  	[sflag:s16] =	ssyncset.done $0x0  }
0x20: {  	[sflag:s16] =	ssyncadd.s32 $0xFFFFD800  }
0x21: {  	[bflag:$0x0] =	sbarrier.arrive $0xFFFF  }
0x22: {  	s9 =	rddreg [dreg:$0x4]  }
0x23: {  	[tilespmem:s19], [sflag:$0x3] =	stream.strided.gather [hbm4b:s9+s17], $0x1380, s18, s17, $0x38;
	[tilespmem:$0x1F000] =	vst v63  }
0x24: {  	_ =	swait.ge [sflag:s16], $0x1380  }
0x25: {  	[sflag:s16] =	ssyncset.done $0x0  }
0x26: {  	s8 =	rddreg [dreg:$0x5];
	[sflag:s16] =	ssyncadd.s32 $0xFFFFEC80  }
0x27: {  	[tilespmem:s20], [sflag:$0x3] =	stream.strided.gather [hbm4b:s8+s17], $0x1380, s18, s17, $0x38;
	[tilespmem:$0x1F000] =	vst v63  }
0x28: {  	_ =	swait.ge [sflag:s16], $0x1380  }
0x29: {  	[sflag:s16] =	ssyncset.done $0x0  }
0x2a: {  	[sflag:s16] =	ssyncadd.s32 $0xFFFFEC80  }
0x2b: {  	[tilespmem:s21], [sflag:$0x1] =	stream.indirect.gather [hbm4b:s4+s17], $0x80, s19, s17, $0xb8;
	[tilespmem:$0x1F000] =	vst v63  }
0x2c: {  	_ = 	snop  }
0x2d: {  	[tilespmem:s23], [sflag:$0x2] =	stream.indirect.gather [hbm4b:s4+s17], $0x80, s22, s17, $0xb8;
	[tilespmem:$0x1F000] =	vst v63  }
0x2e: {  	_ =	swait.ge [sflag:s24], $0x4000  }
0x2f: {  	[sflag:s24] =	ssyncset.done $0x0  }
0x30: {  	s9 =	simm.s32 $0x15380;
	[sflag:s24] =	ssyncadd.s32 $0xFFFFC000  }
0x31: {  	[spmem:s2] =	stream.indirect.scatter.add.f32 [tilespmem:s21], [sflag:$0x3], $0x80, s9, s17, $0xb8;
	[tilespmem:$0x1F000] =	vst v63  }
0x32: {  	_ =	swait.ge [sflag:s16], $0x4000  }
0x33: {  	[sflag:s16] =	ssyncset.done $0x0  }
0x34: {  	s8 =	simm.s32 $0x14100;
	[sflag:s16] =	ssyncadd.s32 $0xFFFFC000  }
0x35: {  	[tilespmem:s21], [sflag:$0x1] =	stream.indirect.gather [hbm4b:s4+s17], $0x80, s8, s17, $0xb8;
	[tilespmem:$0x1F000] =	vst v63  }
0x36: {  	_ =	swait.ge [sflag:s25], $0x4000  }
0x37: {  	[sflag:s25] =	ssyncset.done $0x0  }
0x38: {  	s9 =	simm.s32 $0x15400;
	[sflag:s25] =	ssyncadd.s32 $0xFFFFC000  }
0x39: {  	[spmem:s2] =	stream.indirect.scatter.add.f32 [tilespmem:s23], [sflag:$0x3], $0x80, s9, s17, $0xb8;
	[tilespmem:$0x1F000] =	vst v63  }
0x3a: {  	_ =	swait.ge [sflag:s16], $0x4000  }
0x3b: {  	[sflag:s16] =	ssyncset.done $0x0  }
0x3c: {  	s7 =	simm.s32 $0x400;
	s8 =	simm.s32 $0x14180;
	[sflag:s16] =	ssyncadd.s32 $0xFFFFC000  }
.LBB2_2:
0x3d: {  	[tilespmem:s23], [sflag:$0x2] =	stream.indirect.gather [hbm4b:s4+s17], $0x80, s8, s17, $0xb8;
	[tilespmem:$0x1F000] =	vst v63  }
0x3e: {  	s8 =	smov.u32 s7  }
0x3f: {  	p0 =	sne.s32 s7, $0x4400;
	s7 =	sadd.s32 $0x400, s7;
	_ =	swait.ge [sflag:s24], $0x4000  }
0x40: {  	s8 =	sshra.s32 s8, $0x2;
	[sflag:s24] =	ssyncset.done $0x0  }
0x41: {  	s9 =	sadd.s32 $0x15380, s8;
	[sflag:s24] =	ssyncadd.s32 $0xFFFFC000  }
0x42: {  	[spmem:s2] =	stream.indirect.scatter.add.f32 [tilespmem:s21], [sflag:$0x3], $0x80, s9, s17, $0xb8;
	[tilespmem:$0x1F000] =	vst v63  }
0x43: {  	_ =	swait.ge [sflag:s16], $0x4000  }
0x44: {  	[sflag:s16] =	ssyncset.done $0x0  }
0x45: {  	s9 =	sadd.s32 $0x14100, s8;
	[sflag:s16] =	ssyncadd.s32 $0xFFFFC000  }
0x46: {  	[tilespmem:s21], [sflag:$0x1] =	stream.indirect.gather [hbm4b:s4+s17], $0x80, s9, s17, $0xb8;
	[tilespmem:$0x1F000] =	vst v63  }
0x47: {  	_ =	swait.ge [sflag:s25], $0x4000  }
0x48: {  	[sflag:s25] =	ssyncset.done $0x0  }
.Ltmp0:
0x49: {  	s9 =	sadd.s32 $0x15400, s8;
	[sflag:s25] =	ssyncadd.s32 $0xFFFFC000;
	(pc) =	sbr.rel @p0 .LBB2_2-.Ltmp0, $4  }
0x4a: {  	[spmem:s2] =	stream.indirect.scatter.add.f32 [tilespmem:s23], [sflag:$0x3], $0x80, s9, s17, $0xb8;
	[tilespmem:$0x1F000] =	vst v63  }
0x4b: {  	_ =	swait.ge [sflag:s16], $0x4000  }
0x4c: {  	[sflag:s16] =	ssyncset.done $0x0  }
0x4d: {  	s8 =	sadd.s32 $0x14180, s8;
	[sflag:s16] =	ssyncadd.s32 $0xFFFFC000  }
0x4e: {  	[tilespmem:s23], [sflag:$0x2] =	stream.indirect.gather [hbm4b:s4+s17], $0x80, s8, s17, $0xb8;
	[tilespmem:$0x1F000] =	vst v63  }
0x4f: {  	_ =	swait.ge [sflag:s24], $0x4000  }
0x50: {  	[sflag:s24] =	ssyncset.done $0x0  }
0x51: {  	[sflag:s24] =	ssyncadd.s32 $0xFFFFC000  }
0x52: {  	[spmem:s2] =	stream.indirect.scatter.add.f32 [tilespmem:s21], [sflag:$0x3], $0x80, s26, s17, $0xb8;
	[tilespmem:$0x1F000] =	vst v63  }
0x53: {  	_ =	swait.ge [sflag:s16], $0x4000  }
0x54: {  	[sflag:s16] =	ssyncset.done $0x0  }
0x55: {  	[sflag:s16] =	ssyncadd.s32 $0xFFFFC000  }
0x56: {  	[tilespmem:s21], [sflag:$0x1] =	stream.indirect.gather [hbm4b:s4+s17], $0x80, s28, s17, $0xb8;
	[tilespmem:$0x1F000] =	vst v63  }
0x57: {  	_ =	swait.ge [sflag:s25], $0x4000  }
0x58: {  	[sflag:s25] =	ssyncset.done $0x0  }
0x59: {  	[sflag:s25] =	ssyncadd.s32 $0xFFFFC000  }
0x5a: {  	[spmem:s2] =	stream.indirect.scatter.add.f32 [tilespmem:s23], [sflag:$0x3], $0x80, s29, s17, $0xb8;
	[tilespmem:$0x1F000] =	vst v63  }
0x5b: {  	_ =	swait.ge [sflag:s16], $0x4000  }
0x5c: {  	[sflag:s16] =	ssyncset.done $0x0  }
0x5d: {  	[sflag:s16] =	ssyncadd.s32 $0xFFFFC000  }
0x5e: {  	_ =	swait.ge [sflag:s24], $0x4000  }
0x5f: {  	[sflag:s24] =	ssyncset.done $0x0  }
0x60: {  	[sflag:s24] =	ssyncadd.s32 $0xFFFFC000  }
0x61: {  	[spmem:s2] =	stream.indirect.scatter.add.f32 [tilespmem:s21], [sflag:$0x3], $0x80, s30, s17, $0xb8;
	[tilespmem:$0x1F000] =	vst v63  }
0x62: {  	_ =	swait.ge [sflag:s16], $0x4000  }
0x63: {  	[sflag:s16] =	ssyncset.done $0x0  }
0x64: {  	s7 =	rddreg [dreg:$0x6];
	[sflag:s16] =	ssyncadd.s32 $0xFFFFC000  }
0x65: {  	[tilespmem:s19], [sflag:$0x3] =	stream.strided.gather [hbm4b:s7+s17], $0x1380, s18, s17, $0x38;
	[tilespmem:$0x1F000] =	vst v63  }
0x66: {  	_ =	swait.ge [sflag:s16], $0x1380  }
0x67: {  	[sflag:s16] =	ssyncset.done $0x0  }
0x68: {  	[sflag:s16] =	ssyncadd.s32 $0xFFFFEC80  }
0x69: {  	[tilespmem:s20], [sflag:$0x3] =	stream.strided.gather [hbm4b:s10+s17], $0x1380, s18, s17, $0x38;
	[tilespmem:$0x1F000] =	vst v63  }
0x6a: {  	_ =	swait.ge [sflag:s16], $0x1380  }
0x6b: {  	[sflag:s16] =	ssyncset.done $0x0  }
0x6c: {  	[sflag:s16] =	ssyncadd.s32 $0xFFFFEC80  }
0x6d: {  	[tilespmem:s21], [sflag:$0x1] =	stream.indirect.gather [hbm4b:s4+s17], $0x80, s19, s17, $0xb8;
	[tilespmem:$0x1F000] =	vst v63  }
0x6e: {  	_ = 	snop  }
0x6f: {  	[tilespmem:s23], [sflag:$0x2] =	stream.indirect.gather [hbm4b:s4+s17], $0x80, s22, s17, $0xb8;
	[tilespmem:$0x1F000] =	vst v63  }
0x70: {  	_ =	swait.ge [sflag:s24], $0x4000  }
0x71: {  	[sflag:s24] =	ssyncset.done $0x0  }
0x72: {  	s9 =	simm.s32 $0x15380;
	[sflag:s24] =	ssyncadd.s32 $0xFFFFC000  }
0x73: {  	[spmem:s2] =	stream.indirect.scatter.add.f32 [tilespmem:s21], [sflag:$0x3], $0x80, s9, s17, $0xb8;
	[tilespmem:$0x1F000] =	vst v63  }
0x74: {  	_ =	swait.ge [sflag:s16], $0x4000  }
0x75: {  	[sflag:s16] =	ssyncset.done $0x0  }
0x76: {  	s8 =	simm.s32 $0x14100;
	[sflag:s16] =	ssyncadd.s32 $0xFFFFC000  }
0x77: {  	[tilespmem:s21], [sflag:$0x1] =	stream.indirect.gather [hbm4b:s4+s17], $0x80, s8, s17, $0xb8;
	[tilespmem:$0x1F000] =	vst v63  }
0x78: {  	_ =	swait.ge [sflag:s25], $0x4000  }
0x79: {  	[sflag:s25] =	ssyncset.done $0x0  }
0x7a: {  	s9 =	simm.s32 $0x15400;
	[sflag:s25] =	ssyncadd.s32 $0xFFFFC000  }
0x7b: {  	[spmem:s2] =	stream.indirect.scatter.add.f32 [tilespmem:s23], [sflag:$0x3], $0x80, s9, s17, $0xb8;
	[tilespmem:$0x1F000] =	vst v63  }
0x7c: {  	_ =	swait.ge [sflag:s16], $0x4000  }
0x7d: {  	[sflag:s16] =	ssyncset.done $0x0  }
0x7e: {  	s7 =	simm.s32 $0x400;
	s8 =	simm.s32 $0x14180;
	[sflag:s16] =	ssyncadd.s32 $0xFFFFC000  }
.LBB2_4:
0x7f: {  	[tilespmem:s23], [sflag:$0x2] =	stream.indirect.gather [hbm4b:s4+s17], $0x80, s8, s17, $0xb8;
	[tilespmem:$0x1F000] =	vst v63  }
0x80: {  	s8 =	smov.u32 s7  }
0x81: {  	p0 =	sne.s32 s7, $0x4400;
	s7 =	sadd.s32 $0x400, s7;
	_ =	swait.ge [sflag:s24], $0x4000  }
0x82: {  	s8 =	sshra.s32 s8, $0x2;
	[sflag:s24] =	ssyncset.done $0x0  }
0x83: {  	s9 =	sadd.s32 $0x15380, s8;
	[sflag:s24] =	ssyncadd.s32 $0xFFFFC000  }
0x84: {  	[spmem:s2] =	stream.indirect.scatter.add.f32 [tilespmem:s21], [sflag:$0x3], $0x80, s9, s17, $0xb8;
	[tilespmem:$0x1F000] =	vst v63  }
0x85: {  	_ =	swait.ge [sflag:s16], $0x4000  }
0x86: {  	[sflag:s16] =	ssyncset.done $0x0  }
0x87: {  	s9 =	sadd.s32 $0x14100, s8;
	[sflag:s16] =	ssyncadd.s32 $0xFFFFC000  }
0x88: {  	[tilespmem:s21], [sflag:$0x1] =	stream.indirect.gather [hbm4b:s4+s17], $0x80, s9, s17, $0xb8;
	[tilespmem:$0x1F000] =	vst v63  }
0x89: {  	_ =	swait.ge [sflag:s25], $0x4000  }
0x8a: {  	[sflag:s25] =	ssyncset.done $0x0  }
.Ltmp1:
0x8b: {  	s9 =	sadd.s32 $0x15400, s8;
	[sflag:s25] =	ssyncadd.s32 $0xFFFFC000;
	(pc) =	sbr.rel @p0 .LBB2_4-.Ltmp1, $4  }
0x8c: {  	[spmem:s2] =	stream.indirect.scatter.add.f32 [tilespmem:s23], [sflag:$0x3], $0x80, s9, s17, $0xb8;
	[tilespmem:$0x1F000] =	vst v63  }
0x8d: {  	_ =	swait.ge [sflag:s16], $0x4000  }
0x8e: {  	[sflag:s16] =	ssyncset.done $0x0  }
0x8f: {  	s8 =	sadd.s32 $0x14180, s8;
	[sflag:s16] =	ssyncadd.s32 $0xFFFFC000  }
0x90: {  	[tilespmem:s23], [sflag:$0x2] =	stream.indirect.gather [hbm4b:s4+s17], $0x80, s8, s17, $0xb8;
	[tilespmem:$0x1F000] =	vst v63  }
0x91: {  	_ =	swait.ge [sflag:s24], $0x4000  }
0x92: {  	[sflag:s24] =	ssyncset.done $0x0  }
0x93: {  	[sflag:s24] =	ssyncadd.s32 $0xFFFFC000  }
0x94: {  	[spmem:s2] =	stream.indirect.scatter.add.f32 [tilespmem:s21], [sflag:$0x3], $0x80, s26, s17, $0xb8;
	[tilespmem:$0x1F000] =	vst v63  }
0x95: {  	_ =	swait.ge [sflag:s16], $0x4000  }
0x96: {  	[sflag:s16] =	ssyncset.done $0x0  }
0x97: {  	[sflag:s16] =	ssyncadd.s32 $0xFFFFC000  }
0x98: {  	[tilespmem:s21], [sflag:$0x1] =	stream.indirect.gather [hbm4b:s4+s17], $0x80, s28, s17, $0xb8;
	[tilespmem:$0x1F000] =	vst v63  }
0x99: {  	_ =	swait.ge [sflag:s25], $0x4000  }
0x9a: {  	[sflag:s25] =	ssyncset.done $0x0  }
0x9b: {  	[sflag:s25] =	ssyncadd.s32 $0xFFFFC000  }
0x9c: {  	[spmem:s2] =	stream.indirect.scatter.add.f32 [tilespmem:s23], [sflag:$0x3], $0x80, s29, s17, $0xb8;
	[tilespmem:$0x1F000] =	vst v63  }
0x9d: {  	_ =	swait.ge [sflag:s16], $0x4000  }
0x9e: {  	[sflag:s16] =	ssyncset.done $0x0  }
0x9f: {  	[sflag:s16] =	ssyncadd.s32 $0xFFFFC000  }
0xa0: {  	_ =	swait.ge [sflag:s24], $0x4000  }
0xa1: {  	[sflag:s24] =	ssyncset.done $0x0  }
0xa2: {  	[sflag:s24] =	ssyncadd.s32 $0xFFFFC000  }
0xa3: {  	[spmem:s2] =	stream.indirect.scatter.add.f32 [tilespmem:s21], [sflag:$0x3], $0x80, s30, s17, $0xb8;
	[tilespmem:$0x1F000] =	vst v63  }
0xa4: {  	_ =	swait.ge [sflag:s16], $0x4000  }
0xa5: {  	[sflag:s16] =	ssyncset.done $0x0  }
0xa6: {  	s7 =	simm.s32 $0x0;
	[sflag:s16] =	ssyncadd.s32 $0xFFFFC000  }
0xa7: {  	[tilespmem:s31], [sflag:$0x3] =	stream.linear.gather [hbm4b:s11+s7], $0x80, $0x38;
	[tilespmem:$0x1F000] =	vst v63  }
0xa8: {  	_ =	swait.ge [sflag:s16], $0x80  }
0xa9: {  	[sflag:s16] =	ssyncset.done $0x0  }
0xaa: {  	[sflag:s16] =	ssyncadd.s32 $0xFFFFFF80  }
0xab: {  	[tilespmem:s0], [sflag:$0x3] =	stream.linear.gather [hbm4b:s12+s7], $0x80, $0x38;
	[tilespmem:$0x1F000] =	vst v63  }
0xac: {  	_ =	swait.ge [sflag:s16], $0x80  }
0xad: {  	[sflag:s16] =	ssyncset.done $0x0  }
0xae: {  	[sflag:s16] =	ssyncadd.s32 $0xFFFFFF80  }
0xaf: {  	[tilespmem:s3], [sflag:$0x1] =	stream.indirect.gather [hbm4b:s4+s1], $0x80, s31, s1, $0xb8;
	[tilespmem:$0x1F000] =	vst v63  }
0xb0: {  	_ =	swait.ge [sflag:s24], $0x800  }
0xb1: {  	[sflag:s24] =	ssyncset.done $0x0  }
0xb2: {  	[sflag:s24] =	ssyncadd.s32 $0xFFFFF800  }
0xb3: {  	[spmem:s2] =	stream.indirect.scatter.add.f32 [tilespmem:s3], [sflag:$0x3], $0x80, s0, s1, $0xb8;
	[tilespmem:$0x1F000] =	vst v63  }
0xb4: {  	_ =	swait.ge [sflag:s16], $0x800  }
0xb5: {  	s5 =	sadd.s32 $0x1, s5;
	[sflag:s16] =	ssyncset.done $0x0  }
0xb6: {  	p0 =	sne.s32 s5, s14;
	[sflag:s16] =	ssyncadd.s32 $0xFFFFF800  }
.Ltmp2:
0xb7: {  	[bflag:$0x0] =	sbarrier.arrive $0xFFFF;
	(pc) =	sbr.rel @p0 .LBB2_1-.Ltmp2, $4  }
0xb8: {  	[hbm:s13], [sflag:s6] =	dma.local [spmem:s15], $0x2800  }
0xb9: {  	_ =	swait.ge [sflag:s16], $0x2800  }
0xba: {  	[sflag:s16] =	ssyncset.done $0x0  }
0xbb: {  	[sflag:s16] =	ssyncadd.s32 $0xFFFFD800  }
0xbc: {  	_ =	sfence.sel $0x180000  }
0xbd: {  	[bflag:$0x0] =	sbarrier.arrive $0xFFFF  }
0xbe: {  	_ =	strace $0x9000004D  }
0xbf: {  	s0 =	stileid.u32;
	[bflag:$0x2] =	sbarrier.arrive $0xFFFF  }
0xc0: {  	p0 =	sne.s32 s0, $0x0;
	s0 =	rddreg [dreg:$0x2]  }
0xc1: {  	s0 =	sadd.s32 @!p0 $0x100000, s0  }
0xc2: {  	[sflag:s0] =	ssyncadd.tile.s32 @!p0 $0x1;
	_ =	shalt  }
.Lfunc_end2:
_tile_overlayer_lowered:
.L_overlay_start_2:
0xc3: {  	(tag) =	ssettag $0x2  }
0xc4: {  	s0 =	rddreg [dreg:$0x0];
	s2 =	stileid.u32  }
0xc5: {  	s1 =	rddreg [dreg:$0x1];
	p0 =	sne.s32 s2, $0x0  }
0xc6: {  	s3 =	rddreg [dreg:$0x2];
	[bflag:$0x3] =	sbarrier.arrive $0xFFFF;
	s2 =	simm.s32 @!p0 $0x1C03  }
0xc7: {  	[timem:s3], [sflag:s2] =	dma.local @!p0 [hbm:s0], s1  }
0xc8: {  	s0 =	simm.s32 @!p0 $0x3  }
0xc9: {  	_ =	swait.ge @!p0 [sflag:s0], s1  }
0xca: {  	s1 =	ssub.s32 @!p0 $0x0, s1;
	[sflag:s0] =	ssyncset.done @!p0 $0x0  }
0xcb: {  	[sflag:s0] =	ssyncadd.s32 @!p0 s1  }
0xcc: {  	[bflag:$0x3] =	sbarrier.arrive $0xFFFF  }
0xcd: {  	_ =	shalt  }

// kernel: kernel.9.cloned.1.call-start
scs
__scs_entry_jumppad:
0x0: {  	(pc) =	sbr.rel $0x88, $3  }
0x1: {  	(tag) =	ssettag $0x0;
	lr =	simm.s32 $0x1  }
0x2: {  	[smem:$0x3F96] =	sst lr;
	_ =	strace $0xD0000000  }
0x3: {  	_ = 	snop  }
0x4: {  	_ = 	snop  }
0x5: {  	_ = 	snop  }
0x6: {  	_ = 	snop  }
0x7: {  	_ = 	snop  }
__scs_overlays_trampoline_lowered:
0x8: {  	[smem:$0x3FA5] =	sst s0  }
0x9: {  	[smem:$0x3FA6] =	sst s1  }
0xa: {  	[smem:$0x3FA7] =	sst s2  }
0xb: {  	[smem:$0x3FA8] =	sst s3  }
0xc: {  	[smem:$0x3FA9] =	sst s4  }
0xd: {  	[smem:$0x3FAA] =	sst s5  }
0xe: {  	[smem:$0x3FAB] =	sst s6  }
0xf: {  	[smem:$0x3FAC] =	sst s7  }
0x10: {  	[smem:$0x3FAD] =	sst s8  }
0x11: {  	[smem:$0x3FAE] =	sst s9;
	s0 =	simm.s32 @!p0 $0x0  }
0x12: {  	s1 =	sld [smem:$0x3F94];
	s0 =	simm.s32 @p0 $0x1  }
0x13: {  	[smem:$0x3FAF] =	sst s0;
	s0 =	simm.s32 @!p1 $0x0  }
0x14: {  	s2 =	sld [smem:$0x3F93];
	s0 =	simm.s32 @p1 $0x1  }
0x15: {  	[smem:$0x3FB0] =	sst s0;
	s0 =	simm.s32 @!p2 $0x0  }
0x16: {  	s3 =	sld [smem:$0x3FDB];
	s0 =	simm.s32 @p2 $0x1  }
0x17: {  	s4 =	simm.s32 $0x1BF5;
	[smem:$0x3FB2] =	sst s0  }
0x18: {  	s0 =	sld [smem:$0x3F95];
	_ =	swait.ge [sflag:s4], $0x0  }
0x19: {  	s7 =	sld [smem:$0x3F96]  }
0x1a: {  	s8 =	sadd.s32 $0xFFFFE003, lr  }
0x1b: {  	s9 =	sadd.s32 $0xFFFFFEF7, lr;
	s5 =	simm.s32 $0xFFFFFFFF;
	p2 =	slt.u32 s8, $0xFFFFF086  }
0x1c: {  	p1 =	slt.u32 s9, $0xF7A;
	s5 =	simm.s32 @!p2 $0x0  }
0x1d: {  	s5 =	simm.s32 @p1 $0x1;
	p0 =	seq.s32 s7, s2  }
0x1e: {  	s7 =	smul.u32 @!p0 $0xF7A, s2;
	p2 =	seq.s32 @!p0 s5, $0x0  }
0x1f: {  	s9 =	smul.u32 $0xF7A, s1;
	s8 =	simm.s32 @!p0 $0x1BF5;
	p2 =	por !p2, p0  }
0x20: {  	[sflag:s8] =	ssyncset.s32 @!p0 $0xFFFFF086;
	s6 =	sadd.s32 @!p0 s3, s7;
	s7 =	simm.s32 @!p0 $0x108  }
0x21: {  	s3 =	sadd.s32 s3, s9;
	s6 =	sadd.s32 @!p0 $0x88, s6;
	s7 =	simm.s32 @p2 $0x1082  }
0x22: {  	[simem:s7], [sflag:s8] =	dma.local @!p0 [hbm:s6], $0xF7A  }
0x23: {  	s9 =	sor.u32 $0xD0000000, s2;
	s6 =	simm.s32 $0x108;
	_ =	swait.ge @!p0 [sflag:s8], $0x0  }
0x24: {  	s3 =	sadd.s32 $0x88, s3;
	s6 =	simm.s32 @!p1 $0x1082;
	[sflag:s4] =	ssyncset.s32 $0xFFFFF086  }
0x25: {  	[simem:s6], [sflag:s4] =	dma.local [hbm:s3], $0xF7A  }
0x26: {  	[smem:$0x3F96] =	sst s1;
	(tag) =	ssettag s2;
	_ =	strace s9  }
0x27: {  	s1 =	sld [smem:$0x3FA6]  }
0x28: {  	s2 =	sld [smem:$0x3FA7]  }
0x29: {  	s4 =	sld [smem:$0x3FA9]  }
0x2a: {  	p0 =	seq.s32 s5, $0x0;
	s5 =	sld [smem:$0x3FAA]  }
0x2b: {  	s6 =	sld [smem:$0x3FAB]  }
0x2c: {  	s7 =	sld [smem:$0x3FAC]  }
0x2d: {  	s3 =	simm.s32 $0x108;
	s8 =	sld [smem:$0x3FAD]  }
0x2e: {  	s3 =	simm.s32 @!p0 $0x1082;
	s9 =	sld [smem:$0x3FAE]  }
0x2f: {  	lr =	sadd.s32 s0, s3;
	s0 =	sld [smem:$0x3FA5]  }
0x30: {  	s3 =	sld [smem:$0x3FA8]  }
0x31: {  	[smem:$0x3FB1] =	sst s10  }
0x32: {  	s10 =	sld [smem:$0x3FAF];
	_ =	sdelay $0x3  }
0x33: {  	p0 =	seq.s32 s10, $0x1;
	s10 =	sld [smem:$0x3FB1];
	_ =	sdelay $0x3  }
0x34: {  	[smem:$0x3FB1] =	sst s10  }
0x35: {  	s10 =	sld [smem:$0x3FB0];
	_ =	sdelay $0x3  }
0x36: {  	p1 =	seq.s32 s10, $0x1;
	s10 =	sld [smem:$0x3FB1];
	_ =	sdelay $0x3  }
0x37: {  	[smem:$0x3FB1] =	sst s10  }
0x38: {  	s10 =	sld [smem:$0x3FB2]  }
0x39: {  	_ = 	snop;
	(pc) =	sbr.ind lr, $3  }
0x3a: {  	_ = 	snop  }
0x3b: {  	_ = 	snop  }
0x3c: {  	p2 =	seq.s32 s10, $0x1;
	s10 =	sld [smem:$0x3FB1]  }
0x3d: {  	_ =	shalt  }
0x3e: {  	_ =	shalt  }
0x3f: {  	_ =	shalt  }
0x40: {  	_ =	shalt  }
0x41: {  	_ =	shalt  }
0x42: {  	_ =	shalt  }
0x43: {  	_ =	shalt  }
0x44: {  	_ =	shalt  }
0x45: {  	_ =	shalt  }
0x46: {  	_ =	shalt  }
0x47: {  	_ =	shalt  }
0x48: {  	_ =	shalt  }
0x49: {  	_ =	shalt  }
0x4a: {  	_ =	shalt  }
0x4b: {  	_ =	shalt  }
0x4c: {  	_ =	shalt  }
0x4d: {  	_ =	shalt  }
0x4e: {  	_ =	shalt  }
0x4f: {  	_ =	shalt  }
0x50: {  	_ =	shalt  }
0x51: {  	_ =	shalt  }
0x52: {  	_ =	shalt  }
0x53: {  	_ =	shalt  }
0x54: {  	_ =	shalt  }
0x55: {  	_ =	shalt  }
0x56: {  	_ =	shalt  }
0x57: {  	_ =	shalt  }
0x58: {  	_ =	shalt  }
0x59: {  	_ =	shalt  }
0x5a: {  	_ =	shalt  }
0x5b: {  	_ =	shalt  }
0x5c: {  	_ =	shalt  }
0x5d: {  	_ =	shalt  }
0x5e: {  	_ =	shalt  }
0x5f: {  	_ =	shalt  }
0x60: {  	_ =	shalt  }
0x61: {  	_ =	shalt  }
0x62: {  	_ =	shalt  }
0x63: {  	_ =	shalt  }
0x64: {  	_ =	shalt  }
0x65: {  	_ =	shalt  }
0x66: {  	_ =	shalt  }
0x67: {  	_ =	shalt  }
0x68: {  	_ =	shalt  }
0x69: {  	_ =	shalt  }
0x6a: {  	_ =	shalt  }
0x6b: {  	_ =	shalt  }
0x6c: {  	_ =	shalt  }
0x6d: {  	_ =	shalt  }
0x6e: {  	_ =	shalt  }
0x6f: {  	_ =	shalt  }
0x70: {  	_ =	shalt  }
0x71: {  	_ =	shalt  }
0x72: {  	_ =	shalt  }
0x73: {  	_ =	shalt  }
0x74: {  	_ =	shalt  }
0x75: {  	_ =	shalt  }
0x76: {  	_ =	shalt  }
0x77: {  	_ =	shalt  }
0x78: {  	_ =	shalt  }
0x79: {  	_ =	shalt  }
0x7a: {  	_ =	shalt  }
0x7b: {  	_ =	shalt  }
0x7c: {  	_ =	shalt  }
0x7d: {  	_ =	shalt  }
0x7e: {  	_ =	shalt  }
0x7f: {  	_ =	shalt  }
0x80: {  	_ =	shalt  }
0x81: {  	_ =	shalt  }
0x82: {  	_ =	shalt  }
0x83: {  	_ =	shalt  }
0x84: {  	_ =	shalt  }
0x85: {  	_ =	shalt  }
0x86: {  	_ =	shalt  }
0x87: {  	_ =	shalt  }
.Lfunc_end0:
.L_simem_size_0:
called_computation_lowered:
.L_overlay_start_0:
0x88: {  	s2 =	sld [smem:$0x3FD9]  }
0x89: {  	s3 =	sld [smem:$0x3FFE];
	_ =	sdelay $0x1  }
0x8a: {  	s1 =	srdreg.scid  }
0x8b: {  	s0 =	sand.u32 $0x1, s1  }
0x8c: {  	s17 =	sshll.u32 s0, $0xA;
	s2 =	sadd.s32 s3, s2  }
0x8d: {  	s2 =	sadd.s32 s2, s17  }
0x8e: {  	[smem:$0x3FBD] =	sst s2  }
0x8f: {  	_ = 	snop  }
0x90: {  	s2 =	sld [smem:$0x3FD0];
	(tm) =	ssettm $0x1  }
0x91: {  	s18 =	sld [smem:$0x3FFB];
	_ =	sdelay $0x3  }
0x92: {  	_ =	strace s18  }
0x93: {  	s3 =	sld [smem:$0x3FFC];
	_ =	sdelay $0x3  }
0x94: {  	_ =	strace s3  }
0x95: {  	s3 =	sld [smem:$0x3FFD];
	_ =	sdelay $0x3  }
0x96: {  	_ =	strace s3  }
0x97: {  	_ =	strace $0x8FFFFFFF  }
0x98: {  	s19 =	sld [smem:$0x3FDB];
	_ =	sdelay $0x1  }
0x99: {  	s4 =	simm.s32 $_scs_section_size  }
0x9a: {  	s5 =	simm.s32 $_size__tile_overlayer_lowered;
	s6 =	simm.s32 $_tile_overlayer_lowered  }
0x9b: {  	s22 =	simm.s32 $0x1BFF;
	s21 =	sshll.u32 s6, $0x1;
	s3 =	sadd.s32 s4, s19  }
0x9c: {  	s7 =	simm.s32 $0x0;
	s20 =	sshll.u32 s5, $0x1;
	s5 =	sadd.s32 s21, s3  }
0x9d: {  	[timem:s7], [sflag:s22] =	dma.local [hbm:s5], s20  }
0x9e: {  	_ =	swait.ge [sflag:s22], s20  }
0x9f: {  	s4 =	ssub.s32 $0x0, s20;
	[sflag:s22] =	ssyncset.done $0x0  }
0xa0: {  	[sflag:s22] =	ssyncadd.s32 s4;
	_ =	sdelay $0x1  }
0xa1: {  	s23 =	simm.s32 $0x1B8B  }
0xa2: {  	_ =	swait.ge [sflag:s23], $0x1  }
0xa3: {  	[sflag:s23] =	ssyncset.done $0x0  }
0xa4: {  	s25 =	simm.s32 $0x1B8E;
	s24 =	sld [smem:$0x3FFE];
	[sflag:s23] =	ssyncadd.s32 $0xFFFFFFFF  }
0xa5: {  	s26 =	simm.s32 $execute0_lowered;
	[smem:$0x3FD2] =	sst s25  }
0xa6: {  	s5 =	sshll.u32 s26, $0x1;
	_ =	strace $0x80000046;
	[dreg:$0x1] =	wrdreg $0xFFFFFFFF  }
0xa7: {  	s28 =	simm.s32 $_size_execute0_lowered;
	s3 =	sadd.s32 s3, s5;
	[dreg:$0x0] =	wrdreg $0x0  }
0xa8: {  	s5 =	sshll.u32 s28, $0x1;
	[dreg:$0x2] =	wrdreg s3  }
0xa9: {  	[dreg:$0x3] =	wrdreg s5  }
0xaa: {  	[dreg:$0x4] =	wrdreg $0xC0  }
0xab: {  	_ =	task [dreg:s7], $0x5FFFF  }
0xac: {  	[dreg:$0x1] =	wrdreg $0xFFFFFFFF  }
0xad: {  	[dreg:$0x0] =	wrdreg $0x60  }
0xae: {  	[dreg:$0x2] =	wrdreg s24  }
0xaf: {  	[dreg:$0x3] =	wrdreg s2  }
0xb0: {  	[dreg:$0x4] =	wrdreg $0x0  }
0xb1: {  	[dreg:$0x5] =	wrdreg $0x9  }
0xb2: {  	_ =	task.clear_ibuf [dreg:s7], $0x6FFFF;
	_ =	strace $0x90000046  }
0xb3: {  	s29 =	simm.s32 $0x9;
	_ =	strace $0x80000048  }
0xb4: {  	_ =	swait.ge [sflag:s29], $0x1  }
0xb5: {  	[sflag:s29] =	ssyncadd.s32 $0xFFFFFFFF  }
0xb6: {  	_ =	strace $0x90000048  }
0xb7: {  	_ =	sfence  }
0xb8: {  	s30 =	sld [smem:$0x0];
	_ =	sdelay $0x2  }
0xb9: {  	s31 =	sshll.u32 s1, $0xD;
	s1 =	sshrl.u32 s1, $0x2  }
0xba: {  	s3 =	sand.u32 $0x4000, s31;
	s1 =	sadd.s32 s1, s30  }
0xbb: {  	s0 =	sor.u32 s3, s0;
	s1 =	sshll.u32 s1, $0x11  }
0xbc: {  	s0 =	sor.u32 s1, s0  }
0xbd: {  	s0 =	sadd.s32 $0x8F2B, s0  }
0xbe: {  	[sflag:s0] =	ssyncadd.remote.s32 $0x1  }
0xbf: {  	_ =	sfence.sel $0xFFFF  }
0xc0: {  	[dreg:$0x0] =	wrdreg $0xFFFFFFFF;
	(pc) =	sbr.abs _section_cstart, $3  }
0xc1: {  	[dreg:$0x1] =	wrdreg $0xFFFFFFFF  }
0xc2: {  	_ =	task.clear_ibuf [dreg:s7], $0x2FFFF;
	_ =	strace $0x9FFFFFFF  }
0xc3: {  	(tm) =	ssettm $0x7FFFFFFF  }
tec
execute0_lowered:
.L_overlay_start_1:
0x0: {  	(tag) =	ssettag $0x1  }
0x1: {  	s5 =	rddreg [dreg:$0x0]  }
0x2: {  	s0 =	srdreg.scid;
	s6 =	rddreg [dreg:$0x1]  }
0x3: {  	s2 =	rddreg [dreg:$0x2];
	s3 =	simm.s32 $0x0;
	s12 =	simm.s32 $0x2A00  }
0x4: {  	s13 =	simm.s32 $0x80;
	s14 =	simm.s32 $0x400;
	s15 =	simm.s32 $0x280  }
0x5: {  	s16 =	simm.s32 $0x10;
	s17 =	simm.s32 $0x2980;
	s18 =	simm.s32 $0x1  }
0x6: {  	s19 =	simm.s32 $0x20;
	s20 =	simm.s32 $0x0;
	s4 =	sand.u32 $0x1, s0  }
0x7: {  	s0 =	stileid.u32;
	[smem:$0x7FF] =	sst s3;
	s1 =	sshll.u32 s4, $0x4  }
0x8: {  	s26 =	sshll.u32 s0, $0x7;
	s28 =	smul.u32 $0x500, s0;
	s9 =	sshll.u32 s4, $0x7  }
0x9: {  	s29 =	ssub.s32 $0x2, s4;
	s10 =	smul.u32 $0x280, s0;
	s1 =	sor.u32 s0, s1  }
0xa: {  	s4 =	sadd.s32 $0x16600, s5;
	s31 =	sshll.u32 s0, $0x6;
	s1 =	sshrl.u32 s1, $0x3  }
0xb: {  	s8 =	sand.u32 $0x380, s26;
	s11 =	sshrl.u32 s29, $0x1;
	s7 =	smul.u32 $0x13C00, s1  }
0xc: {  	s30 =	sshrl.u32 s10, $0x3;
	s10 =	sadd.s32 s10, s2;
	s1 =	rddreg [dreg:$0x3]  }
0xd: {  	_ =	strace $0x80000047;
	s10 =	sshrl.u32 s10, $0x3;
	s7 =	sor.u32 s8, s7  }
0xe: {  	s8 =	sor.u32 s9, s28;
	s9 =	ssub.s32 s29, s11;
	s11 =	simm.s32 $0x2  }
0xf: {  	s7 =	sshrl.u32 s7, $0x3;
	s8 =	sshrl.u32 s8, $0x3;
	s9 =	smax.u32 s9, $0x1  }
0x10: {  	s7 =	sadd.s32 s7, s5;
	s8 =	sadd.s32 s8, s5;
	s5 =	sadd.s32 s6, s30  }
0x11: {  	s6 =	sor.u32 $0x1C02, s31;
	s7 =	sadd.s32 $0x2A00, s7;
	s8 =	sadd.s32 $0x16800, s8  }
.LBB2_1:
0x12: {  	[spmem:s10], [sflag:s6] =	dma.local [hbm:s5], $0x50  }
0x13: {  	_ =	swait.ge [sflag:s11], $0x50  }
0x14: {  	[sflag:s11] =	ssyncset.done $0x0  }
0x15: {  	[sflag:s11] =	ssyncadd.s32 $0xFFFFFFB0  }
0x16: {  	[tilespmem:s12], [sflag:$0x2] =	stream.linear.gather [hbm4b:s4+s3], $0x80, $0x38;
	[tilespmem:$0x2A80] =	vst v63  }
0x17: {  	_ =	swait.ge [sflag:s11], $0x80  }
0x18: {  	[sflag:s11] =	ssyncset.done $0x0  }
0x19: {  	[sflag:s11] =	ssyncadd.s32 $0xFFFFFF80  }
0x1a: {  	[tilespmem:s15], [sflag:$0x2] =	stream.strided.gather [hbm4b:s7+s13], $0x2780, s14, s13, $0x38;
	[tilespmem:$0x2A80] =	vst v63  }
0x1b: {  	_ =	swait.ge [sflag:s11], $0x2780  }
0x1c: {  	[sflag:s11] =	ssyncset.done $0x0  }
0x1d: {  	[sflag:s11] =	ssyncadd.s32 $0xFFFFD880  }
0x1e: {  	s21 =	simm.s32 $0x200;
	s22 =	simm.s32 $0x280;
	[bflag:$0x0] =	sbarrier.arrive $0xFFFF  }
.LBB2_2:
0x1f: {  	[spmem:s2] =	stream.indirect.scatter.add.f32 [tilespmem:s12], [sflag:$0x1], $0x1, s22, s13, $0xb8;
	[tilespmem:$0x2A80] =	vst v63  }
0x20: {  	s22 =	smov.u32 s21;
	p0 =	sne.s32 s21, $0x9A00  }
.Ltmp0:
0x21: {  	s21 =	sadd.s32 $0x200, s21;
	(pc) =	sbr.rel @p0 .LBB2_2-.Ltmp0, $3  }
0x22: {  	_ =	sdelay $0x1  }
0x23: {  	s22 =	sshra.s32 s22, $0x2  }
0x24: {  	s22 =	sadd.s32 $0x280, s22  }
0x25: {  	[spmem:s2] =	stream.indirect.scatter.add.f32 [tilespmem:s12], [sflag:$0x1], $0x1, s22, s13, $0xb8;
	[tilespmem:$0x2A80] =	vst v63  }
0x26: {  	_ = 	snop  }
0x27: {  	[spmem:s2] =	stream.indirect.scatter.add.f32 [tilespmem:s12], [sflag:$0x1], $0x1, s17, s16, $0xb8;
	[tilespmem:$0x2A80] =	vst v63  }
0x28: {  	_ =	swait.ge [sflag:s18], $0x80  }
0x29: {  	s21 =	simm.s32 $0x4D;
	[sflag:s18] =	ssyncset.done $0x0  }
.LBB2_4:
0x2a: {  	p0 =	sne.s32 s21, $0x1;
	s21 =	sadd.s32 $0xFFFFFFFF, s21;
	[sflag:s18] =	ssyncadd.s32 $0xFFFFFF80  }
.Ltmp1:
0x2b: {  	(pc) =	sbr.rel @p0 .LBB2_4-.Ltmp1, $3  }
0x2c: {  	_ =	sdelay $0x1  }
0x2d: {  	_ =	swait.ge [sflag:s18], $0x80  }
0x2e: {  	[sflag:s18] =	ssyncset.done $0x0  }
0x2f: {  	[sflag:s18] =	ssyncadd.s32 $0xFFFFFF80  }
0x30: {  	_ =	swait.ge [sflag:s18], $0x10  }
0x31: {  	s20 =	sadd.s32 $0x1, s20;
	[sflag:s18] =	ssyncset.done $0x0  }
0x32: {  	p0 =	sne.s32 s20, s9;
	[sflag:s18] =	ssyncadd.s32 $0xFFFFFFF0  }
.Ltmp2:
0x33: {  	[bflag:$0x0] =	sbarrier.arrive $0xFFFF;
	(pc) =	sbr.rel @p0 .LBB2_1-.Ltmp2, $4  }
0x34: {  	[hbm:s8@s19], [sflag:s6] =	dma.strided [spmem:s10@s16], $0x50, s18, $0x10   }
0x35: {  	_ =	swait.ge [sflag:s11], $0x50  }
0x36: {  	[sflag:s11] =	ssyncset.done $0x0  }
0x37: {  	[sflag:s11] =	ssyncadd.s32 $0xFFFFFFB0  }
0x38: {  	_ =	sfence.sel $0x180000  }
0x39: {  	[bflag:$0x0] =	sbarrier.arrive $0xFFFF  }
0x3a: {  	p0 =	sne.s32 s0, $0x0;
	_ =	strace $0x90000047  }
0x3b: {  	s0 =	sadd.s32 @!p0 $0x100000, s1;
	[bflag:$0x2] =	sbarrier.arrive $0xFFFF  }
0x3c: {  	[sflag:s0] =	ssyncadd.tile.s32 @!p0 $0x1;
	_ =	shalt  }
.Lfunc_end2:
_tile_overlayer_lowered:
.L_overlay_start_2:
0x3d: {  	(tag) =	ssettag $0x2  }
0x3e: {  	s0 =	rddreg [dreg:$0x0];
	s2 =	stileid.u32  }
0x3f: {  	s1 =	rddreg [dreg:$0x1];
	p0 =	sne.s32 s2, $0x0  }
0x40: {  	s3 =	rddreg [dreg:$0x2];
	[bflag:$0x3] =	sbarrier.arrive $0xFFFF;
	s2 =	simm.s32 @!p0 $0x1C02  }
0x41: {  	[timem:s3], [sflag:s2] =	dma.local @!p0 [hbm:s0], s1  }
0x42: {  	s0 =	simm.s32 @!p0 $0x2  }
0x43: {  	_ =	swait.ge @!p0 [sflag:s0], s1  }
0x44: {  	s1 =	ssub.s32 @!p0 $0x0, s1;
	[sflag:s0] =	ssyncset.done @!p0 $0x0  }
0x45: {  	[sflag:s0] =	ssyncadd.s32 @!p0 s1  }
0x46: {  	[bflag:$0x3] =	sbarrier.arrive $0xFFFF  }
0x47: {  	_ =	shalt  }

</sc_bundles>
